<compile_context>
chip_gen: v7x
topology: tpu7x:2x2x1
jax: 0.10.2.dev20260603
libtpu: 0.0.44.dev20260713+nightly
codegen_flags: <defaults>
</compile_context>

<pallas_src>
import functools

import jax
import jax.numpy as jnp
from jax import lax
from jax.experimental import pallas as pl
from jax.experimental.pallas import tpu as pltpu
from jax.experimental.pallas import tpu_sc as plsc

N_NODES = 10000
NFEAT = 128
BN_EPS = 1e-5

NC = 2
NS = 16
NW = NC * NS
G = 128
ACC = 10240
ROWS_PER_TILE = ACC // NS


def _make_sc_agg(t0, t1, with_cnt, width=NFEAT):
    NBUF = 2
    CH = 32
    t_max = max(t0, t1)
    mesh = plsc.VectorSubcoreMesh(core_axis_name="c", subcore_axis_name="s")
    out_type = [jax.ShapeDtypeStruct((NC, ACC, width), jnp.float32)]
    scratch = [
        pltpu.VMEM((CH, G), jnp.int32),
        pltpu.VMEM((CH, G), jnp.int32),
        pltpu.VMEM((NBUF, G, width), jnp.float32),
        pltpu.VMEM_SHARED((ACC, width), jnp.float32),
        [pltpu.SemaphoreType.DMA] * NBUF,
    ]
    if with_cnt:
        out_type.append(jax.ShapeDtypeStruct((NC, ACC), jnp.float32))
        scratch.append(pltpu.VMEM((G,), jnp.float32))
        scratch.append(pltpu.VMEM_SHARED((ACC,), jnp.float32))

    @functools.partial(pl.kernel, mesh=mesh, out_type=out_type,
                       scratch_types=scratch)
    def sc_agg(x_hbm, src_hbm, dst_hbm, zeros2d, zeros1d, acc_out, *rest):
        if with_cnt:
            cnt_out, src_v, dst_v, rows_v, acc_sh, sems, ones_v, cnt_sh = rest
        else:
            src_v, dst_v, rows_v, acc_sh, sems = rest
        c = lax.axis_index("c")
        s = lax.axis_index("s")
        wid = c * NS + s
        base = s * ROWS_PER_TILE
        pltpu.sync_copy(zeros2d.at[pl.ds(base, ROWS_PER_TILE)],
                        acc_sh.at[pl.ds(base, ROWS_PER_TILE)])
        if with_cnt:
            pltpu.sync_copy(zeros1d.at[pl.ds(base, ROWS_PER_TILE)],
                            cnt_sh.at[pl.ds(base, ROWS_PER_TILE)])
            for i in range(G // 16):
                ones_v[pl.ds(i * 16, 16)] = jnp.full((16,), 1.0, jnp.float32)
        plsc.subcore_barrier()
        t_my = jnp.where(c == 0, t0, t1)

        def step(j, b, refire):
            pltpu.make_async_copy(x_hbm.at[src_v.at[j]],
                                  rows_v.at[b], sems[b]).wait()
            pltpu.sync_copy(rows_v.at[b], acc_sh.at[dst_v.at[j]],
                            add=True)
            if with_cnt:
                pltpu.sync_copy(ones_v, cnt_sh.at[dst_v.at[j]], add=True)
            if refire:
                pltpu.async_copy(x_hbm.at[src_v.at[j + NBUF]],
                                 rows_v.at[b], sems[b])

        def win_body(h, carry):
            pltpu.sync_copy(src_hbm.at[wid, pl.ds(h * CH, CH)], src_v)
            pltpu.sync_copy(dst_hbm.at[wid, pl.ds(h * CH, CH)], dst_v)
            for b in range(NBUF):
                pltpu.async_copy(x_hbm.at[src_v.at[b]], rows_v.at[b], sems[b])

            def body(i, carry2):
                for b in range(NBUF):
                    step(i * NBUF + b, b, True)
                return carry2

            lax.fori_loop(0, CH // NBUF - 1, body, 0)
            for b in range(NBUF):
                step(CH - NBUF + b, b, False)
            return carry

        lax.fori_loop(0, t_my // CH, win_body, 0)
        plsc.subcore_barrier()
        pltpu.sync_copy(acc_sh.at[pl.ds(base, ROWS_PER_TILE)],
                        acc_out.at[c, pl.ds(base, ROWS_PER_TILE)])
        if with_cnt:
            pltpu.sync_copy(cnt_sh.at[pl.ds(base, ROWS_PER_TILE)],
                            cnt_out.at[c, pl.ds(base, ROWS_PER_TILE)])

    return sc_agg


def _make_tc_dense(with_post):
    BLK = 1000
    grid = N_NODES // BLK

    def body(part_ref, cnt_ref, x_ref, wl_ref, bl_ref, wr_ref,
             g_ref, b_ref, m_ref, v_ref, out_ref):
        agg = part_ref[0] + part_ref[1]
        cnt = cnt_ref[0] + cnt_ref[1]
        agg = agg / jnp.maximum(cnt, 1.0)
        out = (jnp.dot(agg, wl_ref[...], preferred_element_type=jnp.float32)
               + bl_ref[0][None, :]
               + jnp.dot(x_ref[...], wr_ref[...],
                         preferred_element_type=jnp.float32))
        nrm = jnp.sqrt(jnp.sum(out * out, axis=1, keepdims=True))
        out = out / jnp.maximum(nrm, 1e-12)
        if with_post:
            out = jnp.maximum(out, 0.0)
            scale = g_ref[0][None, :] / jnp.sqrt(v_ref[0][None, :] + BN_EPS)
            out = (out - m_ref[0][None, :]) * scale + b_ref[0][None, :]
        out_ref[...] = out

    vec = pl.BlockSpec((1, NFEAT), lambda i: (0, 0))
    mat = pl.BlockSpec((NFEAT, NFEAT), lambda i: (0, 0))
    return pl.pallas_call(
        body,
        grid=(grid,),
        in_specs=[
            pl.BlockSpec((NC, BLK, NFEAT), lambda i: (0, i, 0)),
            pl.BlockSpec((NC, BLK, 1), lambda i: (0, i, 0)),
            pl.BlockSpec((BLK, NFEAT), lambda i: (i, 0)),
            mat, vec, mat, vec, vec, vec, vec,
        ],
        out_specs=pl.BlockSpec((BLK, NFEAT), lambda i: (i, 0)),
        out_shape=jax.ShapeDtypeStruct((N_NODES, NFEAT), jnp.float32),
    )


def kernel(x, edge_index, W1_l, b1_l, W1_r, bn_gamma, bn_beta, bn_mean,
           bn_var, W2_l, b2_l, W2_r):
    n_edges = edge_index.shape[1]
    e_pad = ((n_edges + 4 * NW * G - 1) // (4 * NW * G)) * (4 * NW * G)
    n_chunks = e_pad // (NW * G)
    pad = e_pad - n_edges
    src = edge_index[0].astype(jnp.int32)
    dst = edge_index[1].astype(jnp.int32)
    if pad:
        src = jnp.concatenate([src, jnp.zeros((pad,), jnp.int32)])
        dst = jnp.concatenate(
            [dst, N_NODES + (jnp.arange(pad, dtype=jnp.int32) % (ACC - N_NODES))])

    T0 = (2 * n_chunks * 4) // 5 // 32 * 32
    T1 = 2 * n_chunks - T0
    E0 = NS * T0 * G

    def arrange(a):
        f = a[:E0].reshape(NS, T0, G)
        s = a[E0:].reshape(NS, T1, G)
        s = jnp.pad(s, ((0, 0), (0, T0 - T1), (0, 0)))
        return jnp.concatenate([f, s], axis=0)

    src = arrange(src)
    dst = arrange(dst)
    zeros2d = jnp.zeros((ACC, NFEAT), jnp.float32)
    zeros1d = jnp.zeros((ACC,), jnp.float32)

    sc_agg1 = _make_sc_agg(T0, T1, with_cnt=True)
    sc_agg2 = _make_sc_agg(T0, T1, with_cnt=False)
    tc1 = _make_tc_dense(with_post=True)
    tc2 = _make_tc_dense(with_post=False)

    vec = lambda a: a.reshape(1, NFEAT)
    part1, cnt = sc_agg1(x, src, dst, zeros2d, zeros1d)
    cnt3 = cnt.reshape(NC, ACC, 1)
    h = tc1(part1, cnt3, x, W1_l, vec(b1_l), W1_r,
            vec(bn_gamma), vec(bn_beta), vec(bn_mean), vec(bn_var))
    part2 = sc_agg2(h, src, dst, zeros2d, zeros1d)
    if isinstance(part2, (list, tuple)):
        part2 = part2[0]
    out = tc2(part2, cnt3, h, W2_l, vec(b2_l), W2_r,
              vec(bn_gamma), vec(bn_beta), vec(bn_mean), vec(bn_var))
    return out

# --- scband reference (transcript-rebuilt; emitter-appended) ---
"""Pipeline reference for scband-fair-phm-36120674959487 (READ-ONLY COPY).

The authoritative reference and input builder live on the scoring server;
editing this copy changes nothing except your own understanding.
"""

import jax, jax.numpy as jnp
import numpy as np

N_NODES = 10000
N_EDGES = 320000
NFEAT = 128
NHID = 128
BN_EPS = 1e-5


def _xavier(key, shape):
    fan_in, fan_out = shape[0], shape[1]
    a = jnp.sqrt(6.0 / (fan_in + fan_out))
    return jax.random.uniform(key, shape, minval=-a, maxval=a, dtype=jnp.float32)


def setup_inputs(seed: int = 0) -> dict:
    key = jax.random.key(seed)
    ks = jax.random.split(key, 10)
    x = jax.random.normal(ks[0], (N_NODES, NFEAT), dtype=jnp.float32)
    edge_index = jax.random.randint(ks[1], (2, N_EDGES), 0, N_NODES, dtype=jnp.int64 if jax.config.jax_enable_x64 else jnp.int32)
    # SAGEConv 1: lin_l (with bias) applied to aggregated neighbors, lin_r (no bias) to root
    W1_l = _xavier(ks[2], (NFEAT, NHID))
    b1_l = jnp.zeros((NHID,), dtype=jnp.float32)
    W1_r = _xavier(ks[3], (NFEAT, NHID))
    # BatchNorm1d (eval mode: running stats mean=0, var=1)
    bn_gamma = jnp.ones((NHID,), dtype=jnp.float32)
    bn_beta = jnp.zeros((NHID,), dtype=jnp.float32)
    bn_mean = jnp.zeros((NHID,), dtype=jnp.float32)
    bn_var = jnp.ones((NHID,), dtype=jnp.float32)
    # SAGEConv 2
    W2_l = _xavier(ks[4], (NHID, NHID))
    b2_l = jnp.zeros((NHID,), dtype=jnp.float32)
    W2_r = _xavier(ks[5], (NHID, NHID))
    return {
        "x": x, "edge_index": edge_index,
        "W1_l": W1_l, "b1_l": b1_l, "W1_r": W1_r,
        "bn_gamma": bn_gamma, "bn_beta": bn_beta, "bn_mean": bn_mean, "bn_var": bn_var,
        "W2_l": W2_l, "b2_l": b2_l, "W2_r": W2_r,
    }


def _sage_conv(x, edge_index, W_l, b_l, W_r):
    # PyG SAGEConv with aggr='mean', normalize=True
    src = edge_index[0]
    dst = edge_index[1]
    msg = jnp.take(x, src, axis=0)                      # gather source node features
    agg = jax.ops.segment_sum(msg, dst, num_segments=N_NODES)   # scatter-add by dst
    cnt = jax.ops.segment_sum(jnp.ones((msg.shape[0],), dtype=x.dtype), dst, num_segments=N_NODES)
    agg = agg / jnp.clip(cnt, 1.0)[:, None]             # mean aggregation
    out = agg @ W_l + b_l + x @ W_r
    # F.normalize(out, p=2, dim=-1)
    norm = jnp.maximum(jnp.linalg.norm(out, axis=-1, keepdims=True), 1e-12)
    return out / norm


def reference(x, edge_index, W1_l, b1_l, W1_r, bn_gamma, bn_beta, bn_mean, bn_var, W2_l, b2_l, W2_r):
    # SAGE.forward (eval mode: BatchNorm uses running stats, Dropout is identity)
    h = _sage_conv(x, edge_index, W1_l, b1_l, W1_r)
    # transition: ReLU -> BatchNorm1d(eval) -> Dropout(identity)
    h = jax.nn.relu(h)
    h = (h - bn_mean) / jnp.sqrt(bn_var + BN_EPS) * bn_gamma + bn_beta
    h = _sage_conv(h, edge_index, W2_l, b2_l, W2_r)
    return h

if __name__ == "__main__":
    import jax
    _d = setup_inputs()
    print(jax.jit(kernel)(*tuple(_d.values())))

</pallas_src>

<mosaic_0001>
#map = affine_map<(d0, d1) -> (0, 0)>
#map1 = affine_map<(d0, d1) -> (0, 0, 0)>
#map2 = affine_map<(d0, d1) -> (0)>
module attributes {stable_mosaic.version = 14 : i64} {
  func.func @sc_agg(%arg0: i32, %arg1: i32, %arg2: memref<10000x128xf32, #tpu.memory_space<hbm>>, %arg3: memref<32x128x128xi32, #tpu.memory_space<hbm>>, %arg4: memref<32x128x128xi32, #tpu.memory_space<hbm>>, %arg5: memref<10240x128xf32, #tpu.memory_space<hbm>>, %arg6: memref<10240xf32, #tpu.memory_space<hbm>>, %arg7: memref<2x10240x128xf32, #tpu.memory_space<hbm>>, %arg8: memref<2x10240xf32, #tpu.memory_space<hbm>>, %arg9: memref<32x128xi32, #tpu.memory_space<vmem>>, %arg10: memref<32x128xi32, #tpu.memory_space<vmem>>, %arg11: memref<2x128x128xf32, #tpu.memory_space<vmem>>, %arg12: memref<10240x128xf32, #tpu.memory_space<vmem_shared>>, %arg13: memref<!tpu.dma_semaphore, #tpu.memory_space<semaphore_mem>>, %arg14: memref<!tpu.dma_semaphore, #tpu.memory_space<semaphore_mem>>, %arg15: memref<128xf32, #tpu.memory_space<vmem>>, %arg16: memref<10240xf32, #tpu.memory_space<vmem_shared>>) attributes {dimension_semantics = [#tpu.dimension_semantics<core_parallel>, #tpu.dimension_semantics<subcore_parallel>], iteration_bounds = array<i64: 2, 16>, scalar_prefetch = 0 : i64, scratch_operands = 8 : i64, tpu.core_type = #tpu.core_type<sc_vector_subcore>, window_params = [{transform_indices = #map}, {transform_indices = #map1}, {transform_indices = #map1}, {transform_indices = #map}, {transform_indices = #map2}, {transform_indices = #map1}, {transform_indices = #map}]} {
    %mul3A = arith.constant 16 : i32
    %mul3A_0 = arith.muli %arg0, %mul3A : i32
    %add3A = arith.addi %mul3A_0, %arg1 : i32
    %mul3A_1 = arith.constant 640 : i32
    %mul3A_2 = arith.muli %arg1, %mul3A_1 : i32
    "tpu.region"() ({
      %run_scoped3A = tpu.sem_alloc : memref<!tpu.dma_semaphore, #tpu.memory_space<semaphore_mem>>
      %dma_start3A = arith.constant 0 : i32
      %dma_start3A_79 = tpu.memref_slice %arg12[%mul3A_2, %dma_start3A] : memref<10240x128xf32, #tpu.memory_space<vmem_shared>> -> memref<640x128xf32, #tpu.memory_space<vmem_shared>>
      %dma_start3A_80 = arith.constant 0 : i32
      %dma_start3A_81 = tpu.memref_slice %arg5[%mul3A_2, %dma_start3A_80] : memref<10240x128xf32, #tpu.memory_space<hbm>> -> memref<640x128xf32, #tpu.memory_space<hbm>>
      tpu.enqueue_dma source(%dma_start3A_81 : memref<640x128xf32, #tpu.memory_space<hbm>>) target(%dma_start3A_79 : memref<640x128xf32, #tpu.memory_space<vmem_shared>>) target_semaphore(%run_scoped3A : memref<!tpu.dma_semaphore, #tpu.memory_space<semaphore_mem>>)
      %dma_wait3A = arith.constant 0 : i32
      %dma_wait3A_82 = tpu.memref_slice %arg12[%mul3A_2, %dma_wait3A] : memref<10240x128xf32, #tpu.memory_space<vmem_shared>> -> memref<640x128xf32, #tpu.memory_space<vmem_shared>>
      %dma_wait3A_83 = arith.constant 0 : i32
      %dma_wait3A_84 = tpu.memref_slice %arg5[%mul3A_2, %dma_wait3A_83] : memref<10240x128xf32, #tpu.memory_space<hbm>> -> memref<640x128xf32, #tpu.memory_space<hbm>>
      tpu.wait_dma2 semaphore(%run_scoped3A : memref<!tpu.dma_semaphore, #tpu.memory_space<semaphore_mem>>) src(%dma_wait3A_84 : memref<640x128xf32, #tpu.memory_space<hbm>>) dst(%dma_wait3A_82 : memref<640x128xf32, #tpu.memory_space<vmem_shared>>)
      tpu.yield
    }) : () -> ()
    "tpu.region"() ({
      %run_scoped3A = tpu.sem_alloc : memref<!tpu.dma_semaphore, #tpu.memory_space<semaphore_mem>>
      %dma_start3A = tpu.memref_slice %arg16[%mul3A_2] : memref<10240xf32, #tpu.memory_space<vmem_shared>> -> memref<640xf32, #tpu.memory_space<vmem_shared>>
      %dma_start3A_79 = tpu.memref_slice %arg6[%mul3A_2] : memref<10240xf32, #tpu.memory_space<hbm>> -> memref<640xf32, #tpu.memory_space<hbm>>
      tpu.enqueue_dma source(%dma_start3A_79 : memref<640xf32, #tpu.memory_space<hbm>>) target(%dma_start3A : memref<640xf32, #tpu.memory_space<vmem_shared>>) target_semaphore(%run_scoped3A : memref<!tpu.dma_semaphore, #tpu.memory_space<semaphore_mem>>)
      %dma_wait3A = tpu.memref_slice %arg16[%mul3A_2] : memref<10240xf32, #tpu.memory_space<vmem_shared>> -> memref<640xf32, #tpu.memory_space<vmem_shared>>
      %dma_wait3A_80 = tpu.memref_slice %arg6[%mul3A_2] : memref<10240xf32, #tpu.memory_space<hbm>> -> memref<640xf32, #tpu.memory_space<hbm>>
      tpu.wait_dma2 semaphore(%run_scoped3A : memref<!tpu.dma_semaphore, #tpu.memory_space<semaphore_mem>>) src(%dma_wait3A_80 : memref<640xf32, #tpu.memory_space<hbm>>) dst(%dma_wait3A : memref<640xf32, #tpu.memory_space<vmem_shared>>)
      tpu.yield
    }) : () -> ()
    %broadcast_in_dim3A = arith.constant 1.000000e+00 : f32
    %broadcast_in_dim3A_3 = vector.broadcast %broadcast_in_dim3A : f32 to vector<16xf32>
    %swap3A = arith.constant 0 : index
    %swap3A_4 = tpu.vector_load %arg15[%swap3A] {strides = array<i32>} : memref<128xf32, #tpu.memory_space<vmem>>, vector<16xf32>,
    %swap3A_5 = vector.shape_cast %swap3A_4 : vector<16xf32> to vector<16xf32>
    %swap3A_6 = vector.shape_cast %broadcast_in_dim3A_3 : vector<16xf32> to vector<16xf32>
    tpu.vector_store %arg15[%swap3A], %swap3A_6 {strides = array<i32>} : memref<128xf32, #tpu.memory_space<vmem>>, vector<16xf32>,
    %broadcast_in_dim3A_7 = arith.constant 1.000000e+00 : f32
    %broadcast_in_dim3A_8 = vector.broadcast %broadcast_in_dim3A_7 : f32 to vector<16xf32>
    %swap3A_9 = arith.constant 16 : index
    %swap3A_10 = tpu.vector_load %arg15[%swap3A_9] {strides = array<i32>} : memref<128xf32, #tpu.memory_space<vmem>>, vector<16xf32>,
    %swap3A_11 = vector.shape_cast %swap3A_10 : vector<16xf32> to vector<16xf32>
    %swap3A_12 = vector.shape_cast %broadcast_in_dim3A_8 : vector<16xf32> to vector<16xf32>
    tpu.vector_store %arg15[%swap3A_9], %swap3A_12 {strides = array<i32>} : memref<128xf32, #tpu.memory_space<vmem>>, vector<16xf32>,
    %broadcast_in_dim3A_13 = arith.constant 1.000000e+00 : f32
    %broadcast_in_dim3A_14 = vector.broadcast %broadcast_in_dim3A_13 : f32 to vector<16xf32>
    %swap3A_15 = arith.constant 32 : index
    %swap3A_16 = tpu.vector_load %arg15[%swap3A_15] {strides = array<i32>} : memref<128xf32, #tpu.memory_space<vmem>>, vector<16xf32>,
    %swap3A_17 = vector.shape_cast %swap3A_16 : vector<16xf32> to vector<16xf32>
    %swap3A_18 = vector.shape_cast %broadcast_in_dim3A_14 : vector<16xf32> to vector<16xf32>
    tpu.vector_store %arg15[%swap3A_15], %swap3A_18 {strides = array<i32>} : memref<128xf32, #tpu.memory_space<vmem>>, vector<16xf32>,
    %broadcast_in_dim3A_19 = arith.constant 1.000000e+00 : f32
    %broadcast_in_dim3A_20 = vector.broadcast %broadcast_in_dim3A_19 : f32 to vector<16xf32>
    %swap3A_21 = arith.constant 48 : index
    %swap3A_22 = tpu.vector_load %arg15[%swap3A_21] {strides = array<i32>} : memref<128xf32, #tpu.memory_space<vmem>>, vector<16xf32>,
    %swap3A_23 = vector.shape_cast %swap3A_22 : vector<16xf32> to vector<16xf32>
    %swap3A_24 = vector.shape_cast %broadcast_in_dim3A_20 : vector<16xf32> to vector<16xf32>
    tpu.vector_store %arg15[%swap3A_21], %swap3A_24 {strides = array<i32>} : memref<128xf32, #tpu.memory_space<vmem>>, vector<16xf32>,
    %broadcast_in_dim3A_25 = arith.constant 1.000000e+00 : f32
    %broadcast_in_dim3A_26 = vector.broadcast %broadcast_in_dim3A_25 : f32 to vector<16xf32>
    %swap3A_27 = arith.constant 64 : index
    %swap3A_28 = tpu.vector_load %arg15[%swap3A_27] {strides = array<i32>} : memref<128xf32, #tpu.memory_space<vmem>>, vector<16xf32>,
    %swap3A_29 = vector.shape_cast %swap3A_28 : vector<16xf32> to vector<16xf32>
    %swap3A_30 = vector.shape_cast %broadcast_in_dim3A_26 : vector<16xf32> to vector<16xf32>
    tpu.vector_store %arg15[%swap3A_27], %swap3A_30 {strides = array<i32>} : memref<128xf32, #tpu.memory_space<vmem>>, vector<16xf32>,
    %broadcast_in_dim3A_31 = arith.constant 1.000000e+00 : f32
    %broadcast_in_dim3A_32 = vector.broadcast %broadcast_in_dim3A_31 : f32 to vector<16xf32>
    %swap3A_33 = arith.constant 80 : index
    %swap3A_34 = tpu.vector_load %arg15[%swap3A_33] {strides = array<i32>} : memref<128xf32, #tpu.memory_space<vmem>>, vector<16xf32>,
    %swap3A_35 = vector.shape_cast %swap3A_34 : vector<16xf32> to vector<16xf32>
    %swap3A_36 = vector.shape_cast %broadcast_in_dim3A_32 : vector<16xf32> to vector<16xf32>
    tpu.vector_store %arg15[%swap3A_33], %swap3A_36 {strides = array<i32>} : memref<128xf32, #tpu.memory_space<vmem>>, vector<16xf32>,
    %broadcast_in_dim3A_37 = arith.constant 1.000000e+00 : f32
    %broadcast_in_dim3A_38 = vector.broadcast %broadcast_in_dim3A_37 : f32 to vector<16xf32>
    %swap3A_39 = arith.constant 96 : index
    %swap3A_40 = tpu.vector_load %arg15[%swap3A_39] {strides = array<i32>} : memref<128xf32, #tpu.memory_space<vmem>>, vector<16xf32>,
    %swap3A_41 = vector.shape_cast %swap3A_40 : vector<16xf32> to vector<16xf32>
    %swap3A_42 = vector.shape_cast %broadcast_in_dim3A_38 : vector<16xf32> to vector<16xf32>
    tpu.vector_store %arg15[%swap3A_39], %swap3A_42 {strides = array<i32>} : memref<128xf32, #tpu.memory_space<vmem>>, vector<16xf32>,
    %broadcast_in_dim3A_43 = arith.constant 1.000000e+00 : f32
    %broadcast_in_dim3A_44 = vector.broadcast %broadcast_in_dim3A_43 : f32 to vector<16xf32>
    %swap3A_45 = arith.constant 112 : index
    %swap3A_46 = tpu.vector_load %arg15[%swap3A_45] {strides = array<i32>} : memref<128xf32, #tpu.memory_space<vmem>>, vector<16xf32>,
    %swap3A_47 = vector.shape_cast %swap3A_46 : vector<16xf32> to vector<16xf32>
    %swap3A_48 = vector.shape_cast %broadcast_in_dim3A_44 : vector<16xf32> to vector<16xf32>
    tpu.vector_store %arg15[%swap3A_45], %swap3A_48 {strides = array<i32>} : memref<128xf32, #tpu.memory_space<vmem>>, vector<16xf32>,
    %barrier3A = arith.constant 0 : index
    tpu.barrier barrier_id(%barrier3A)
    %eq3A = arith.constant 0 : i32
    %eq3A_49 = arith.cmpi eq, %arg0, %eq3A : i32
    %jit3A = arith.constant 128 : i32
    %jit3A_50 = arith.constant 32 : i32
    %select_n3A = arith.select %eq3A_49, %jit3A, %jit3A_50 : i32
    %jit3A_51 = arith.constant 32 : i32
    %div3A = arith.divsi %select_n3A, %jit3A_51 : i32
    %sign3A = arith.constant 0 : i32
    %sign3A_52 = arith.cmpi sgt, %select_n3A, %sign3A : i32
    %sign3A_53 = arith.extui %sign3A_52 : i1 to i32
    %sign3A_54 = arith.constant 0 : i32
    %sign3A_55 = arith.cmpi slt, %select_n3A, %sign3A_54 : i32
    %sign3A_56 = arith.extui %sign3A_55 : i1 to i32
    %sign3A_57 = arith.subi %sign3A_53, %sign3A_56 : i32
    %sign3A_58 = arith.constant 0 : i32
    %sign3A_59 = arith.cmpi sgt, %jit3A_51, %sign3A_58 : i32
    %sign3A_60 = arith.extui %sign3A_59 : i1 to i32
    %sign3A_61 = arith.constant 0 : i32
    %sign3A_62 = arith.cmpi slt, %jit3A_51, %sign3A_61 : i32
    %sign3A_63 = arith.extui %sign3A_62 : i1 to i32
    %sign3A_64 = arith.subi %sign3A_60, %sign3A_63 : i32
    %ne3A = arith.cmpi ne, %sign3A_57, %sign3A_64 : i32
    %rem3A = arith.remsi %select_n3A, %jit3A_51 : i32
    %ne3A_65 = arith.constant 0 : i32
    %ne3A_66 = arith.cmpi ne, %rem3A, %ne3A_65 : i32
    %and3A = arith.andi %ne3A, %ne3A_66 : i1
    %sub3A = arith.constant 1 : i32
    %sub3A_67 = arith.subi %div3A, %sub3A : i32
    %select_n3A_68 = arith.select %and3A, %sub3A_67, %div3A : i32
    %while3A = arith.constant 0 : i32
    %while3A_69 = arith.constant 0 : i32
    %while3A_70 = arith.subi %select_n3A_68, %while3A_69 : i32
    %while3A_71 = arith.addi %while3A_69, %while3A_70 : i32
    %while3A_72 = arith.constant 1 : i32
    %while3A_73 = arith.divsi %while3A_70, %while3A_72 : i32
    %while3A_74 = arith.muli %while3A_73, %while3A_72 : i32
    %while3A_75 = arith.addi %while3A_69, %while3A_74 : i32
    %while3A_76 = arith.constant 1 : i32
    scf.for %while3A_79 = %while3A_69 to %while3A_75 step %while3A_76  : i32 {
      %mul3A_80 = arith.constant 32 : i32
      %mul3A_81 = arith.muli %while3A_79, %mul3A_80 : i32
      "tpu.region"() ({
        %run_scoped3A_140 = tpu.sem_alloc : memref<!tpu.dma_semaphore, #tpu.memory_space<semaphore_mem>>
        %dma_start3A_141 = arith.constant 0 : i32
        %dma_start3A_142 = tpu.memref_slice %arg3[%add3A, %mul3A_81, %dma_start3A_141] : memref<32x128x128xi32, #tpu.memory_space<hbm>> -> memref<1x32x128xi32, #tpu.memory_space<hbm>>
        %dma_start3A_143 = tpu.memref_squeeze %dma_start3A_142 : memref<1x32x128xi32, #tpu.memory_space<hbm>> -> memref<32x128xi32, #tpu.memory_space<hbm>>
        %dma_start3A_144 = arith.constant 0 : i32
        %dma_start3A_145 = tpu.memref_slice %arg3[%add3A, %mul3A_81, %dma_start3A_144] : memref<32x128x128xi32, #tpu.memory_space<hbm>> -> memref<1x32x128xi32, #tpu.memory_space<hbm>>
        %dma_start3A_146 = tpu.memref_squeeze %dma_start3A_145 : memref<1x32x128xi32, #tpu.memory_space<hbm>> -> memref<32x128xi32, #tpu.memory_space<hbm>>
        tpu.enqueue_dma source(%dma_start3A_146 : memref<32x128xi32, #tpu.memory_space<hbm>>) target(%arg9 : memref<32x128xi32, #tpu.memory_space<vmem>>) target_semaphore(%run_scoped3A_140 : memref<!tpu.dma_semaphore, #tpu.memory_space<semaphore_mem>>)
        %dma_wait3A_147 = arith.constant 0 : i32
        %dma_wait3A_148 = tpu.memref_slice %arg3[%add3A, %mul3A_81, %dma_wait3A_147] : memref<32x128x128xi32, #tpu.memory_space<hbm>> -> memref<1x32x128xi32, #tpu.memory_space<hbm>>
        %dma_wait3A_149 = tpu.memref_squeeze %dma_wait3A_148 : memref<1x32x128xi32, #tpu.memory_space<hbm>> -> memref<32x128xi32, #tpu.memory_space<hbm>>
        %dma_wait3A_150 = arith.constant 0 : i32
        %dma_wait3A_151 = tpu.memref_slice %arg3[%add3A, %mul3A_81, %dma_wait3A_150] : memref<32x128x128xi32, #tpu.memory_space<hbm>> -> memref<1x32x128xi32, #tpu.memory_space<hbm>>
        %dma_wait3A_152 = tpu.memref_squeeze %dma_wait3A_151 : memref<1x32x128xi32, #tpu.memory_space<hbm>> -> memref<32x128xi32, #tpu.memory_space<hbm>>
        tpu.wait_dma2 semaphore(%run_scoped3A_140 : memref<!tpu.dma_semaphore, #tpu.memory_space<semaphore_mem>>) src(%dma_wait3A_152 : memref<32x128xi32, #tpu.memory_space<hbm>>) dst(%arg9 : memref<32x128xi32, #tpu.memory_space<vmem>>)
        tpu.yield
      }) : () -> ()
      %mul3A_82 = arith.constant 32 : i32
      %mul3A_83 = arith.muli %while3A_79, %mul3A_82 : i32
      "tpu.region"() ({
        %run_scoped3A_140 = tpu.sem_alloc : memref<!tpu.dma_semaphore, #tpu.memory_space<semaphore_mem>>
        %dma_start3A_141 = arith.constant 0 : i32
        %dma_start3A_142 = tpu.memref_slice %arg4[%add3A, %mul3A_83, %dma_start3A_141] : memref<32x128x128xi32, #tpu.memory_space<hbm>> -> memref<1x32x128xi32, #tpu.memory_space<hbm>>
        %dma_start3A_143 = tpu.memref_squeeze %dma_start3A_142 : memref<1x32x128xi32, #tpu.memory_space<hbm>> -> memref<32x128xi32, #tpu.memory_space<hbm>>
        %dma_start3A_144 = arith.constant 0 : i32
        %dma_start3A_145 = tpu.memref_slice %arg4[%add3A, %mul3A_83, %dma_start3A_144] : memref<32x128x128xi32, #tpu.memory_space<hbm>> -> memref<1x32x128xi32, #tpu.memory_space<hbm>>
        %dma_start3A_146 = tpu.memref_squeeze %dma_start3A_145 : memref<1x32x128xi32, #tpu.memory_space<hbm>> -> memref<32x128xi32, #tpu.memory_space<hbm>>
        tpu.enqueue_dma source(%dma_start3A_146 : memref<32x128xi32, #tpu.memory_space<hbm>>) target(%arg10 : memref<32x128xi32, #tpu.memory_space<vmem>>) target_semaphore(%run_scoped3A_140 : memref<!tpu.dma_semaphore, #tpu.memory_space<semaphore_mem>>)
        %dma_wait3A_147 = arith.constant 0 : i32
        %dma_wait3A_148 = tpu.memref_slice %arg4[%add3A, %mul3A_83, %dma_wait3A_147] : memref<32x128x128xi32, #tpu.memory_space<hbm>> -> memref<1x32x128xi32, #tpu.memory_space<hbm>>
        %dma_wait3A_149 = tpu.memref_squeeze %dma_wait3A_148 : memref<1x32x128xi32, #tpu.memory_space<hbm>> -> memref<32x128xi32, #tpu.memory_space<hbm>>
        %dma_wait3A_150 = arith.constant 0 : i32
        %dma_wait3A_151 = tpu.memref_slice %arg4[%add3A, %mul3A_83, %dma_wait3A_150] : memref<32x128x128xi32, #tpu.memory_space<hbm>> -> memref<1x32x128xi32, #tpu.memory_space<hbm>>
        %dma_wait3A_152 = tpu.memref_squeeze %dma_wait3A_151 : memref<1x32x128xi32, #tpu.memory_space<hbm>> -> memref<32x128xi32, #tpu.memory_space<hbm>>
        tpu.wait_dma2 semaphore(%run_scoped3A_140 : memref<!tpu.dma_semaphore, #tpu.memory_space<semaphore_mem>>) src(%dma_wait3A_152 : memref<32x128xi32, #tpu.memory_space<hbm>>) dst(%arg10 : memref<32x128xi32, #tpu.memory_space<vmem>>)
        tpu.yield
      }) : () -> ()
      %dma_start3A = arith.constant 0 : i32
      %dma_start3A_84 = arith.constant 0 : i32
      %dma_start3A_85 = arith.constant 0 : i32
      %dma_start3A_86 = arith.constant 0 : i32
      %dma_start3A_87 = tpu.memref_slice %arg11[%dma_start3A_84, %dma_start3A_85, %dma_start3A_86] : memref<2x128x128xf32, #tpu.memory_space<vmem>> -> memref<1x128x128xf32, #tpu.memory_space<vmem>>
      %dma_start3A_88 = tpu.memref_squeeze %dma_start3A_87 : memref<1x128x128xf32, #tpu.memory_space<vmem>> -> memref<128x128xf32, #tpu.memory_space<vmem>>
      %dma_start3A_89 = arith.constant 0 : i32
      %dma_start3A_90 = tpu.memref_slice %arg9[%dma_start3A, %dma_start3A_89] : memref<32x128xi32, #tpu.memory_space<vmem>> -> memref<1x128xi32, #tpu.memory_space<vmem>>
      %dma_start3A_91 = tpu.memref_squeeze %dma_start3A_90 : memref<1x128xi32, #tpu.memory_space<vmem>> -> memref<128xi32, #tpu.memory_space<vmem>>
      %dma_start3A_92 = arith.constant 0 : i32
      %dma_start3A_93 = arith.constant 0 : i32
      %dma_start3A_94 = tpu.memref_slice %arg2[%dma_start3A_92, %dma_start3A_93] : memref<10000x128xf32, #tpu.memory_space<hbm>> -> memref<10000x128xf32, #tpu.memory_space<hbm>>
      tpu.enqueue_indirect_dma source(%dma_start3A_94 : memref<10000x128xf32, #tpu.memory_space<hbm>>) target(%dma_start3A_88 : memref<128x128xf32, #tpu.memory_space<vmem>>) offsets(%dma_start3A_91 : memref<128xi32, #tpu.memory_space<vmem>>) semaphore(%arg13 : memref<!tpu.dma_semaphore, #tpu.memory_space<semaphore_mem>>)
      %dma_start3A_95 = arith.constant 1 : i32
      %dma_start3A_96 = arith.constant 1 : i32
      %dma_start3A_97 = arith.constant 0 : i32
      %dma_start3A_98 = arith.constant 0 : i32
      %dma_start3A_99 = tpu.memref_slice %arg11[%dma_start3A_96, %dma_start3A_97, %dma_start3A_98] : memref<2x128x128xf32, #tpu.memory_space<vmem>> -> memref<1x128x128xf32, #tpu.memory_space<vmem>>
      %dma_start3A_100 = tpu.memref_squeeze %dma_start3A_99 : memref<1x128x128xf32, #tpu.memory_space<vmem>> -> memref<128x128xf32, #tpu.memory_space<vmem>>
      %dma_start3A_101 = arith.constant 0 : i32
      %dma_start3A_102 = tpu.memref_slice %arg9[%dma_start3A_95, %dma_start3A_101] : memref<32x128xi32, #tpu.memory_space<vmem>> -> memref<1x128xi32, #tpu.memory_space<vmem>>
      %dma_start3A_103 = tpu.memref_squeeze %dma_start3A_102 : memref<1x128xi32, #tpu.memory_space<vmem>> -> memref<128xi32, #tpu.memory_space<vmem>>
      %dma_start3A_104 = arith.constant 0 : i32
      %dma_start3A_105 = arith.constant 0 : i32
      %dma_start3A_106 = tpu.memref_slice %arg2[%dma_start3A_104, %dma_start3A_105] : memref<10000x128xf32, #tpu.memory_space<hbm>> -> memref<10000x128xf32, #tpu.memory_space<hbm>>
      tpu.enqueue_indirect_dma source(%dma_start3A_106 : memref<10000x128xf32, #tpu.memory_space<hbm>>) target(%dma_start3A_100 : memref<128x128xf32, #tpu.memory_space<vmem>>) offsets(%dma_start3A_103 : memref<128xi32, #tpu.memory_space<vmem>>) semaphore(%arg14 : memref<!tpu.dma_semaphore, #tpu.memory_space<semaphore_mem>>)
      %scan3A = arith.constant 0 : i32
      %scan3A_107 = arith.constant 0 : i32
      %scan3A_108 = arith.constant 15 : i32
      %scan3A_109 = arith.addi %scan3A_107, %scan3A_108 : i32
      %scan3A_110 = arith.constant 1 : i32
      scf.for %scan3A_140 = %scan3A_107 to %scan3A_109 step %scan3A_110  : i32 {
        %mul3A_141 = arith.constant 2 : i32
        %mul3A_142 = arith.muli %scan3A_140, %mul3A_141 : i32
        %add3A_143 = arith.constant 0 : i32
        %add3A_144 = arith.addi %mul3A_142, %add3A_143 : i32
        %dma_wait3A_145 = arith.constant 0 : i32
        %dma_wait3A_146 = arith.constant 0 : i32
        %dma_wait3A_147 = arith.constant 0 : i32
        %dma_wait3A_148 = tpu.memref_slice %arg11[%dma_wait3A_145, %dma_wait3A_146, %dma_wait3A_147] : memref<2x128x128xf32, #tpu.memory_space<vmem>> -> memref<1x128x128xf32, #tpu.memory_space<vmem>>
        %dma_wait3A_149 = tpu.memref_squeeze %dma_wait3A_148 : memref<1x128x128xf32, #tpu.memory_space<vmem>> -> memref<128x128xf32, #tpu.memory_space<vmem>>
        %dma_wait3A_150 = arith.constant 0 : i32
        %dma_wait3A_151 = tpu.memref_slice %arg9[%add3A_144, %dma_wait3A_150] : memref<32x128xi32, #tpu.memory_space<vmem>> -> memref<1x128xi32, #tpu.memory_space<vmem>>
        %dma_wait3A_152 = tpu.memref_squeeze %dma_wait3A_151 : memref<1x128xi32, #tpu.memory_space<vmem>> -> memref<128xi32, #tpu.memory_space<vmem>>
        %dma_wait3A_153 = arith.constant 0 : i32
        %dma_wait3A_154 = arith.constant 0 : i32
        %dma_wait3A_155 = tpu.memref_slice %arg2[%dma_wait3A_153, %dma_wait3A_154] : memref<10000x128xf32, #tpu.memory_space<hbm>> -> memref<10000x128xf32, #tpu.memory_space<hbm>>
        tpu.wait_indirect_dma semaphore(%arg13 : memref<!tpu.dma_semaphore, #tpu.memory_space<semaphore_mem>>) src(%dma_wait3A_155 : memref<10000x128xf32, #tpu.memory_space<hbm>>) dst(%dma_wait3A_149 : memref<128x128xf32, #tpu.memory_space<vmem>>)
        %run_scoped3A_156 = arith.constant 0 : i32
        "tpu.region"() ({
          %run_scoped3A_199 = tpu.sem_alloc : memref<!tpu.dma_semaphore, #tpu.memory_space<semaphore_mem>>
          %dma_start3A_200 = arith.constant 0 : i32
          %dma_start3A_201 = arith.constant 0 : i32
          %dma_start3A_202 = tpu.memref_slice %arg11[%run_scoped3A_156, %dma_start3A_200, %dma_start3A_201] : memref<2x128x128xf32, #tpu.memory_space<vmem>> -> memref<1x128x128xf32, #tpu.memory_space<vmem>>
          %dma_start3A_203 = tpu.memref_squeeze %dma_start3A_202 : memref<1x128x128xf32, #tpu.memory_space<vmem>> -> memref<128x128xf32, #tpu.memory_space<vmem>>
          %dma_start3A_204 = arith.constant 0 : i32
          %dma_start3A_205 = tpu.memref_slice %arg10[%add3A_144, %dma_start3A_204] : memref<32x128xi32, #tpu.memory_space<vmem>> -> memref<1x128xi32, #tpu.memory_space<vmem>>
          %dma_start3A_206 = tpu.memref_squeeze %dma_start3A_205 : memref<1x128xi32, #tpu.memory_space<vmem>> -> memref<128xi32, #tpu.memory_space<vmem>>
          %dma_start3A_207 = arith.constant 0 : i32
          %dma_start3A_208 = arith.constant 0 : i32
          %dma_start3A_209 = tpu.memref_slice %arg12[%dma_start3A_207, %dma_start3A_208] : memref<10240x128xf32, #tpu.memory_space<vmem_shared>> -> memref<10240x128xf32, #tpu.memory_space<vmem_shared>>
          tpu.enqueue_indirect_dma source(%dma_start3A_203 : memref<128x128xf32, #tpu.memory_space<vmem>>) target(%dma_start3A_209 : memref<10240x128xf32, #tpu.memory_space<vmem_shared>>) offsets(%dma_start3A_206 : memref<128xi32, #tpu.memory_space<vmem>>) semaphore(%run_scoped3A_199 : memref<!tpu.dma_semaphore, #tpu.memory_space<semaphore_mem>>) {add = true}
          %dma_wait3A_210 = arith.constant 0 : i32
          %dma_wait3A_211 = arith.constant 0 : i32
          %dma_wait3A_212 = tpu.memref_slice %arg11[%run_scoped3A_156, %dma_wait3A_210, %dma_wait3A_211] : memref<2x128x128xf32, #tpu.memory_space<vmem>> -> memref<1x128x128xf32, #tpu.memory_space<vmem>>
          %dma_wait3A_213 = tpu.memref_squeeze %dma_wait3A_212 : memref<1x128x128xf32, #tpu.memory_space<vmem>> -> memref<128x128xf32, #tpu.memory_space<vmem>>
          %dma_wait3A_214 = arith.constant 0 : i32
          %dma_wait3A_215 = tpu.memref_slice %arg10[%add3A_144, %dma_wait3A_214] : memref<32x128xi32, #tpu.memory_space<vmem>> -> memref<1x128xi32, #tpu.memory_space<vmem>>
          %dma_wait3A_216 = tpu.memref_squeeze %dma_wait3A_215 : memref<1x128xi32, #tpu.memory_space<vmem>> -> memref<128xi32, #tpu.memory_space<vmem>>
          %dma_wait3A_217 = arith.constant 0 : i32
          %dma_wait3A_218 = arith.constant 0 : i32
          %dma_wait3A_219 = tpu.memref_slice %arg12[%dma_wait3A_217, %dma_wait3A_218] : memref<10240x128xf32, #tpu.memory_space<vmem_shared>> -> memref<10240x128xf32, #tpu.memory_space<vmem_shared>>
          tpu.wait_indirect_dma semaphore(%run_scoped3A_199 : memref<!tpu.dma_semaphore, #tpu.memory_space<semaphore_mem>>) src(%dma_wait3A_213 : memref<128x128xf32, #tpu.memory_space<vmem>>) dst(%dma_wait3A_219 : memref<10240x128xf32, #tpu.memory_space<vmem_shared>>)
          tpu.yield
        }) : () -> ()
        "tpu.region"() ({
          %run_scoped3A_199 = tpu.sem_alloc : memref<!tpu.dma_semaphore, #tpu.memory_space<semaphore_mem>>
          %dma_start3A_200 = arith.constant 0 : i32
          %dma_start3A_201 = tpu.memref_slice %arg10[%add3A_144, %dma_start3A_200] : memref<32x128xi32, #tpu.memory_space<vmem>> -> memref<1x128xi32, #tpu.memory_space<vmem>>
          %dma_start3A_202 = tpu.memref_squeeze %dma_start3A_201 : memref<1x128xi32, #tpu.memory_space<vmem>> -> memref<128xi32, #tpu.memory_space<vmem>>
          %dma_start3A_203 = arith.constant 0 : i32
          %dma_start3A_204 = tpu.memref_slice %arg16[%dma_start3A_203] : memref<10240xf32, #tpu.memory_space<vmem_shared>> -> memref<10240xf32, #tpu.memory_space<vmem_shared>>
          tpu.enqueue_indirect_dma source(%arg15 : memref<128xf32, #tpu.memory_space<vmem>>) target(%dma_start3A_204 : memref<10240xf32, #tpu.memory_space<vmem_shared>>) offsets(%dma_start3A_202 : memref<128xi32, #tpu.memory_space<vmem>>) semaphore(%run_scoped3A_199 : memref<!tpu.dma_semaphore, #tpu.memory_space<semaphore_mem>>) {add = true}
          %dma_wait3A_205 = arith.constant 0 : i32
          %dma_wait3A_206 = tpu.memref_slice %arg10[%add3A_144, %dma_wait3A_205] : memref<32x128xi32, #tpu.memory_space<vmem>> -> memref<1x128xi32, #tpu.memory_space<vmem>>
          %dma_wait3A_207 = tpu.memref_squeeze %dma_wait3A_206 : memref<1x128xi32, #tpu.memory_space<vmem>> -> memref<128xi32, #tpu.memory_space<vmem>>
          %dma_wait3A_208 = arith.constant 0 : i32
          %dma_wait3A_209 = tpu.memref_slice %arg16[%dma_wait3A_208] : memref<10240xf32, #tpu.memory_space<vmem_shared>> -> memref<10240xf32, #tpu.memory_space<vmem_shared>>
          tpu.wait_indirect_dma semaphore(%run_scoped3A_199 : memref<!tpu.dma_semaphore, #tpu.memory_space<semaphore_mem>>) src(%arg15 : memref<128xf32, #tpu.memory_space<vmem>>) dst(%dma_wait3A_209 : memref<10240xf32, #tpu.memory_space<vmem_shared>>)
          tpu.yield
        }) : () -> ()
        %add3A_157 = arith.constant 2 : i32
        %add3A_158 = arith.addi %add3A_144, %add3A_157 : i32
        %dma_start3A_159 = arith.constant 0 : i32
        %dma_start3A_160 = arith.constant 0 : i32
        %dma_start3A_161 = arith.constant 0 : i32
        %dma_start3A_162 = tpu.memref_slice %arg11[%dma_start3A_159, %dma_start3A_160, %dma_start3A_161] : memref<2x128x128xf32, #tpu.memory_space<vmem>> -> memref<1x128x128xf32, #tpu.memory_space<vmem>>
        %dma_start3A_163 = tpu.memref_squeeze %dma_start3A_162 : memref<1x128x128xf32, #tpu.memory_space<vmem>> -> memref<128x128xf32, #tpu.memory_space<vmem>>
        %dma_start3A_164 = arith.constant 0 : i32
        %dma_start3A_165 = tpu.memref_slice %arg9[%add3A_158, %dma_start3A_164] : memref<32x128xi32, #tpu.memory_space<vmem>> -> memref<1x128xi32, #tpu.memory_space<vmem>>
        %dma_start3A_166 = tpu.memref_squeeze %dma_start3A_165 : memref<1x128xi32, #tpu.memory_space<vmem>> -> memref<128xi32, #tpu.memory_space<vmem>>
        %dma_start3A_167 = arith.constant 0 : i32
        %dma_start3A_168 = arith.constant 0 : i32
        %dma_start3A_169 = tpu.memref_slice %arg2[%dma_start3A_167, %dma_start3A_168] : memref<10000x128xf32, #tpu.memory_space<hbm>> -> memref<10000x128xf32, #tpu.memory_space<hbm>>
        tpu.enqueue_indirect_dma source(%dma_start3A_169 : memref<10000x128xf32, #tpu.memory_space<hbm>>) target(%dma_start3A_163 : memref<128x128xf32, #tpu.memory_space<vmem>>) offsets(%dma_start3A_166 : memref<128xi32, #tpu.memory_space<vmem>>) semaphore(%arg13 : memref<!tpu.dma_semaphore, #tpu.memory_space<semaphore_mem>>)
        %mul3A_170 = arith.constant 2 : i32
        %mul3A_171 = arith.muli %scan3A_140, %mul3A_170 : i32
        %add3A_172 = arith.constant 1 : i32
        %add3A_173 = arith.addi %mul3A_171, %add3A_172 : i32
        %dma_wait3A_174 = arith.constant 1 : i32
        %dma_wait3A_175 = arith.constant 0 : i32
        %dma_wait3A_176 = arith.constant 0 : i32
        %dma_wait3A_177 = tpu.memref_slice %arg11[%dma_wait3A_174, %dma_wait3A_175, %dma_wait3A_176] : memref<2x128x128xf32, #tpu.memory_space<vmem>> -> memref<1x128x128xf32, #tpu.memory_space<vmem>>
        %dma_wait3A_178 = tpu.memref_squeeze %dma_wait3A_177 : memref<1x128x128xf32, #tpu.memory_space<vmem>> -> memref<128x128xf32, #tpu.memory_space<vmem>>
        %dma_wait3A_179 = arith.constant 0 : i32
        %dma_wait3A_180 = tpu.memref_slice %arg9[%add3A_173, %dma_wait3A_179] : memref<32x128xi32, #tpu.memory_space<vmem>> -> memref<1x128xi32, #tpu.memory_space<vmem>>
        %dma_wait3A_181 = tpu.memref_squeeze %dma_wait3A_180 : memref<1x128xi32, #tpu.memory_space<vmem>> -> memref<128xi32, #tpu.memory_space<vmem>>
        %dma_wait3A_182 = arith.constant 0 : i32
        %dma_wait3A_183 = arith.constant 0 : i32
        %dma_wait3A_184 = tpu.memref_slice %arg2[%dma_wait3A_182, %dma_wait3A_183] : memref<10000x128xf32, #tpu.memory_space<hbm>> -> memref<10000x128xf32, #tpu.memory_space<hbm>>
        tpu.wait_indirect_dma semaphore(%arg14 : memref<!tpu.dma_semaphore, #tpu.memory_space<semaphore_mem>>) src(%dma_wait3A_184 : memref<10000x128xf32, #tpu.memory_space<hbm>>) dst(%dma_wait3A_178 : memref<128x128xf32, #tpu.memory_space<vmem>>)
        %run_scoped3A_185 = arith.constant 1 : i32
        "tpu.region"() ({
          %run_scoped3A_199 = tpu.sem_alloc : memref<!tpu.dma_semaphore, #tpu.memory_space<semaphore_mem>>
          %dma_start3A_200 = arith.constant 0 : i32
          %dma_start3A_201 = arith.constant 0 : i32
          %dma_start3A_202 = tpu.memref_slice %arg11[%run_scoped3A_185, %dma_start3A_200, %dma_start3A_201] : memref<2x128x128xf32, #tpu.memory_space<vmem>> -> memref<1x128x128xf32, #tpu.memory_space<vmem>>
          %dma_start3A_203 = tpu.memref_squeeze %dma_start3A_202 : memref<1x128x128xf32, #tpu.memory_space<vmem>> -> memref<128x128xf32, #tpu.memory_space<vmem>>
          %dma_start3A_204 = arith.constant 0 : i32
          %dma_start3A_205 = tpu.memref_slice %arg10[%add3A_173, %dma_start3A_204] : memref<32x128xi32, #tpu.memory_space<vmem>> -> memref<1x128xi32, #tpu.memory_space<vmem>>
          %dma_start3A_206 = tpu.memref_squeeze %dma_start3A_205 : memref<1x128xi32, #tpu.memory_space<vmem>> -> memref<128xi32, #tpu.memory_space<vmem>>
          %dma_start3A_207 = arith.constant 0 : i32
          %dma_start3A_208 = arith.constant 0 : i32
          %dma_start3A_209 = tpu.memref_slice %arg12[%dma_start3A_207, %dma_start3A_208] : memref<10240x128xf32, #tpu.memory_space<vmem_shared>> -> memref<10240x128xf32, #tpu.memory_space<vmem_shared>>
          tpu.enqueue_indirect_dma source(%dma_start3A_203 : memref<128x128xf32, #tpu.memory_space<vmem>>) target(%dma_start3A_209 : memref<10240x128xf32, #tpu.memory_space<vmem_shared>>) offsets(%dma_start3A_206 : memref<128xi32, #tpu.memory_space<vmem>>) semaphore(%run_scoped3A_199 : memref<!tpu.dma_semaphore, #tpu.memory_space<semaphore_mem>>) {add = true}
          %dma_wait3A_210 = arith.constant 0 : i32
          %dma_wait3A_211 = arith.constant 0 : i32
          %dma_wait3A_212 = tpu.memref_slice %arg11[%run_scoped3A_185, %dma_wait3A_210, %dma_wait3A_211] : memref<2x128x128xf32, #tpu.memory_space<vmem>> -> memref<1x128x128xf32, #tpu.memory_space<vmem>>
          %dma_wait3A_213 = tpu.memref_squeeze %dma_wait3A_212 : memref<1x128x128xf32, #tpu.memory_space<vmem>> -> memref<128x128xf32, #tpu.memory_space<vmem>>
          %dma_wait3A_214 = arith.constant 0 : i32
          %dma_wait3A_215 = tpu.memref_slice %arg10[%add3A_173, %dma_wait3A_214] : memref<32x128xi32, #tpu.memory_space<vmem>> -> memref<1x128xi32, #tpu.memory_space<vmem>>
          %dma_wait3A_216 = tpu.memref_squeeze %dma_wait3A_215 : memref<1x128xi32, #tpu.memory_space<vmem>> -> memref<128xi32, #tpu.memory_space<vmem>>
          %dma_wait3A_217 = arith.constant 0 : i32
          %dma_wait3A_218 = arith.constant 0 : i32
          %dma_wait3A_219 = tpu.memref_slice %arg12[%dma_wait3A_217, %dma_wait3A_218] : memref<10240x128xf32, #tpu.memory_space<vmem_shared>> -> memref<10240x128xf32, #tpu.memory_space<vmem_shared>>
          tpu.wait_indirect_dma semaphore(%run_scoped3A_199 : memref<!tpu.dma_semaphore, #tpu.memory_space<semaphore_mem>>) src(%dma_wait3A_213 : memref<128x128xf32, #tpu.memory_space<vmem>>) dst(%dma_wait3A_219 : memref<10240x128xf32, #tpu.memory_space<vmem_shared>>)
          tpu.yield
        }) : () -> ()
        "tpu.region"() ({
          %run_scoped3A_199 = tpu.sem_alloc : memref<!tpu.dma_semaphore, #tpu.memory_space<semaphore_mem>>
          %dma_start3A_200 = arith.constant 0 : i32
          %dma_start3A_201 = tpu.memref_slice %arg10[%add3A_173, %dma_start3A_200] : memref<32x128xi32, #tpu.memory_space<vmem>> -> memref<1x128xi32, #tpu.memory_space<vmem>>
          %dma_start3A_202 = tpu.memref_squeeze %dma_start3A_201 : memref<1x128xi32, #tpu.memory_space<vmem>> -> memref<128xi32, #tpu.memory_space<vmem>>
          %dma_start3A_203 = arith.constant 0 : i32
          %dma_start3A_204 = tpu.memref_slice %arg16[%dma_start3A_203] : memref<10240xf32, #tpu.memory_space<vmem_shared>> -> memref<10240xf32, #tpu.memory_space<vmem_shared>>
          tpu.enqueue_indirect_dma source(%arg15 : memref<128xf32, #tpu.memory_space<vmem>>) target(%dma_start3A_204 : memref<10240xf32, #tpu.memory_space<vmem_shared>>) offsets(%dma_start3A_202 : memref<128xi32, #tpu.memory_space<vmem>>) semaphore(%run_scoped3A_199 : memref<!tpu.dma_semaphore, #tpu.memory_space<semaphore_mem>>) {add = true}
          %dma_wait3A_205 = arith.constant 0 : i32
          %dma_wait3A_206 = tpu.memref_slice %arg10[%add3A_173, %dma_wait3A_205] : memref<32x128xi32, #tpu.memory_space<vmem>> -> memref<1x128xi32, #tpu.memory_space<vmem>>
          %dma_wait3A_207 = tpu.memref_squeeze %dma_wait3A_206 : memref<1x128xi32, #tpu.memory_space<vmem>> -> memref<128xi32, #tpu.memory_space<vmem>>
          %dma_wait3A_208 = arith.constant 0 : i32
          %dma_wait3A_209 = tpu.memref_slice %arg16[%dma_wait3A_208] : memref<10240xf32, #tpu.memory_space<vmem_shared>> -> memref<10240xf32, #tpu.memory_space<vmem_shared>>
          tpu.wait_indirect_dma semaphore(%run_scoped3A_199 : memref<!tpu.dma_semaphore, #tpu.memory_space<semaphore_mem>>) src(%arg15 : memref<128xf32, #tpu.memory_space<vmem>>) dst(%dma_wait3A_209 : memref<10240xf32, #tpu.memory_space<vmem_shared>>)
          tpu.yield
        }) : () -> ()
        %add3A_186 = arith.constant 2 : i32
        %add3A_187 = arith.addi %add3A_173, %add3A_186 : i32
        %dma_start3A_188 = arith.constant 1 : i32
        %dma_start3A_189 = arith.constant 0 : i32
        %dma_start3A_190 = arith.constant 0 : i32
        %dma_start3A_191 = tpu.memref_slice %arg11[%dma_start3A_188, %dma_start3A_189, %dma_start3A_190] : memref<2x128x128xf32, #tpu.memory_space<vmem>> -> memref<1x128x128xf32, #tpu.memory_space<vmem>>
        %dma_start3A_192 = tpu.memref_squeeze %dma_start3A_191 : memref<1x128x128xf32, #tpu.memory_space<vmem>> -> memref<128x128xf32, #tpu.memory_space<vmem>>
        %dma_start3A_193 = arith.constant 0 : i32
        %dma_start3A_194 = tpu.memref_slice %arg9[%add3A_187, %dma_start3A_193] : memref<32x128xi32, #tpu.memory_space<vmem>> -> memref<1x128xi32, #tpu.memory_space<vmem>>
        %dma_start3A_195 = tpu.memref_squeeze %dma_start3A_194 : memref<1x128xi32, #tpu.memory_space<vmem>> -> memref<128xi32, #tpu.memory_space<vmem>>
        %dma_start3A_196 = arith.constant 0 : i32
        %dma_start3A_197 = arith.constant 0 : i32
        %dma_start3A_198 = tpu.memref_slice %arg2[%dma_start3A_196, %dma_start3A_197] : memref<10000x128xf32, #tpu.memory_space<hbm>> -> memref<10000x128xf32, #tpu.memory_space<hbm>>
        tpu.enqueue_indirect_dma source(%dma_start3A_198 : memref<10000x128xf32, #tpu.memory_space<hbm>>) target(%dma_start3A_192 : memref<128x128xf32, #tpu.memory_space<vmem>>) offsets(%dma_start3A_195 : memref<128xi32, #tpu.memory_space<vmem>>) semaphore(%arg14 : memref<!tpu.dma_semaphore, #tpu.memory_space<semaphore_mem>>)
      }
      %scan3A_111 = arith.constant 15 : i32
      %dma_wait3A = arith.constant 30 : i32
      %dma_wait3A_112 = arith.constant 0 : i32
      %dma_wait3A_113 = arith.constant 0 : i32
      %dma_wait3A_114 = arith.constant 0 : i32
      %dma_wait3A_115 = tpu.memref_slice %arg11[%dma_wait3A_112, %dma_wait3A_113, %dma_wait3A_114] : memref<2x128x128xf32, #tpu.memory_space<vmem>> -> memref<1x128x128xf32, #tpu.memory_space<vmem>>
      %dma_wait3A_116 = tpu.memref_squeeze %dma_wait3A_115 : memref<1x128x128xf32, #tpu.memory_space<vmem>> -> memref<128x128xf32, #tpu.memory_space<vmem>>
      %dma_wait3A_117 = arith.constant 0 : i32
      %dma_wait3A_118 = tpu.memref_slice %arg9[%dma_wait3A, %dma_wait3A_117] : memref<32x128xi32, #tpu.memory_space<vmem>> -> memref<1x128xi32, #tpu.memory_space<vmem>>
      %dma_wait3A_119 = tpu.memref_squeeze %dma_wait3A_118 : memref<1x128xi32, #tpu.memory_space<vmem>> -> memref<128xi32, #tpu.memory_space<vmem>>
      %dma_wait3A_120 = arith.constant 0 : i32
      %dma_wait3A_121 = arith.constant 0 : i32
      %dma_wait3A_122 = tpu.memref_slice %arg2[%dma_wait3A_120, %dma_wait3A_121] : memref<10000x128xf32, #tpu.memory_space<hbm>> -> memref<10000x128xf32, #tpu.memory_space<hbm>>
      tpu.wait_indirect_dma semaphore(%arg13 : memref<!tpu.dma_semaphore, #tpu.memory_space<semaphore_mem>>) src(%dma_wait3A_122 : memref<10000x128xf32, #tpu.memory_space<hbm>>) dst(%dma_wait3A_116 : memref<128x128xf32, #tpu.memory_space<vmem>>)
      %run_scoped3A = arith.constant 0 : i32
      %run_scoped3A_123 = arith.constant 30 : i32
      "tpu.region"() ({
        %run_scoped3A_140 = tpu.sem_alloc : memref<!tpu.dma_semaphore, #tpu.memory_space<semaphore_mem>>
        %dma_start3A_141 = arith.constant 0 : i32
        %dma_start3A_142 = arith.constant 0 : i32
        %dma_start3A_143 = tpu.memref_slice %arg11[%run_scoped3A, %dma_start3A_141, %dma_start3A_142] : memref<2x128x128xf32, #tpu.memory_space<vmem>> -> memref<1x128x128xf32, #tpu.memory_space<vmem>>
        %dma_start3A_144 = tpu.memref_squeeze %dma_start3A_143 : memref<1x128x128xf32, #tpu.memory_space<vmem>> -> memref<128x128xf32, #tpu.memory_space<vmem>>
        %dma_start3A_145 = arith.constant 0 : i32
        %dma_start3A_146 = tpu.memref_slice %arg10[%run_scoped3A_123, %dma_start3A_145] : memref<32x128xi32, #tpu.memory_space<vmem>> -> memref<1x128xi32, #tpu.memory_space<vmem>>
        %dma_start3A_147 = tpu.memref_squeeze %dma_start3A_146 : memref<1x128xi32, #tpu.memory_space<vmem>> -> memref<128xi32, #tpu.memory_space<vmem>>
        %dma_start3A_148 = arith.constant 0 : i32
        %dma_start3A_149 = arith.constant 0 : i32
        %dma_start3A_150 = tpu.memref_slice %arg12[%dma_start3A_148, %dma_start3A_149] : memref<10240x128xf32, #tpu.memory_space<vmem_shared>> -> memref<10240x128xf32, #tpu.memory_space<vmem_shared>>
        tpu.enqueue_indirect_dma source(%dma_start3A_144 : memref<128x128xf32, #tpu.memory_space<vmem>>) target(%dma_start3A_150 : memref<10240x128xf32, #tpu.memory_space<vmem_shared>>) offsets(%dma_start3A_147 : memref<128xi32, #tpu.memory_space<vmem>>) semaphore(%run_scoped3A_140 : memref<!tpu.dma_semaphore, #tpu.memory_space<semaphore_mem>>) {add = true}
        %dma_wait3A_151 = arith.constant 0 : i32
        %dma_wait3A_152 = arith.constant 0 : i32
        %dma_wait3A_153 = tpu.memref_slice %arg11[%run_scoped3A, %dma_wait3A_151, %dma_wait3A_152] : memref<2x128x128xf32, #tpu.memory_space<vmem>> -> memref<1x128x128xf32, #tpu.memory_space<vmem>>
        %dma_wait3A_154 = tpu.memref_squeeze %dma_wait3A_153 : memref<1x128x128xf32, #tpu.memory_space<vmem>> -> memref<128x128xf32, #tpu.memory_space<vmem>>
        %dma_wait3A_155 = arith.constant 0 : i32
        %dma_wait3A_156 = tpu.memref_slice %arg10[%run_scoped3A_123, %dma_wait3A_155] : memref<32x128xi32, #tpu.memory_space<vmem>> -> memref<1x128xi32, #tpu.memory_space<vmem>>
        %dma_wait3A_157 = tpu.memref_squeeze %dma_wait3A_156 : memref<1x128xi32, #tpu.memory_space<vmem>> -> memref<128xi32, #tpu.memory_space<vmem>>
        %dma_wait3A_158 = arith.constant 0 : i32
        %dma_wait3A_159 = arith.constant 0 : i32
        %dma_wait3A_160 = tpu.memref_slice %arg12[%dma_wait3A_158, %dma_wait3A_159] : memref<10240x128xf32, #tpu.memory_space<vmem_shared>> -> memref<10240x128xf32, #tpu.memory_space<vmem_shared>>
        tpu.wait_indirect_dma semaphore(%run_scoped3A_140 : memref<!tpu.dma_semaphore, #tpu.memory_space<semaphore_mem>>) src(%dma_wait3A_154 : memref<128x128xf32, #tpu.memory_space<vmem>>) dst(%dma_wait3A_160 : memref<10240x128xf32, #tpu.memory_space<vmem_shared>>)
        tpu.yield
      }) : () -> ()
      %run_scoped3A_124 = arith.constant 30 : i32
      "tpu.region"() ({
        %run_scoped3A_140 = tpu.sem_alloc : memref<!tpu.dma_semaphore, #tpu.memory_space<semaphore_mem>>
        %dma_start3A_141 = arith.constant 0 : i32
        %dma_start3A_142 = tpu.memref_slice %arg10[%run_scoped3A_124, %dma_start3A_141] : memref<32x128xi32, #tpu.memory_space<vmem>> -> memref<1x128xi32, #tpu.memory_space<vmem>>
        %dma_start3A_143 = tpu.memref_squeeze %dma_start3A_142 : memref<1x128xi32, #tpu.memory_space<vmem>> -> memref<128xi32, #tpu.memory_space<vmem>>
        %dma_start3A_144 = arith.constant 0 : i32
        %dma_start3A_145 = tpu.memref_slice %arg16[%dma_start3A_144] : memref<10240xf32, #tpu.memory_space<vmem_shared>> -> memref<10240xf32, #tpu.memory_space<vmem_shared>>
        tpu.enqueue_indirect_dma source(%arg15 : memref<128xf32, #tpu.memory_space<vmem>>) target(%dma_start3A_145 : memref<10240xf32, #tpu.memory_space<vmem_shared>>) offsets(%dma_start3A_143 : memref<128xi32, #tpu.memory_space<vmem>>) semaphore(%run_scoped3A_140 : memref<!tpu.dma_semaphore, #tpu.memory_space<semaphore_mem>>) {add = true}
        %dma_wait3A_146 = arith.constant 0 : i32
        %dma_wait3A_147 = tpu.memref_slice %arg10[%run_scoped3A_124, %dma_wait3A_146] : memref<32x128xi32, #tpu.memory_space<vmem>> -> memref<1x128xi32, #tpu.memory_space<vmem>>
        %dma_wait3A_148 = tpu.memref_squeeze %dma_wait3A_147 : memref<1x128xi32, #tpu.memory_space<vmem>> -> memref<128xi32, #tpu.memory_space<vmem>>
        %dma_wait3A_149 = arith.constant 0 : i32
        %dma_wait3A_150 = tpu.memref_slice %arg16[%dma_wait3A_149] : memref<10240xf32, #tpu.memory_space<vmem_shared>> -> memref<10240xf32, #tpu.memory_space<vmem_shared>>
        tpu.wait_indirect_dma semaphore(%run_scoped3A_140 : memref<!tpu.dma_semaphore, #tpu.memory_space<semaphore_mem>>) src(%arg15 : memref<128xf32, #tpu.memory_space<vmem>>) dst(%dma_wait3A_150 : memref<10240xf32, #tpu.memory_space<vmem_shared>>)
        tpu.yield
      }) : () -> ()
      %dma_wait3A_125 = arith.constant 31 : i32
      %dma_wait3A_126 = arith.constant 1 : i32
      %dma_wait3A_127 = arith.constant 0 : i32
      %dma_wait3A_128 = arith.constant 0 : i32
      %dma_wait3A_129 = tpu.memref_slice %arg11[%dma_wait3A_126, %dma_wait3A_127, %dma_wait3A_128] : memref<2x128x128xf32, #tpu.memory_space<vmem>> -> memref<1x128x128xf32, #tpu.memory_space<vmem>>
      %dma_wait3A_130 = tpu.memref_squeeze %dma_wait3A_129 : memref<1x128x128xf32, #tpu.memory_space<vmem>> -> memref<128x128xf32, #tpu.memory_space<vmem>>
      %dma_wait3A_131 = arith.constant 0 : i32
      %dma_wait3A_132 = tpu.memref_slice %arg9[%dma_wait3A_125, %dma_wait3A_131] : memref<32x128xi32, #tpu.memory_space<vmem>> -> memref<1x128xi32, #tpu.memory_space<vmem>>
      %dma_wait3A_133 = tpu.memref_squeeze %dma_wait3A_132 : memref<1x128xi32, #tpu.memory_space<vmem>> -> memref<128xi32, #tpu.memory_space<vmem>>
      %dma_wait3A_134 = arith.constant 0 : i32
      %dma_wait3A_135 = arith.constant 0 : i32
      %dma_wait3A_136 = tpu.memref_slice %arg2[%dma_wait3A_134, %dma_wait3A_135] : memref<10000x128xf32, #tpu.memory_space<hbm>> -> memref<10000x128xf32, #tpu.memory_space<hbm>>
      tpu.wait_indirect_dma semaphore(%arg14 : memref<!tpu.dma_semaphore, #tpu.memory_space<semaphore_mem>>) src(%dma_wait3A_136 : memref<10000x128xf32, #tpu.memory_space<hbm>>) dst(%dma_wait3A_130 : memref<128x128xf32, #tpu.memory_space<vmem>>)
      %run_scoped3A_137 = arith.constant 1 : i32
      %run_scoped3A_138 = arith.constant 31 : i32
      "tpu.region"() ({
        %run_scoped3A_140 = tpu.sem_alloc : memref<!tpu.dma_semaphore, #tpu.memory_space<semaphore_mem>>
        %dma_start3A_141 = arith.constant 0 : i32
        %dma_start3A_142 = arith.constant 0 : i32
        %dma_start3A_143 = tpu.memref_slice %arg11[%run_scoped3A_137, %dma_start3A_141, %dma_start3A_142] : memref<2x128x128xf32, #tpu.memory_space<vmem>> -> memref<1x128x128xf32, #tpu.memory_space<vmem>>
        %dma_start3A_144 = tpu.memref_squeeze %dma_start3A_143 : memref<1x128x128xf32, #tpu.memory_space<vmem>> -> memref<128x128xf32, #tpu.memory_space<vmem>>
        %dma_start3A_145 = arith.constant 0 : i32
        %dma_start3A_146 = tpu.memref_slice %arg10[%run_scoped3A_138, %dma_start3A_145] : memref<32x128xi32, #tpu.memory_space<vmem>> -> memref<1x128xi32, #tpu.memory_space<vmem>>
        %dma_start3A_147 = tpu.memref_squeeze %dma_start3A_146 : memref<1x128xi32, #tpu.memory_space<vmem>> -> memref<128xi32, #tpu.memory_space<vmem>>
        %dma_start3A_148 = arith.constant 0 : i32
        %dma_start3A_149 = arith.constant 0 : i32
        %dma_start3A_150 = tpu.memref_slice %arg12[%dma_start3A_148, %dma_start3A_149] : memref<10240x128xf32, #tpu.memory_space<vmem_shared>> -> memref<10240x128xf32, #tpu.memory_space<vmem_shared>>
        tpu.enqueue_indirect_dma source(%dma_start3A_144 : memref<128x128xf32, #tpu.memory_space<vmem>>) target(%dma_start3A_150 : memref<10240x128xf32, #tpu.memory_space<vmem_shared>>) offsets(%dma_start3A_147 : memref<128xi32, #tpu.memory_space<vmem>>) semaphore(%run_scoped3A_140 : memref<!tpu.dma_semaphore, #tpu.memory_space<semaphore_mem>>) {add = true}
        %dma_wait3A_151 = arith.constant 0 : i32
        %dma_wait3A_152 = arith.constant 0 : i32
        %dma_wait3A_153 = tpu.memref_slice %arg11[%run_scoped3A_137, %dma_wait3A_151, %dma_wait3A_152] : memref<2x128x128xf32, #tpu.memory_space<vmem>> -> memref<1x128x128xf32, #tpu.memory_space<vmem>>
        %dma_wait3A_154 = tpu.memref_squeeze %dma_wait3A_153 : memref<1x128x128xf32, #tpu.memory_space<vmem>> -> memref<128x128xf32, #tpu.memory_space<vmem>>
        %dma_wait3A_155 = arith.constant 0 : i32
        %dma_wait3A_156 = tpu.memref_slice %arg10[%run_scoped3A_138, %dma_wait3A_155] : memref<32x128xi32, #tpu.memory_space<vmem>> -> memref<1x128xi32, #tpu.memory_space<vmem>>
        %dma_wait3A_157 = tpu.memref_squeeze %dma_wait3A_156 : memref<1x128xi32, #tpu.memory_space<vmem>> -> memref<128xi32, #tpu.memory_space<vmem>>
        %dma_wait3A_158 = arith.constant 0 : i32
        %dma_wait3A_159 = arith.constant 0 : i32
        %dma_wait3A_160 = tpu.memref_slice %arg12[%dma_wait3A_158, %dma_wait3A_159] : memref<10240x128xf32, #tpu.memory_space<vmem_shared>> -> memref<10240x128xf32, #tpu.memory_space<vmem_shared>>
        tpu.wait_indirect_dma semaphore(%run_scoped3A_140 : memref<!tpu.dma_semaphore, #tpu.memory_space<semaphore_mem>>) src(%dma_wait3A_154 : memref<128x128xf32, #tpu.memory_space<vmem>>) dst(%dma_wait3A_160 : memref<10240x128xf32, #tpu.memory_space<vmem_shared>>)
        tpu.yield
      }) : () -> ()
      %run_scoped3A_139 = arith.constant 31 : i32
      "tpu.region"() ({
        %run_scoped3A_140 = tpu.sem_alloc : memref<!tpu.dma_semaphore, #tpu.memory_space<semaphore_mem>>
        %dma_start3A_141 = arith.constant 0 : i32
        %dma_start3A_142 = tpu.memref_slice %arg10[%run_scoped3A_139, %dma_start3A_141] : memref<32x128xi32, #tpu.memory_space<vmem>> -> memref<1x128xi32, #tpu.memory_space<vmem>>
        %dma_start3A_143 = tpu.memref_squeeze %dma_start3A_142 : memref<1x128xi32, #tpu.memory_space<vmem>> -> memref<128xi32, #tpu.memory_space<vmem>>
        %dma_start3A_144 = arith.constant 0 : i32
        %dma_start3A_145 = tpu.memref_slice %arg16[%dma_start3A_144] : memref<10240xf32, #tpu.memory_space<vmem_shared>> -> memref<10240xf32, #tpu.memory_space<vmem_shared>>
        tpu.enqueue_indirect_dma source(%arg15 : memref<128xf32, #tpu.memory_space<vmem>>) target(%dma_start3A_145 : memref<10240xf32, #tpu.memory_space<vmem_shared>>) offsets(%dma_start3A_143 : memref<128xi32, #tpu.memory_space<vmem>>) semaphore(%run_scoped3A_140 : memref<!tpu.dma_semaphore, #tpu.memory_space<semaphore_mem>>) {add = true}
        %dma_wait3A_146 = arith.constant 0 : i32
        %dma_wait3A_147 = tpu.memref_slice %arg10[%run_scoped3A_139, %dma_wait3A_146] : memref<32x128xi32, #tpu.memory_space<vmem>> -> memref<1x128xi32, #tpu.memory_space<vmem>>
        %dma_wait3A_148 = tpu.memref_squeeze %dma_wait3A_147 : memref<1x128xi32, #tpu.memory_space<vmem>> -> memref<128xi32, #tpu.memory_space<vmem>>
        %dma_wait3A_149 = arith.constant 0 : i32
        %dma_wait3A_150 = tpu.memref_slice %arg16[%dma_wait3A_149] : memref<10240xf32, #tpu.memory_space<vmem_shared>> -> memref<10240xf32, #tpu.memory_space<vmem_shared>>
        tpu.wait_indirect_dma semaphore(%run_scoped3A_140 : memref<!tpu.dma_semaphore, #tpu.memory_space<semaphore_mem>>) src(%arg15 : memref<128xf32, #tpu.memory_space<vmem>>) dst(%dma_wait3A_150 : memref<10240xf32, #tpu.memory_space<vmem_shared>>)
        tpu.yield
      }) : () -> ()
    }
    %while3A_77 = arith.constant 1 : i32
    scf.for %while3A_79 = %while3A_75 to %while3A_71 step %while3A_77  : i32 {
      %mul3A_80 = arith.constant 32 : i32
      %mul3A_81 = arith.muli %while3A_79, %mul3A_80 : i32
      "tpu.region"() ({
        %run_scoped3A_140 = tpu.sem_alloc : memref<!tpu.dma_semaphore, #tpu.memory_space<semaphore_mem>>
        %dma_start3A_141 = arith.constant 0 : i32
        %dma_start3A_142 = tpu.memref_slice %arg3[%add3A, %mul3A_81, %dma_start3A_141] : memref<32x128x128xi32, #tpu.memory_space<hbm>> -> memref<1x32x128xi32, #tpu.memory_space<hbm>>
        %dma_start3A_143 = tpu.memref_squeeze %dma_start3A_142 : memref<1x32x128xi32, #tpu.memory_space<hbm>> -> memref<32x128xi32, #tpu.memory_space<hbm>>
        %dma_start3A_144 = arith.constant 0 : i32
        %dma_start3A_145 = tpu.memref_slice %arg3[%add3A, %mul3A_81, %dma_start3A_144] : memref<32x128x128xi32, #tpu.memory_space<hbm>> -> memref<1x32x128xi32, #tpu.memory_space<hbm>>
        %dma_start3A_146 = tpu.memref_squeeze %dma_start3A_145 : memref<1x32x128xi32, #tpu.memory_space<hbm>> -> memref<32x128xi32, #tpu.memory_space<hbm>>
        tpu.enqueue_dma source(%dma_start3A_146 : memref<32x128xi32, #tpu.memory_space<hbm>>) target(%arg9 : memref<32x128xi32, #tpu.memory_space<vmem>>) target_semaphore(%run_scoped3A_140 : memref<!tpu.dma_semaphore, #tpu.memory_space<semaphore_mem>>)
        %dma_wait3A_147 = arith.constant 0 : i32
        %dma_wait3A_148 = tpu.memref_slice %arg3[%add3A, %mul3A_81, %dma_wait3A_147] : memref<32x128x128xi32, #tpu.memory_space<hbm>> -> memref<1x32x128xi32, #tpu.memory_space<hbm>>
        %dma_wait3A_149 = tpu.memref_squeeze %dma_wait3A_148 : memref<1x32x128xi32, #tpu.memory_space<hbm>> -> memref<32x128xi32, #tpu.memory_space<hbm>>
        %dma_wait3A_150 = arith.constant 0 : i32
        %dma_wait3A_151 = tpu.memref_slice %arg3[%add3A, %mul3A_81, %dma_wait3A_150] : memref<32x128x128xi32, #tpu.memory_space<hbm>> -> memref<1x32x128xi32, #tpu.memory_space<hbm>>
        %dma_wait3A_152 = tpu.memref_squeeze %dma_wait3A_151 : memref<1x32x128xi32, #tpu.memory_space<hbm>> -> memref<32x128xi32, #tpu.memory_space<hbm>>
        tpu.wait_dma2 semaphore(%run_scoped3A_140 : memref<!tpu.dma_semaphore, #tpu.memory_space<semaphore_mem>>) src(%dma_wait3A_152 : memref<32x128xi32, #tpu.memory_space<hbm>>) dst(%arg9 : memref<32x128xi32, #tpu.memory_space<vmem>>)
        tpu.yield
      }) : () -> ()
      %mul3A_82 = arith.constant 32 : i32
      %mul3A_83 = arith.muli %while3A_79, %mul3A_82 : i32
      "tpu.region"() ({
        %run_scoped3A_140 = tpu.sem_alloc : memref<!tpu.dma_semaphore, #tpu.memory_space<semaphore_mem>>
        %dma_start3A_141 = arith.constant 0 : i32
        %dma_start3A_142 = tpu.memref_slice %arg4[%add3A, %mul3A_83, %dma_start3A_141] : memref<32x128x128xi32, #tpu.memory_space<hbm>> -> memref<1x32x128xi32, #tpu.memory_space<hbm>>
        %dma_start3A_143 = tpu.memref_squeeze %dma_start3A_142 : memref<1x32x128xi32, #tpu.memory_space<hbm>> -> memref<32x128xi32, #tpu.memory_space<hbm>>
        %dma_start3A_144 = arith.constant 0 : i32
        %dma_start3A_145 = tpu.memref_slice %arg4[%add3A, %mul3A_83, %dma_start3A_144] : memref<32x128x128xi32, #tpu.memory_space<hbm>> -> memref<1x32x128xi32, #tpu.memory_space<hbm>>
        %dma_start3A_146 = tpu.memref_squeeze %dma_start3A_145 : memref<1x32x128xi32, #tpu.memory_space<hbm>> -> memref<32x128xi32, #tpu.memory_space<hbm>>
        tpu.enqueue_dma source(%dma_start3A_146 : memref<32x128xi32, #tpu.memory_space<hbm>>) target(%arg10 : memref<32x128xi32, #tpu.memory_space<vmem>>) target_semaphore(%run_scoped3A_140 : memref<!tpu.dma_semaphore, #tpu.memory_space<semaphore_mem>>)
        %dma_wait3A_147 = arith.constant 0 : i32
        %dma_wait3A_148 = tpu.memref_slice %arg4[%add3A, %mul3A_83, %dma_wait3A_147] : memref<32x128x128xi32, #tpu.memory_space<hbm>> -> memref<1x32x128xi32, #tpu.memory_space<hbm>>
        %dma_wait3A_149 = tpu.memref_squeeze %dma_wait3A_148 : memref<1x32x128xi32, #tpu.memory_space<hbm>> -> memref<32x128xi32, #tpu.memory_space<hbm>>
        %dma_wait3A_150 = arith.constant 0 : i32
        %dma_wait3A_151 = tpu.memref_slice %arg4[%add3A, %mul3A_83, %dma_wait3A_150] : memref<32x128x128xi32, #tpu.memory_space<hbm>> -> memref<1x32x128xi32, #tpu.memory_space<hbm>>
        %dma_wait3A_152 = tpu.memref_squeeze %dma_wait3A_151 : memref<1x32x128xi32, #tpu.memory_space<hbm>> -> memref<32x128xi32, #tpu.memory_space<hbm>>
        tpu.wait_dma2 semaphore(%run_scoped3A_140 : memref<!tpu.dma_semaphore, #tpu.memory_space<semaphore_mem>>) src(%dma_wait3A_152 : memref<32x128xi32, #tpu.memory_space<hbm>>) dst(%arg10 : memref<32x128xi32, #tpu.memory_space<vmem>>)
        tpu.yield
      }) : () -> ()
      %dma_start3A = arith.constant 0 : i32
      %dma_start3A_84 = arith.constant 0 : i32
      %dma_start3A_85 = arith.constant 0 : i32
      %dma_start3A_86 = arith.constant 0 : i32
      %dma_start3A_87 = tpu.memref_slice %arg11[%dma_start3A_84, %dma_start3A_85, %dma_start3A_86] : memref<2x128x128xf32, #tpu.memory_space<vmem>> -> memref<1x128x128xf32, #tpu.memory_space<vmem>>
      %dma_start3A_88 = tpu.memref_squeeze %dma_start3A_87 : memref<1x128x128xf32, #tpu.memory_space<vmem>> -> memref<128x128xf32, #tpu.memory_space<vmem>>
      %dma_start3A_89 = arith.constant 0 : i32
      %dma_start3A_90 = tpu.memref_slice %arg9[%dma_start3A, %dma_start3A_89] : memref<32x128xi32, #tpu.memory_space<vmem>> -> memref<1x128xi32, #tpu.memory_space<vmem>>
      %dma_start3A_91 = tpu.memref_squeeze %dma_start3A_90 : memref<1x128xi32, #tpu.memory_space<vmem>> -> memref<128xi32, #tpu.memory_space<vmem>>
      %dma_start3A_92 = arith.constant 0 : i32
      %dma_start3A_93 = arith.constant 0 : i32
      %dma_start3A_94 = tpu.memref_slice %arg2[%dma_start3A_92, %dma_start3A_93] : memref<10000x128xf32, #tpu.memory_space<hbm>> -> memref<10000x128xf32, #tpu.memory_space<hbm>>
      tpu.enqueue_indirect_dma source(%dma_start3A_94 : memref<10000x128xf32, #tpu.memory_space<hbm>>) target(%dma_start3A_88 : memref<128x128xf32, #tpu.memory_space<vmem>>) offsets(%dma_start3A_91 : memref<128xi32, #tpu.memory_space<vmem>>) semaphore(%arg13 : memref<!tpu.dma_semaphore, #tpu.memory_space<semaphore_mem>>)
      %dma_start3A_95 = arith.constant 1 : i32
      %dma_start3A_96 = arith.constant 1 : i32
      %dma_start3A_97 = arith.constant 0 : i32
      %dma_start3A_98 = arith.constant 0 : i32
      %dma_start3A_99 = tpu.memref_slice %arg11[%dma_start3A_96, %dma_start3A_97, %dma_start3A_98] : memref<2x128x128xf32, #tpu.memory_space<vmem>> -> memref<1x128x128xf32, #tpu.memory_space<vmem>>
      %dma_start3A_100 = tpu.memref_squeeze %dma_start3A_99 : memref<1x128x128xf32, #tpu.memory_space<vmem>> -> memref<128x128xf32, #tpu.memory_space<vmem>>
      %dma_start3A_101 = arith.constant 0 : i32
      %dma_start3A_102 = tpu.memref_slice %arg9[%dma_start3A_95, %dma_start3A_101] : memref<32x128xi32, #tpu.memory_space<vmem>> -> memref<1x128xi32, #tpu.memory_space<vmem>>
      %dma_start3A_103 = tpu.memref_squeeze %dma_start3A_102 : memref<1x128xi32, #tpu.memory_space<vmem>> -> memref<128xi32, #tpu.memory_space<vmem>>
      %dma_start3A_104 = arith.constant 0 : i32
      %dma_start3A_105 = arith.constant 0 : i32
      %dma_start3A_106 = tpu.memref_slice %arg2[%dma_start3A_104, %dma_start3A_105] : memref<10000x128xf32, #tpu.memory_space<hbm>> -> memref<10000x128xf32, #tpu.memory_space<hbm>>
      tpu.enqueue_indirect_dma source(%dma_start3A_106 : memref<10000x128xf32, #tpu.memory_space<hbm>>) target(%dma_start3A_100 : memref<128x128xf32, #tpu.memory_space<vmem>>) offsets(%dma_start3A_103 : memref<128xi32, #tpu.memory_space<vmem>>) semaphore(%arg14 : memref<!tpu.dma_semaphore, #tpu.memory_space<semaphore_mem>>)
      %scan3A = arith.constant 0 : i32
      %scan3A_107 = arith.constant 0 : i32
      %scan3A_108 = arith.constant 15 : i32
      %scan3A_109 = arith.addi %scan3A_107, %scan3A_108 : i32
      %scan3A_110 = arith.constant 1 : i32
      scf.for %scan3A_140 = %scan3A_107 to %scan3A_109 step %scan3A_110  : i32 {
        %mul3A_141 = arith.constant 2 : i32
        %mul3A_142 = arith.muli %scan3A_140, %mul3A_141 : i32
        %add3A_143 = arith.constant 0 : i32
        %add3A_144 = arith.addi %mul3A_142, %add3A_143 : i32
        %dma_wait3A_145 = arith.constant 0 : i32
        %dma_wait3A_146 = arith.constant 0 : i32
        %dma_wait3A_147 = arith.constant 0 : i32
        %dma_wait3A_148 = tpu.memref_slice %arg11[%dma_wait3A_145, %dma_wait3A_146, %dma_wait3A_147] : memref<2x128x128xf32, #tpu.memory_space<vmem>> -> memref<1x128x128xf32, #tpu.memory_space<vmem>>
        %dma_wait3A_149 = tpu.memref_squeeze %dma_wait3A_148 : memref<1x128x128xf32, #tpu.memory_space<vmem>> -> memref<128x128xf32, #tpu.memory_space<vmem>>
        %dma_wait3A_150 = arith.constant 0 : i32
        %dma_wait3A_151 = tpu.memref_slice %arg9[%add3A_144, %dma_wait3A_150] : memref<32x128xi32, #tpu.memory_space<vmem>> -> memref<1x128xi32, #tpu.memory_space<vmem>>
        %dma_wait3A_152 = tpu.memref_squeeze %dma_wait3A_151 : memref<1x128xi32, #tpu.memory_space<vmem>> -> memref<128xi32, #tpu.memory_space<vmem>>
        %dma_wait3A_153 = arith.constant 0 : i32
        %dma_wait3A_154 = arith.constant 0 : i32
        %dma_wait3A_155 = tpu.memref_slice %arg2[%dma_wait3A_153, %dma_wait3A_154] : memref<10000x128xf32, #tpu.memory_space<hbm>> -> memref<10000x128xf32, #tpu.memory_space<hbm>>
        tpu.wait_indirect_dma semaphore(%arg13 : memref<!tpu.dma_semaphore, #tpu.memory_space<semaphore_mem>>) src(%dma_wait3A_155 : memref<10000x128xf32, #tpu.memory_space<hbm>>) dst(%dma_wait3A_149 : memref<128x128xf32, #tpu.memory_space<vmem>>)
        %run_scoped3A_156 = arith.constant 0 : i32
        "tpu.region"() ({
          %run_scoped3A_199 = tpu.sem_alloc : memref<!tpu.dma_semaphore, #tpu.memory_space<semaphore_mem>>
          %dma_start3A_200 = arith.constant 0 : i32
          %dma_start3A_201 = arith.constant 0 : i32
          %dma_start3A_202 = tpu.memref_slice %arg11[%run_scoped3A_156, %dma_start3A_200, %dma_start3A_201] : memref<2x128x128xf32, #tpu.memory_space<vmem>> -> memref<1x128x128xf32, #tpu.memory_space<vmem>>
          %dma_start3A_203 = tpu.memref_squeeze %dma_start3A_202 : memref<1x128x128xf32, #tpu.memory_space<vmem>> -> memref<128x128xf32, #tpu.memory_space<vmem>>
          %dma_start3A_204 = arith.constant 0 : i32
          %dma_start3A_205 = tpu.memref_slice %arg10[%add3A_144, %dma_start3A_204] : memref<32x128xi32, #tpu.memory_space<vmem>> -> memref<1x128xi32, #tpu.memory_space<vmem>>
          %dma_start3A_206 = tpu.memref_squeeze %dma_start3A_205 : memref<1x128xi32, #tpu.memory_space<vmem>> -> memref<128xi32, #tpu.memory_space<vmem>>
          %dma_start3A_207 = arith.constant 0 : i32
          %dma_start3A_208 = arith.constant 0 : i32
          %dma_start3A_209 = tpu.memref_slice %arg12[%dma_start3A_207, %dma_start3A_208] : memref<10240x128xf32, #tpu.memory_space<vmem_shared>> -> memref<10240x128xf32, #tpu.memory_space<vmem_shared>>
          tpu.enqueue_indirect_dma source(%dma_start3A_203 : memref<128x128xf32, #tpu.memory_space<vmem>>) target(%dma_start3A_209 : memref<10240x128xf32, #tpu.memory_space<vmem_shared>>) offsets(%dma_start3A_206 : memref<128xi32, #tpu.memory_space<vmem>>) semaphore(%run_scoped3A_199 : memref<!tpu.dma_semaphore, #tpu.memory_space<semaphore_mem>>) {add = true}
          %dma_wait3A_210 = arith.constant 0 : i32
          %dma_wait3A_211 = arith.constant 0 : i32
          %dma_wait3A_212 = tpu.memref_slice %arg11[%run_scoped3A_156, %dma_wait3A_210, %dma_wait3A_211] : memref<2x128x128xf32, #tpu.memory_space<vmem>> -> memref<1x128x128xf32, #tpu.memory_space<vmem>>
          %dma_wait3A_213 = tpu.memref_squeeze %dma_wait3A_212 : memref<1x128x128xf32, #tpu.memory_space<vmem>> -> memref<128x128xf32, #tpu.memory_space<vmem>>
          %dma_wait3A_214 = arith.constant 0 : i32
          %dma_wait3A_215 = tpu.memref_slice %arg10[%add3A_144, %dma_wait3A_214] : memref<32x128xi32, #tpu.memory_space<vmem>> -> memref<1x128xi32, #tpu.memory_space<vmem>>
          %dma_wait3A_216 = tpu.memref_squeeze %dma_wait3A_215 : memref<1x128xi32, #tpu.memory_space<vmem>> -> memref<128xi32, #tpu.memory_space<vmem>>
          %dma_wait3A_217 = arith.constant 0 : i32
          %dma_wait3A_218 = arith.constant 0 : i32
          %dma_wait3A_219 = tpu.memref_slice %arg12[%dma_wait3A_217, %dma_wait3A_218] : memref<10240x128xf32, #tpu.memory_space<vmem_shared>> -> memref<10240x128xf32, #tpu.memory_space<vmem_shared>>
          tpu.wait_indirect_dma semaphore(%run_scoped3A_199 : memref<!tpu.dma_semaphore, #tpu.memory_space<semaphore_mem>>) src(%dma_wait3A_213 : memref<128x128xf32, #tpu.memory_space<vmem>>) dst(%dma_wait3A_219 : memref<10240x128xf32, #tpu.memory_space<vmem_shared>>)
          tpu.yield
        }) : () -> ()
        "tpu.region"() ({
          %run_scoped3A_199 = tpu.sem_alloc : memref<!tpu.dma_semaphore, #tpu.memory_space<semaphore_mem>>
          %dma_start3A_200 = arith.constant 0 : i32
          %dma_start3A_201 = tpu.memref_slice %arg10[%add3A_144, %dma_start3A_200] : memref<32x128xi32, #tpu.memory_space<vmem>> -> memref<1x128xi32, #tpu.memory_space<vmem>>
          %dma_start3A_202 = tpu.memref_squeeze %dma_start3A_201 : memref<1x128xi32, #tpu.memory_space<vmem>> -> memref<128xi32, #tpu.memory_space<vmem>>
          %dma_start3A_203 = arith.constant 0 : i32
          %dma_start3A_204 = tpu.memref_slice %arg16[%dma_start3A_203] : memref<10240xf32, #tpu.memory_space<vmem_shared>> -> memref<10240xf32, #tpu.memory_space<vmem_shared>>
          tpu.enqueue_indirect_dma source(%arg15 : memref<128xf32, #tpu.memory_space<vmem>>) target(%dma_start3A_204 : memref<10240xf32, #tpu.memory_space<vmem_shared>>) offsets(%dma_start3A_202 : memref<128xi32, #tpu.memory_space<vmem>>) semaphore(%run_scoped3A_199 : memref<!tpu.dma_semaphore, #tpu.memory_space<semaphore_mem>>) {add = true}
          %dma_wait3A_205 = arith.constant 0 : i32
          %dma_wait3A_206 = tpu.memref_slice %arg10[%add3A_144, %dma_wait3A_205] : memref<32x128xi32, #tpu.memory_space<vmem>> -> memref<1x128xi32, #tpu.memory_space<vmem>>
          %dma_wait3A_207 = tpu.memref_squeeze %dma_wait3A_206 : memref<1x128xi32, #tpu.memory_space<vmem>> -> memref<128xi32, #tpu.memory_space<vmem>>
          %dma_wait3A_208 = arith.constant 0 : i32
          %dma_wait3A_209 = tpu.memref_slice %arg16[%dma_wait3A_208] : memref<10240xf32, #tpu.memory_space<vmem_shared>> -> memref<10240xf32, #tpu.memory_space<vmem_shared>>
          tpu.wait_indirect_dma semaphore(%run_scoped3A_199 : memref<!tpu.dma_semaphore, #tpu.memory_space<semaphore_mem>>) src(%arg15 : memref<128xf32, #tpu.memory_space<vmem>>) dst(%dma_wait3A_209 : memref<10240xf32, #tpu.memory_space<vmem_shared>>)
          tpu.yield
        }) : () -> ()
        %add3A_157 = arith.constant 2 : i32
        %add3A_158 = arith.addi %add3A_144, %add3A_157 : i32
        %dma_start3A_159 = arith.constant 0 : i32
        %dma_start3A_160 = arith.constant 0 : i32
        %dma_start3A_161 = arith.constant 0 : i32
        %dma_start3A_162 = tpu.memref_slice %arg11[%dma_start3A_159, %dma_start3A_160, %dma_start3A_161] : memref<2x128x128xf32, #tpu.memory_space<vmem>> -> memref<1x128x128xf32, #tpu.memory_space<vmem>>
        %dma_start3A_163 = tpu.memref_squeeze %dma_start3A_162 : memref<1x128x128xf32, #tpu.memory_space<vmem>> -> memref<128x128xf32, #tpu.memory_space<vmem>>
        %dma_start3A_164 = arith.constant 0 : i32
        %dma_start3A_165 = tpu.memref_slice %arg9[%add3A_158, %dma_start3A_164] : memref<32x128xi32, #tpu.memory_space<vmem>> -> memref<1x128xi32, #tpu.memory_space<vmem>>
        %dma_start3A_166 = tpu.memref_squeeze %dma_start3A_165 : memref<1x128xi32, #tpu.memory_space<vmem>> -> memref<128xi32, #tpu.memory_space<vmem>>
        %dma_start3A_167 = arith.constant 0 : i32
        %dma_start3A_168 = arith.constant 0 : i32
        %dma_start3A_169 = tpu.memref_slice %arg2[%dma_start3A_167, %dma_start3A_168] : memref<10000x128xf32, #tpu.memory_space<hbm>> -> memref<10000x128xf32, #tpu.memory_space<hbm>>
        tpu.enqueue_indirect_dma source(%dma_start3A_169 : memref<10000x128xf32, #tpu.memory_space<hbm>>) target(%dma_start3A_163 : memref<128x128xf32, #tpu.memory_space<vmem>>) offsets(%dma_start3A_166 : memref<128xi32, #tpu.memory_space<vmem>>) semaphore(%arg13 : memref<!tpu.dma_semaphore, #tpu.memory_space<semaphore_mem>>)
        %mul3A_170 = arith.constant 2 : i32
        %mul3A_171 = arith.muli %scan3A_140, %mul3A_170 : i32
        %add3A_172 = arith.constant 1 : i32
        %add3A_173 = arith.addi %mul3A_171, %add3A_172 : i32
        %dma_wait3A_174 = arith.constant 1 : i32
        %dma_wait3A_175 = arith.constant 0 : i32
        %dma_wait3A_176 = arith.constant 0 : i32
        %dma_wait3A_177 = tpu.memref_slice %arg11[%dma_wait3A_174, %dma_wait3A_175, %dma_wait3A_176] : memref<2x128x128xf32, #tpu.memory_space<vmem>> -> memref<1x128x128xf32, #tpu.memory_space<vmem>>
        %dma_wait3A_178 = tpu.memref_squeeze %dma_wait3A_177 : memref<1x128x128xf32, #tpu.memory_space<vmem>> -> memref<128x128xf32, #tpu.memory_space<vmem>>
        %dma_wait3A_179 = arith.constant 0 : i32
        %dma_wait3A_180 = tpu.memref_slice %arg9[%add3A_173, %dma_wait3A_179] : memref<32x128xi32, #tpu.memory_space<vmem>> -> memref<1x128xi32, #tpu.memory_space<vmem>>
        %dma_wait3A_181 = tpu.memref_squeeze %dma_wait3A_180 : memref<1x128xi32, #tpu.memory_space<vmem>> -> memref<128xi32, #tpu.memory_space<vmem>>
        %dma_wait3A_182 = arith.constant 0 : i32
        %dma_wait3A_183 = arith.constant 0 : i32
        %dma_wait3A_184 = tpu.memref_slice %arg2[%dma_wait3A_182, %dma_wait3A_183] : memref<10000x128xf32, #tpu.memory_space<hbm>> -> memref<10000x128xf32, #tpu.memory_space<hbm>>
        tpu.wait_indirect_dma semaphore(%arg14 : memref<!tpu.dma_semaphore, #tpu.memory_space<semaphore_mem>>) src(%dma_wait3A_184 : memref<10000x128xf32, #tpu.memory_space<hbm>>) dst(%dma_wait3A_178 : memref<128x128xf32, #tpu.memory_space<vmem>>)
        %run_scoped3A_185 = arith.constant 1 : i32
        "tpu.region"() ({
          %run_scoped3A_199 = tpu.sem_alloc : memref<!tpu.dma_semaphore, #tpu.memory_space<semaphore_mem>>
          %dma_start3A_200 = arith.constant 0 : i32
          %dma_start3A_201 = arith.constant 0 : i32
          %dma_start3A_202 = tpu.memref_slice %arg11[%run_scoped3A_185, %dma_start3A_200, %dma_start3A_201] : memref<2x128x128xf32, #tpu.memory_space<vmem>> -> memref<1x128x128xf32, #tpu.memory_space<vmem>>
          %dma_start3A_203 = tpu.memref_squeeze %dma_start3A_202 : memref<1x128x128xf32, #tpu.memory_space<vmem>> -> memref<128x128xf32, #tpu.memory_space<vmem>>
          %dma_start3A_204 = arith.constant 0 : i32
          %dma_start3A_205 = tpu.memref_slice %arg10[%add3A_173, %dma_start3A_204] : memref<32x128xi32, #tpu.memory_space<vmem>> -> memref<1x128xi32, #tpu.memory_space<vmem>>
          %dma_start3A_206 = tpu.memref_squeeze %dma_start3A_205 : memref<1x128xi32, #tpu.memory_space<vmem>> -> memref<128xi32, #tpu.memory_space<vmem>>
          %dma_start3A_207 = arith.constant 0 : i32
          %dma_start3A_208 = arith.constant 0 : i32
          %dma_start3A_209 = tpu.memref_slice %arg12[%dma_start3A_207, %dma_start3A_208] : memref<10240x128xf32, #tpu.memory_space<vmem_shared>> -> memref<10240x128xf32, #tpu.memory_space<vmem_shared>>
          tpu.enqueue_indirect_dma source(%dma_start3A_203 : memref<128x128xf32, #tpu.memory_space<vmem>>) target(%dma_start3A_209 : memref<10240x128xf32, #tpu.memory_space<vmem_shared>>) offsets(%dma_start3A_206 : memref<128xi32, #tpu.memory_space<vmem>>) semaphore(%run_scoped3A_199 : memref<!tpu.dma_semaphore, #tpu.memory_space<semaphore_mem>>) {add = true}
          %dma_wait3A_210 = arith.constant 0 : i32
          %dma_wait3A_211 = arith.constant 0 : i32
          %dma_wait3A_212 = tpu.memref_slice %arg11[%run_scoped3A_185, %dma_wait3A_210, %dma_wait3A_211] : memref<2x128x128xf32, #tpu.memory_space<vmem>> -> memref<1x128x128xf32, #tpu.memory_space<vmem>>
          %dma_wait3A_213 = tpu.memref_squeeze %dma_wait3A_212 : memref<1x128x128xf32, #tpu.memory_space<vmem>> -> memref<128x128xf32, #tpu.memory_space<vmem>>
          %dma_wait3A_214 = arith.constant 0 : i32
          %dma_wait3A_215 = tpu.memref_slice %arg10[%add3A_173, %dma_wait3A_214] : memref<32x128xi32, #tpu.memory_space<vmem>> -> memref<1x128xi32, #tpu.memory_space<vmem>>
          %dma_wait3A_216 = tpu.memref_squeeze %dma_wait3A_215 : memref<1x128xi32, #tpu.memory_space<vmem>> -> memref<128xi32, #tpu.memory_space<vmem>>
          %dma_wait3A_217 = arith.constant 0 : i32
          %dma_wait3A_218 = arith.constant 0 : i32
          %dma_wait3A_219 = tpu.memref_slice %arg12[%dma_wait3A_217, %dma_wait3A_218] : memref<10240x128xf32, #tpu.memory_space<vmem_shared>> -> memref<10240x128xf32, #tpu.memory_space<vmem_shared>>
          tpu.wait_indirect_dma semaphore(%run_scoped3A_199 : memref<!tpu.dma_semaphore, #tpu.memory_space<semaphore_mem>>) src(%dma_wait3A_213 : memref<128x128xf32, #tpu.memory_space<vmem>>) dst(%dma_wait3A_219 : memref<10240x128xf32, #tpu.memory_space<vmem_shared>>)
          tpu.yield
        }) : () -> ()
        "tpu.region"() ({
          %run_scoped3A_199 = tpu.sem_alloc : memref<!tpu.dma_semaphore, #tpu.memory_space<semaphore_mem>>
          %dma_start3A_200 = arith.constant 0 : i32
          %dma_start3A_201 = tpu.memref_slice %arg10[%add3A_173, %dma_start3A_200] : memref<32x128xi32, #tpu.memory_space<vmem>> -> memref<1x128xi32, #tpu.memory_space<vmem>>
          %dma_start3A_202 = tpu.memref_squeeze %dma_start3A_201 : memref<1x128xi32, #tpu.memory_space<vmem>> -> memref<128xi32, #tpu.memory_space<vmem>>
          %dma_start3A_203 = arith.constant 0 : i32
          %dma_start3A_204 = tpu.memref_slice %arg16[%dma_start3A_203] : memref<10240xf32, #tpu.memory_space<vmem_shared>> -> memref<10240xf32, #tpu.memory_space<vmem_shared>>
          tpu.enqueue_indirect_dma source(%arg15 : memref<128xf32, #tpu.memory_space<vmem>>) target(%dma_start3A_204 : memref<10240xf32, #tpu.memory_space<vmem_shared>>) offsets(%dma_start3A_202 : memref<128xi32, #tpu.memory_space<vmem>>) semaphore(%run_scoped3A_199 : memref<!tpu.dma_semaphore, #tpu.memory_space<semaphore_mem>>) {add = true}
          %dma_wait3A_205 = arith.constant 0 : i32
          %dma_wait3A_206 = tpu.memref_slice %arg10[%add3A_173, %dma_wait3A_205] : memref<32x128xi32, #tpu.memory_space<vmem>> -> memref<1x128xi32, #tpu.memory_space<vmem>>
          %dma_wait3A_207 = tpu.memref_squeeze %dma_wait3A_206 : memref<1x128xi32, #tpu.memory_space<vmem>> -> memref<128xi32, #tpu.memory_space<vmem>>
          %dma_wait3A_208 = arith.constant 0 : i32
          %dma_wait3A_209 = tpu.memref_slice %arg16[%dma_wait3A_208] : memref<10240xf32, #tpu.memory_space<vmem_shared>> -> memref<10240xf32, #tpu.memory_space<vmem_shared>>
          tpu.wait_indirect_dma semaphore(%run_scoped3A_199 : memref<!tpu.dma_semaphore, #tpu.memory_space<semaphore_mem>>) src(%arg15 : memref<128xf32, #tpu.memory_space<vmem>>) dst(%dma_wait3A_209 : memref<10240xf32, #tpu.memory_space<vmem_shared>>)
          tpu.yield
        }) : () -> ()
        %add3A_186 = arith.constant 2 : i32
        %add3A_187 = arith.addi %add3A_173, %add3A_186 : i32
        %dma_start3A_188 = arith.constant 1 : i32
        %dma_start3A_189 = arith.constant 0 : i32
        %dma_start3A_190 = arith.constant 0 : i32
        %dma_start3A_191 = tpu.memref_slice %arg11[%dma_start3A_188, %dma_start3A_189, %dma_start3A_190] : memref<2x128x128xf32, #tpu.memory_space<vmem>> -> memref<1x128x128xf32, #tpu.memory_space<vmem>>
        %dma_start3A_192 = tpu.memref_squeeze %dma_start3A_191 : memref<1x128x128xf32, #tpu.memory_space<vmem>> -> memref<128x128xf32, #tpu.memory_space<vmem>>
        %dma_start3A_193 = arith.constant 0 : i32
        %dma_start3A_194 = tpu.memref_slice %arg9[%add3A_187, %dma_start3A_193] : memref<32x128xi32, #tpu.memory_space<vmem>> -> memref<1x128xi32, #tpu.memory_space<vmem>>
        %dma_start3A_195 = tpu.memref_squeeze %dma_start3A_194 : memref<1x128xi32, #tpu.memory_space<vmem>> -> memref<128xi32, #tpu.memory_space<vmem>>
        %dma_start3A_196 = arith.constant 0 : i32
        %dma_start3A_197 = arith.constant 0 : i32
        %dma_start3A_198 = tpu.memref_slice %arg2[%dma_start3A_196, %dma_start3A_197] : memref<10000x128xf32, #tpu.memory_space<hbm>> -> memref<10000x128xf32, #tpu.memory_space<hbm>>
        tpu.enqueue_indirect_dma source(%dma_start3A_198 : memref<10000x128xf32, #tpu.memory_space<hbm>>) target(%dma_start3A_192 : memref<128x128xf32, #tpu.memory_space<vmem>>) offsets(%dma_start3A_195 : memref<128xi32, #tpu.memory_space<vmem>>) semaphore(%arg14 : memref<!tpu.dma_semaphore, #tpu.memory_space<semaphore_mem>>)
      }
      %scan3A_111 = arith.constant 15 : i32
      %dma_wait3A = arith.constant 30 : i32
      %dma_wait3A_112 = arith.constant 0 : i32
      %dma_wait3A_113 = arith.constant 0 : i32
      %dma_wait3A_114 = arith.constant 0 : i32
      %dma_wait3A_115 = tpu.memref_slice %arg11[%dma_wait3A_112, %dma_wait3A_113, %dma_wait3A_114] : memref<2x128x128xf32, #tpu.memory_space<vmem>> -> memref<1x128x128xf32, #tpu.memory_space<vmem>>
      %dma_wait3A_116 = tpu.memref_squeeze %dma_wait3A_115 : memref<1x128x128xf32, #tpu.memory_space<vmem>> -> memref<128x128xf32, #tpu.memory_space<vmem>>
      %dma_wait3A_117 = arith.constant 0 : i32
      %dma_wait3A_118 = tpu.memref_slice %arg9[%dma_wait3A, %dma_wait3A_117] : memref<32x128xi32, #tpu.memory_space<vmem>> -> memref<1x128xi32, #tpu.memory_space<vmem>>
      %dma_wait3A_119 = tpu.memref_squeeze %dma_wait3A_118 : memref<1x128xi32, #tpu.memory_space<vmem>> -> memref<128xi32, #tpu.memory_space<vmem>>
      %dma_wait3A_120 = arith.constant 0 : i32
      %dma_wait3A_121 = arith.constant 0 : i32
      %dma_wait3A_122 = tpu.memref_slice %arg2[%dma_wait3A_120, %dma_wait3A_121] : memref<10000x128xf32, #tpu.memory_space<hbm>> -> memref<10000x128xf32, #tpu.memory_space<hbm>>
      tpu.wait_indirect_dma semaphore(%arg13 : memref<!tpu.dma_semaphore, #tpu.memory_space<semaphore_mem>>) src(%dma_wait3A_122 : memref<10000x128xf32, #tpu.memory_space<hbm>>) dst(%dma_wait3A_116 : memref<128x128xf32, #tpu.memory_space<vmem>>)
      %run_scoped3A = arith.constant 0 : i32
      %run_scoped3A_123 = arith.constant 30 : i32
      "tpu.region"() ({
        %run_scoped3A_140 = tpu.sem_alloc : memref<!tpu.dma_semaphore, #tpu.memory_space<semaphore_mem>>
        %dma_start3A_141 = arith.constant 0 : i32
        %dma_start3A_142 = arith.constant 0 : i32
        %dma_start3A_143 = tpu.memref_slice %arg11[%run_scoped3A, %dma_start3A_141, %dma_start3A_142] : memref<2x128x128xf32, #tpu.memory_space<vmem>> -> memref<1x128x128xf32, #tpu.memory_space<vmem>>
        %dma_start3A_144 = tpu.memref_squeeze %dma_start3A_143 : memref<1x128x128xf32, #tpu.memory_space<vmem>> -> memref<128x128xf32, #tpu.memory_space<vmem>>
        %dma_start3A_145 = arith.constant 0 : i32
        %dma_start3A_146 = tpu.memref_slice %arg10[%run_scoped3A_123, %dma_start3A_145] : memref<32x128xi32, #tpu.memory_space<vmem>> -> memref<1x128xi32, #tpu.memory_space<vmem>>
        %dma_start3A_147 = tpu.memref_squeeze %dma_start3A_146 : memref<1x128xi32, #tpu.memory_space<vmem>> -> memref<128xi32, #tpu.memory_space<vmem>>
        %dma_start3A_148 = arith.constant 0 : i32
        %dma_start3A_149 = arith.constant 0 : i32
        %dma_start3A_150 = tpu.memref_slice %arg12[%dma_start3A_148, %dma_start3A_149] : memref<10240x128xf32, #tpu.memory_space<vmem_shared>> -> memref<10240x128xf32, #tpu.memory_space<vmem_shared>>
        tpu.enqueue_indirect_dma source(%dma_start3A_144 : memref<128x128xf32, #tpu.memory_space<vmem>>) target(%dma_start3A_150 : memref<10240x128xf32, #tpu.memory_space<vmem_shared>>) offsets(%dma_start3A_147 : memref<128xi32, #tpu.memory_space<vmem>>) semaphore(%run_scoped3A_140 : memref<!tpu.dma_semaphore, #tpu.memory_space<semaphore_mem>>) {add = true}
        %dma_wait3A_151 = arith.constant 0 : i32
        %dma_wait3A_152 = arith.constant 0 : i32
        %dma_wait3A_153 = tpu.memref_slice %arg11[%run_scoped3A, %dma_wait3A_151, %dma_wait3A_152] : memref<2x128x128xf32, #tpu.memory_space<vmem>> -> memref<1x128x128xf32, #tpu.memory_space<vmem>>
        %dma_wait3A_154 = tpu.memref_squeeze %dma_wait3A_153 : memref<1x128x128xf32, #tpu.memory_space<vmem>> -> memref<128x128xf32, #tpu.memory_space<vmem>>
        %dma_wait3A_155 = arith.constant 0 : i32
        %dma_wait3A_156 = tpu.memref_slice %arg10[%run_scoped3A_123, %dma_wait3A_155] : memref<32x128xi32, #tpu.memory_space<vmem>> -> memref<1x128xi32, #tpu.memory_space<vmem>>
        %dma_wait3A_157 = tpu.memref_squeeze %dma_wait3A_156 : memref<1x128xi32, #tpu.memory_space<vmem>> -> memref<128xi32, #tpu.memory_space<vmem>>
        %dma_wait3A_158 = arith.constant 0 : i32
        %dma_wait3A_159 = arith.constant 0 : i32
        %dma_wait3A_160 = tpu.memref_slice %arg12[%dma_wait3A_158, %dma_wait3A_159] : memref<10240x128xf32, #tpu.memory_space<vmem_shared>> -> memref<10240x128xf32, #tpu.memory_space<vmem_shared>>
        tpu.wait_indirect_dma semaphore(%run_scoped3A_140 : memref<!tpu.dma_semaphore, #tpu.memory_space<semaphore_mem>>) src(%dma_wait3A_154 : memref<128x128xf32, #tpu.memory_space<vmem>>) dst(%dma_wait3A_160 : memref<10240x128xf32, #tpu.memory_space<vmem_shared>>)
        tpu.yield
      }) : () -> ()
      %run_scoped3A_124 = arith.constant 30 : i32
      "tpu.region"() ({
        %run_scoped3A_140 = tpu.sem_alloc : memref<!tpu.dma_semaphore, #tpu.memory_space<semaphore_mem>>
        %dma_start3A_141 = arith.constant 0 : i32
        %dma_start3A_142 = tpu.memref_slice %arg10[%run_scoped3A_124, %dma_start3A_141] : memref<32x128xi32, #tpu.memory_space<vmem>> -> memref<1x128xi32, #tpu.memory_space<vmem>>
        %dma_start3A_143 = tpu.memref_squeeze %dma_start3A_142 : memref<1x128xi32, #tpu.memory_space<vmem>> -> memref<128xi32, #tpu.memory_space<vmem>>
        %dma_start3A_144 = arith.constant 0 : i32
        %dma_start3A_145 = tpu.memref_slice %arg16[%dma_start3A_144] : memref<10240xf32, #tpu.memory_space<vmem_shared>> -> memref<10240xf32, #tpu.memory_space<vmem_shared>>
        tpu.enqueue_indirect_dma source(%arg15 : memref<128xf32, #tpu.memory_space<vmem>>) target(%dma_start3A_145 : memref<10240xf32, #tpu.memory_space<vmem_shared>>) offsets(%dma_start3A_143 : memref<128xi32, #tpu.memory_space<vmem>>) semaphore(%run_scoped3A_140 : memref<!tpu.dma_semaphore, #tpu.memory_space<semaphore_mem>>) {add = true}
        %dma_wait3A_146 = arith.constant 0 : i32
        %dma_wait3A_147 = tpu.memref_slice %arg10[%run_scoped3A_124, %dma_wait3A_146] : memref<32x128xi32, #tpu.memory_space<vmem>> -> memref<1x128xi32, #tpu.memory_space<vmem>>
        %dma_wait3A_148 = tpu.memref_squeeze %dma_wait3A_147 : memref<1x128xi32, #tpu.memory_space<vmem>> -> memref<128xi32, #tpu.memory_space<vmem>>
        %dma_wait3A_149 = arith.constant 0 : i32
        %dma_wait3A_150 = tpu.memref_slice %arg16[%dma_wait3A_149] : memref<10240xf32, #tpu.memory_space<vmem_shared>> -> memref<10240xf32, #tpu.memory_space<vmem_shared>>
        tpu.wait_indirect_dma semaphore(%run_scoped3A_140 : memref<!tpu.dma_semaphore, #tpu.memory_space<semaphore_mem>>) src(%arg15 : memref<128xf32, #tpu.memory_space<vmem>>) dst(%dma_wait3A_150 : memref<10240xf32, #tpu.memory_space<vmem_shared>>)
        tpu.yield
      }) : () -> ()
      %dma_wait3A_125 = arith.constant 31 : i32
      %dma_wait3A_126 = arith.constant 1 : i32
      %dma_wait3A_127 = arith.constant 0 : i32
      %dma_wait3A_128 = arith.constant 0 : i32
      %dma_wait3A_129 = tpu.memref_slice %arg11[%dma_wait3A_126, %dma_wait3A_127, %dma_wait3A_128] : memref<2x128x128xf32, #tpu.memory_space<vmem>> -> memref<1x128x128xf32, #tpu.memory_space<vmem>>
      %dma_wait3A_130 = tpu.memref_squeeze %dma_wait3A_129 : memref<1x128x128xf32, #tpu.memory_space<vmem>> -> memref<128x128xf32, #tpu.memory_space<vmem>>
      %dma_wait3A_131 = arith.constant 0 : i32
      %dma_wait3A_132 = tpu.memref_slice %arg9[%dma_wait3A_125, %dma_wait3A_131] : memref<32x128xi32, #tpu.memory_space<vmem>> -> memref<1x128xi32, #tpu.memory_space<vmem>>
      %dma_wait3A_133 = tpu.memref_squeeze %dma_wait3A_132 : memref<1x128xi32, #tpu.memory_space<vmem>> -> memref<128xi32, #tpu.memory_space<vmem>>
      %dma_wait3A_134 = arith.constant 0 : i32
      %dma_wait3A_135 = arith.constant 0 : i32
      %dma_wait3A_136 = tpu.memref_slice %arg2[%dma_wait3A_134, %dma_wait3A_135] : memref<10000x128xf32, #tpu.memory_space<hbm>> -> memref<10000x128xf32, #tpu.memory_space<hbm>>
      tpu.wait_indirect_dma semaphore(%arg14 : memref<!tpu.dma_semaphore, #tpu.memory_space<semaphore_mem>>) src(%dma_wait3A_136 : memref<10000x128xf32, #tpu.memory_space<hbm>>) dst(%dma_wait3A_130 : memref<128x128xf32, #tpu.memory_space<vmem>>)
      %run_scoped3A_137 = arith.constant 1 : i32
      %run_scoped3A_138 = arith.constant 31 : i32
      "tpu.region"() ({
        %run_scoped3A_140 = tpu.sem_alloc : memref<!tpu.dma_semaphore, #tpu.memory_space<semaphore_mem>>
        %dma_start3A_141 = arith.constant 0 : i32
        %dma_start3A_142 = arith.constant 0 : i32
        %dma_start3A_143 = tpu.memref_slice %arg11[%run_scoped3A_137, %dma_start3A_141, %dma_start3A_142] : memref<2x128x128xf32, #tpu.memory_space<vmem>> -> memref<1x128x128xf32, #tpu.memory_space<vmem>>
        %dma_start3A_144 = tpu.memref_squeeze %dma_start3A_143 : memref<1x128x128xf32, #tpu.memory_space<vmem>> -> memref<128x128xf32, #tpu.memory_space<vmem>>
        %dma_start3A_145 = arith.constant 0 : i32
        %dma_start3A_146 = tpu.memref_slice %arg10[%run_scoped3A_138, %dma_start3A_145] : memref<32x128xi32, #tpu.memory_space<vmem>> -> memref<1x128xi32, #tpu.memory_space<vmem>>
        %dma_start3A_147 = tpu.memref_squeeze %dma_start3A_146 : memref<1x128xi32, #tpu.memory_space<vmem>> -> memref<128xi32, #tpu.memory_space<vmem>>
        %dma_start3A_148 = arith.constant 0 : i32
        %dma_start3A_149 = arith.constant 0 : i32
        %dma_start3A_150 = tpu.memref_slice %arg12[%dma_start3A_148, %dma_start3A_149] : memref<10240x128xf32, #tpu.memory_space<vmem_shared>> -> memref<10240x128xf32, #tpu.memory_space<vmem_shared>>
        tpu.enqueue_indirect_dma source(%dma_start3A_144 : memref<128x128xf32, #tpu.memory_space<vmem>>) target(%dma_start3A_150 : memref<10240x128xf32, #tpu.memory_space<vmem_shared>>) offsets(%dma_start3A_147 : memref<128xi32, #tpu.memory_space<vmem>>) semaphore(%run_scoped3A_140 : memref<!tpu.dma_semaphore, #tpu.memory_space<semaphore_mem>>) {add = true}
        %dma_wait3A_151 = arith.constant 0 : i32
        %dma_wait3A_152 = arith.constant 0 : i32
        %dma_wait3A_153 = tpu.memref_slice %arg11[%run_scoped3A_137, %dma_wait3A_151, %dma_wait3A_152] : memref<2x128x128xf32, #tpu.memory_space<vmem>> -> memref<1x128x128xf32, #tpu.memory_space<vmem>>
        %dma_wait3A_154 = tpu.memref_squeeze %dma_wait3A_153 : memref<1x128x128xf32, #tpu.memory_space<vmem>> -> memref<128x128xf32, #tpu.memory_space<vmem>>
        %dma_wait3A_155 = arith.constant 0 : i32
        %dma_wait3A_156 = tpu.memref_slice %arg10[%run_scoped3A_138, %dma_wait3A_155] : memref<32x128xi32, #tpu.memory_space<vmem>> -> memref<1x128xi32, #tpu.memory_space<vmem>>
        %dma_wait3A_157 = tpu.memref_squeeze %dma_wait3A_156 : memref<1x128xi32, #tpu.memory_space<vmem>> -> memref<128xi32, #tpu.memory_space<vmem>>
        %dma_wait3A_158 = arith.constant 0 : i32
        %dma_wait3A_159 = arith.constant 0 : i32
        %dma_wait3A_160 = tpu.memref_slice %arg12[%dma_wait3A_158, %dma_wait3A_159] : memref<10240x128xf32, #tpu.memory_space<vmem_shared>> -> memref<10240x128xf32, #tpu.memory_space<vmem_shared>>
        tpu.wait_indirect_dma semaphore(%run_scoped3A_140 : memref<!tpu.dma_semaphore, #tpu.memory_space<semaphore_mem>>) src(%dma_wait3A_154 : memref<128x128xf32, #tpu.memory_space<vmem>>) dst(%dma_wait3A_160 : memref<10240x128xf32, #tpu.memory_space<vmem_shared>>)
        tpu.yield
      }) : () -> ()
      %run_scoped3A_139 = arith.constant 31 : i32
      "tpu.region"() ({
        %run_scoped3A_140 = tpu.sem_alloc : memref<!tpu.dma_semaphore, #tpu.memory_space<semaphore_mem>>
        %dma_start3A_141 = arith.constant 0 : i32
        %dma_start3A_142 = tpu.memref_slice %arg10[%run_scoped3A_139, %dma_start3A_141] : memref<32x128xi32, #tpu.memory_space<vmem>> -> memref<1x128xi32, #tpu.memory_space<vmem>>
        %dma_start3A_143 = tpu.memref_squeeze %dma_start3A_142 : memref<1x128xi32, #tpu.memory_space<vmem>> -> memref<128xi32, #tpu.memory_space<vmem>>
        %dma_start3A_144 = arith.constant 0 : i32
        %dma_start3A_145 = tpu.memref_slice %arg16[%dma_start3A_144] : memref<10240xf32, #tpu.memory_space<vmem_shared>> -> memref<10240xf32, #tpu.memory_space<vmem_shared>>
        tpu.enqueue_indirect_dma source(%arg15 : memref<128xf32, #tpu.memory_space<vmem>>) target(%dma_start3A_145 : memref<10240xf32, #tpu.memory_space<vmem_shared>>) offsets(%dma_start3A_143 : memref<128xi32, #tpu.memory_space<vmem>>) semaphore(%run_scoped3A_140 : memref<!tpu.dma_semaphore, #tpu.memory_space<semaphore_mem>>) {add = true}
        %dma_wait3A_146 = arith.constant 0 : i32
        %dma_wait3A_147 = tpu.memref_slice %arg10[%run_scoped3A_139, %dma_wait3A_146] : memref<32x128xi32, #tpu.memory_space<vmem>> -> memref<1x128xi32, #tpu.memory_space<vmem>>
        %dma_wait3A_148 = tpu.memref_squeeze %dma_wait3A_147 : memref<1x128xi32, #tpu.memory_space<vmem>> -> memref<128xi32, #tpu.memory_space<vmem>>
        %dma_wait3A_149 = arith.constant 0 : i32
        %dma_wait3A_150 = tpu.memref_slice %arg16[%dma_wait3A_149] : memref<10240xf32, #tpu.memory_space<vmem_shared>> -> memref<10240xf32, #tpu.memory_space<vmem_shared>>
        tpu.wait_indirect_dma semaphore(%run_scoped3A_140 : memref<!tpu.dma_semaphore, #tpu.memory_space<semaphore_mem>>) src(%arg15 : memref<128xf32, #tpu.memory_space<vmem>>) dst(%dma_wait3A_150 : memref<10240xf32, #tpu.memory_space<vmem_shared>>)
        tpu.yield
      }) : () -> ()
    }
    %barrier3A_78 = arith.constant 0 : index
    tpu.barrier barrier_id(%barrier3A_78)
    "tpu.region"() ({
      %run_scoped3A = tpu.sem_alloc : memref<!tpu.dma_semaphore, #tpu.memory_space<semaphore_mem>>
      %dma_start3A = arith.constant 0 : i32
      %dma_start3A_79 = tpu.memref_slice %arg7[%arg0, %mul3A_2, %dma_start3A] : memref<2x10240x128xf32, #tpu.memory_space<hbm>> -> memref<1x640x128xf32, #tpu.memory_space<hbm>>
      %dma_start3A_80 = tpu.memref_squeeze %dma_start3A_79 : memref<1x640x128xf32, #tpu.memory_space<hbm>> -> memref<640x128xf32, #tpu.memory_space<hbm>>
      %dma_start3A_81 = arith.constant 0 : i32
      %dma_start3A_82 = tpu.memref_slice %arg12[%mul3A_2, %dma_start3A_81] : memref<10240x128xf32, #tpu.memory_space<vmem_shared>> -> memref<640x128xf32, #tpu.memory_space<vmem_shared>>
      tpu.enqueue_dma source(%dma_start3A_82 : memref<640x128xf32, #tpu.memory_space<vmem_shared>>) target(%dma_start3A_80 : memref<640x128xf32, #tpu.memory_space<hbm>>) target_semaphore(%run_scoped3A : memref<!tpu.dma_semaphore, #tpu.memory_space<semaphore_mem>>)
      %dma_wait3A = arith.constant 0 : i32
      %dma_wait3A_83 = tpu.memref_slice %arg7[%arg0, %mul3A_2, %dma_wait3A] : memref<2x10240x128xf32, #tpu.memory_space<hbm>> -> memref<1x640x128xf32, #tpu.memory_space<hbm>>
      %dma_wait3A_84 = tpu.memref_squeeze %dma_wait3A_83 : memref<1x640x128xf32, #tpu.memory_space<hbm>> -> memref<640x128xf32, #tpu.memory_space<hbm>>
      %dma_wait3A_85 = arith.constant 0 : i32
      %dma_wait3A_86 = tpu.memref_slice %arg12[%mul3A_2, %dma_wait3A_85] : memref<10240x128xf32, #tpu.memory_space<vmem_shared>> -> memref<640x128xf32, #tpu.memory_space<vmem_shared>>
      tpu.wait_dma2 semaphore(%run_scoped3A : memref<!tpu.dma_semaphore, #tpu.memory_space<semaphore_mem>>) src(%dma_wait3A_86 : memref<640x128xf32, #tpu.memory_space<vmem_shared>>) dst(%dma_wait3A_84 : memref<640x128xf32, #tpu.memory_space<hbm>>)
      tpu.yield
    }) : () -> ()
    "tpu.region"() ({
      %run_scoped3A = tpu.sem_alloc : memref<!tpu.dma_semaphore, #tpu.memory_space<semaphore_mem>>
      %dma_start3A = tpu.memref_slice %arg8[%arg0, %mul3A_2] : memref<2x10240xf32, #tpu.memory_space<hbm>> -> memref<1x640xf32, #tpu.memory_space<hbm>>
      %dma_start3A_79 = tpu.memref_squeeze %dma_start3A : memref<1x640xf32, #tpu.memory_space<hbm>> -> memref<640xf32, #tpu.memory_space<hbm>>
      %dma_start3A_80 = tpu.memref_slice %arg16[%mul3A_2] : memref<10240xf32, #tpu.memory_space<vmem_shared>> -> memref<640xf32, #tpu.memory_space<vmem_shared>>
      tpu.enqueue_dma source(%dma_start3A_80 : memref<640xf32, #tpu.memory_space<vmem_shared>>) target(%dma_start3A_79 : memref<640xf32, #tpu.memory_space<hbm>>) target_semaphore(%run_scoped3A : memref<!tpu.dma_semaphore, #tpu.memory_space<semaphore_mem>>)
      %dma_wait3A = tpu.memref_slice %arg8[%arg0, %mul3A_2] : memref<2x10240xf32, #tpu.memory_space<hbm>> -> memref<1x640xf32, #tpu.memory_space<hbm>>
      %dma_wait3A_81 = tpu.memref_squeeze %dma_wait3A : memref<1x640xf32, #tpu.memory_space<hbm>> -> memref<640xf32, #tpu.memory_space<hbm>>
      %dma_wait3A_82 = tpu.memref_slice %arg16[%mul3A_2] : memref<10240xf32, #tpu.memory_space<vmem_shared>> -> memref<640xf32, #tpu.memory_space<vmem_shared>>
      tpu.wait_dma2 semaphore(%run_scoped3A : memref<!tpu.dma_semaphore, #tpu.memory_space<semaphore_mem>>) src(%dma_wait3A_82 : memref<640xf32, #tpu.memory_space<vmem_shared>>) dst(%dma_wait3A_81 : memref<640xf32, #tpu.memory_space<hbm>>)
      tpu.yield
    }) : () -> ()
    return
  }
}

#map = affine_map<(d0, d1) -> (0, 0)>
#map1 = affine_map<(d0, d1) -> (0, 0, 0)>
#map2 = affine_map<(d0, d1) -> (0)>
module attributes {stable_mosaic.version = 14 : i64} {
  func.func @sc_agg(%arg0: i32, %arg1: i32, %arg2: memref<10000x128xf32, #tpu.memory_space<hbm>>, %arg3: memref<32x128x128xi32, #tpu.memory_space<hbm>>, %arg4: memref<32x128x128xi32, #tpu.memory_space<hbm>>, %arg5: memref<10240x128xf32, #tpu.memory_space<hbm>>, %arg6: memref<10240xf32, #tpu.memory_space<hbm>>, %arg7: memref<2x10240x128xf32, #tpu.memory_space<hbm>>, %arg8: memref<32x128xi32, #tpu.memory_space<vmem>>, %arg9: memref<32x128xi32, #tpu.memory_space<vmem>>, %arg10: memref<2x128x128xf32, #tpu.memory_space<vmem>>, %arg11: memref<10240x128xf32, #tpu.memory_space<vmem_shared>>, %arg12: memref<!tpu.dma_semaphore, #tpu.memory_space<semaphore_mem>>, %arg13: memref<!tpu.dma_semaphore, #tpu.memory_space<semaphore_mem>>) attributes {dimension_semantics = [#tpu.dimension_semantics<core_parallel>, #tpu.dimension_semantics<subcore_parallel>], iteration_bounds = array<i64: 2, 16>, scalar_prefetch = 0 : i64, scratch_operands = 6 : i64, tpu.core_type = #tpu.core_type<sc_vector_subcore>, window_params = [{transform_indices = #map}, {transform_indices = #map1}, {transform_indices = #map1}, {transform_indices = #map}, {transform_indices = #map2}, {transform_indices = #map1}]} {
    %mul3A = arith.constant 16 : i32
    %mul3A_0 = arith.muli %arg0, %mul3A : i32
    %add3A = arith.addi %mul3A_0, %arg1 : i32
    %mul3A_1 = arith.constant 640 : i32
    %mul3A_2 = arith.muli %arg1, %mul3A_1 : i32
    "tpu.region"() ({
      %run_scoped3A = tpu.sem_alloc : memref<!tpu.dma_semaphore, #tpu.memory_space<semaphore_mem>>
      %dma_start3A = arith.constant 0 : i32
      %dma_start3A_33 = tpu.memref_slice %arg11[%mul3A_2, %dma_start3A] : memref<10240x128xf32, #tpu.memory_space<vmem_shared>> -> memref<640x128xf32, #tpu.memory_space<vmem_shared>>
      %dma_start3A_34 = arith.constant 0 : i32
      %dma_start3A_35 = tpu.memref_slice %arg5[%mul3A_2, %dma_start3A_34] : memref<10240x128xf32, #tpu.memory_space<hbm>> -> memref<640x128xf32, #tpu.memory_space<hbm>>
      tpu.enqueue_dma source(%dma_start3A_35 : memref<640x128xf32, #tpu.memory_space<hbm>>) target(%dma_start3A_33 : memref<640x128xf32, #tpu.memory_space<vmem_shared>>) target_semaphore(%run_scoped3A : memref<!tpu.dma_semaphore, #tpu.memory_space<semaphore_mem>>)
      %dma_wait3A = arith.constant 0 : i32
      %dma_wait3A_36 = tpu.memref_slice %arg11[%mul3A_2, %dma_wait3A] : memref<10240x128xf32, #tpu.memory_space<vmem_shared>> -> memref<640x128xf32, #tpu.memory_space<vmem_shared>>
      %dma_wait3A_37 = arith.constant 0 : i32
      %dma_wait3A_38 = tpu.memref_slice %arg5[%mul3A_2, %dma_wait3A_37] : memref<10240x128xf32, #tpu.memory_space<hbm>> -> memref<640x128xf32, #tpu.memory_space<hbm>>
      tpu.wait_dma2 semaphore(%run_scoped3A : memref<!tpu.dma_semaphore, #tpu.memory_space<semaphore_mem>>) src(%dma_wait3A_38 : memref<640x128xf32, #tpu.memory_space<hbm>>) dst(%dma_wait3A_36 : memref<640x128xf32, #tpu.memory_space<vmem_shared>>)
      tpu.yield
    }) : () -> ()
    %barrier3A = arith.constant 0 : index
    tpu.barrier barrier_id(%barrier3A)
    %eq3A = arith.constant 0 : i32
    %eq3A_3 = arith.cmpi eq, %arg0, %eq3A : i32
    %jit3A = arith.constant 128 : i32
    %jit3A_4 = arith.constant 32 : i32
    %select_n3A = arith.select %eq3A_3, %jit3A, %jit3A_4 : i32
    %jit3A_5 = arith.constant 32 : i32
    %div3A = arith.divsi %select_n3A, %jit3A_5 : i32
    %sign3A = arith.constant 0 : i32
    %sign3A_6 = arith.cmpi sgt, %select_n3A, %sign3A : i32
    %sign3A_7 = arith.extui %sign3A_6 : i1 to i32
    %sign3A_8 = arith.constant 0 : i32
    %sign3A_9 = arith.cmpi slt, %select_n3A, %sign3A_8 : i32
    %sign3A_10 = arith.extui %sign3A_9 : i1 to i32
    %sign3A_11 = arith.subi %sign3A_7, %sign3A_10 : i32
    %sign3A_12 = arith.constant 0 : i32
    %sign3A_13 = arith.cmpi sgt, %jit3A_5, %sign3A_12 : i32
    %sign3A_14 = arith.extui %sign3A_13 : i1 to i32
    %sign3A_15 = arith.constant 0 : i32
    %sign3A_16 = arith.cmpi slt, %jit3A_5, %sign3A_15 : i32
    %sign3A_17 = arith.extui %sign3A_16 : i1 to i32
    %sign3A_18 = arith.subi %sign3A_14, %sign3A_17 : i32
    %ne3A = arith.cmpi ne, %sign3A_11, %sign3A_18 : i32
    %rem3A = arith.remsi %select_n3A, %jit3A_5 : i32
    %ne3A_19 = arith.constant 0 : i32
    %ne3A_20 = arith.cmpi ne, %rem3A, %ne3A_19 : i32
    %and3A = arith.andi %ne3A, %ne3A_20 : i1
    %sub3A = arith.constant 1 : i32
    %sub3A_21 = arith.subi %div3A, %sub3A : i32
    %select_n3A_22 = arith.select %and3A, %sub3A_21, %div3A : i32
    %while3A = arith.constant 0 : i32
    %while3A_23 = arith.constant 0 : i32
    %while3A_24 = arith.subi %select_n3A_22, %while3A_23 : i32
    %while3A_25 = arith.addi %while3A_23, %while3A_24 : i32
    %while3A_26 = arith.constant 1 : i32
    %while3A_27 = arith.divsi %while3A_24, %while3A_26 : i32
    %while3A_28 = arith.muli %while3A_27, %while3A_26 : i32
    %while3A_29 = arith.addi %while3A_23, %while3A_28 : i32
    %while3A_30 = arith.constant 1 : i32
    scf.for %while3A_33 = %while3A_23 to %while3A_29 step %while3A_30  : i32 {
      %mul3A_34 = arith.constant 32 : i32
      %mul3A_35 = arith.muli %while3A_33, %mul3A_34 : i32
      "tpu.region"() ({
        %run_scoped3A_92 = tpu.sem_alloc : memref<!tpu.dma_semaphore, #tpu.memory_space<semaphore_mem>>
        %dma_start3A_93 = arith.constant 0 : i32
        %dma_start3A_94 = tpu.memref_slice %arg3[%add3A, %mul3A_35, %dma_start3A_93] : memref<32x128x128xi32, #tpu.memory_space<hbm>> -> memref<1x32x128xi32, #tpu.memory_space<hbm>>
        %dma_start3A_95 = tpu.memref_squeeze %dma_start3A_94 : memref<1x32x128xi32, #tpu.memory_space<hbm>> -> memref<32x128xi32, #tpu.memory_space<hbm>>
        %dma_start3A_96 = arith.constant 0 : i32
        %dma_start3A_97 = tpu.memref_slice %arg3[%add3A, %mul3A_35, %dma_start3A_96] : memref<32x128x128xi32, #tpu.memory_space<hbm>> -> memref<1x32x128xi32, #tpu.memory_space<hbm>>
        %dma_start3A_98 = tpu.memref_squeeze %dma_start3A_97 : memref<1x32x128xi32, #tpu.memory_space<hbm>> -> memref<32x128xi32, #tpu.memory_space<hbm>>
        tpu.enqueue_dma source(%dma_start3A_98 : memref<32x128xi32, #tpu.memory_space<hbm>>) target(%arg8 : memref<32x128xi32, #tpu.memory_space<vmem>>) target_semaphore(%run_scoped3A_92 : memref<!tpu.dma_semaphore, #tpu.memory_space<semaphore_mem>>)
        %dma_wait3A_99 = arith.constant 0 : i32
        %dma_wait3A_100 = tpu.memref_slice %arg3[%add3A, %mul3A_35, %dma_wait3A_99] : memref<32x128x128xi32, #tpu.memory_space<hbm>> -> memref<1x32x128xi32, #tpu.memory_space<hbm>>
        %dma_wait3A_101 = tpu.memref_squeeze %dma_wait3A_100 : memref<1x32x128xi32, #tpu.memory_space<hbm>> -> memref<32x128xi32, #tpu.memory_space<hbm>>
        %dma_wait3A_102 = arith.constant 0 : i32
        %dma_wait3A_103 = tpu.memref_slice %arg3[%add3A, %mul3A_35, %dma_wait3A_102] : memref<32x128x128xi32, #tpu.memory_space<hbm>> -> memref<1x32x128xi32, #tpu.memory_space<hbm>>
        %dma_wait3A_104 = tpu.memref_squeeze %dma_wait3A_103 : memref<1x32x128xi32, #tpu.memory_space<hbm>> -> memref<32x128xi32, #tpu.memory_space<hbm>>
        tpu.wait_dma2 semaphore(%run_scoped3A_92 : memref<!tpu.dma_semaphore, #tpu.memory_space<semaphore_mem>>) src(%dma_wait3A_104 : memref<32x128xi32, #tpu.memory_space<hbm>>) dst(%arg8 : memref<32x128xi32, #tpu.memory_space<vmem>>)
        tpu.yield
      }) : () -> ()
      %mul3A_36 = arith.constant 32 : i32
      %mul3A_37 = arith.muli %while3A_33, %mul3A_36 : i32
      "tpu.region"() ({
        %run_scoped3A_92 = tpu.sem_alloc : memref<!tpu.dma_semaphore, #tpu.memory_space<semaphore_mem>>
        %dma_start3A_93 = arith.constant 0 : i32
        %dma_start3A_94 = tpu.memref_slice %arg4[%add3A, %mul3A_37, %dma_start3A_93] : memref<32x128x128xi32, #tpu.memory_space<hbm>> -> memref<1x32x128xi32, #tpu.memory_space<hbm>>
        %dma_start3A_95 = tpu.memref_squeeze %dma_start3A_94 : memref<1x32x128xi32, #tpu.memory_space<hbm>> -> memref<32x128xi32, #tpu.memory_space<hbm>>
        %dma_start3A_96 = arith.constant 0 : i32
        %dma_start3A_97 = tpu.memref_slice %arg4[%add3A, %mul3A_37, %dma_start3A_96] : memref<32x128x128xi32, #tpu.memory_space<hbm>> -> memref<1x32x128xi32, #tpu.memory_space<hbm>>
        %dma_start3A_98 = tpu.memref_squeeze %dma_start3A_97 : memref<1x32x128xi32, #tpu.memory_space<hbm>> -> memref<32x128xi32, #tpu.memory_space<hbm>>
        tpu.enqueue_dma source(%dma_start3A_98 : memref<32x128xi32, #tpu.memory_space<hbm>>) target(%arg9 : memref<32x128xi32, #tpu.memory_space<vmem>>) target_semaphore(%run_scoped3A_92 : memref<!tpu.dma_semaphore, #tpu.memory_space<semaphore_mem>>)
        %dma_wait3A_99 = arith.constant 0 : i32
        %dma_wait3A_100 = tpu.memref_slice %arg4[%add3A, %mul3A_37, %dma_wait3A_99] : memref<32x128x128xi32, #tpu.memory_space<hbm>> -> memref<1x32x128xi32, #tpu.memory_space<hbm>>
        %dma_wait3A_101 = tpu.memref_squeeze %dma_wait3A_100 : memref<1x32x128xi32, #tpu.memory_space<hbm>> -> memref<32x128xi32, #tpu.memory_space<hbm>>
        %dma_wait3A_102 = arith.constant 0 : i32
        %dma_wait3A_103 = tpu.memref_slice %arg4[%add3A, %mul3A_37, %dma_wait3A_102] : memref<32x128x128xi32, #tpu.memory_space<hbm>> -> memref<1x32x128xi32, #tpu.memory_space<hbm>>
        %dma_wait3A_104 = tpu.memref_squeeze %dma_wait3A_103 : memref<1x32x128xi32, #tpu.memory_space<hbm>> -> memref<32x128xi32, #tpu.memory_space<hbm>>
        tpu.wait_dma2 semaphore(%run_scoped3A_92 : memref<!tpu.dma_semaphore, #tpu.memory_space<semaphore_mem>>) src(%dma_wait3A_104 : memref<32x128xi32, #tpu.memory_space<hbm>>) dst(%arg9 : memref<32x128xi32, #tpu.memory_space<vmem>>)
        tpu.yield
      }) : () -> ()
      %dma_start3A = arith.constant 0 : i32
      %dma_start3A_38 = arith.constant 0 : i32
      %dma_start3A_39 = arith.constant 0 : i32
      %dma_start3A_40 = arith.constant 0 : i32
      %dma_start3A_41 = tpu.memref_slice %arg10[%dma_start3A_38, %dma_start3A_39, %dma_start3A_40] : memref<2x128x128xf32, #tpu.memory_space<vmem>> -> memref<1x128x128xf32, #tpu.memory_space<vmem>>
      %dma_start3A_42 = tpu.memref_squeeze %dma_start3A_41 : memref<1x128x128xf32, #tpu.memory_space<vmem>> -> memref<128x128xf32, #tpu.memory_space<vmem>>
      %dma_start3A_43 = arith.constant 0 : i32
      %dma_start3A_44 = tpu.memref_slice %arg8[%dma_start3A, %dma_start3A_43] : memref<32x128xi32, #tpu.memory_space<vmem>> -> memref<1x128xi32, #tpu.memory_space<vmem>>
      %dma_start3A_45 = tpu.memref_squeeze %dma_start3A_44 : memref<1x128xi32, #tpu.memory_space<vmem>> -> memref<128xi32, #tpu.memory_space<vmem>>
      %dma_start3A_46 = arith.constant 0 : i32
      %dma_start3A_47 = arith.constant 0 : i32
      %dma_start3A_48 = tpu.memref_slice %arg2[%dma_start3A_46, %dma_start3A_47] : memref<10000x128xf32, #tpu.memory_space<hbm>> -> memref<10000x128xf32, #tpu.memory_space<hbm>>
      tpu.enqueue_indirect_dma source(%dma_start3A_48 : memref<10000x128xf32, #tpu.memory_space<hbm>>) target(%dma_start3A_42 : memref<128x128xf32, #tpu.memory_space<vmem>>) offsets(%dma_start3A_45 : memref<128xi32, #tpu.memory_space<vmem>>) semaphore(%arg12 : memref<!tpu.dma_semaphore, #tpu.memory_space<semaphore_mem>>)
      %dma_start3A_49 = arith.constant 1 : i32
      %dma_start3A_50 = arith.constant 1 : i32
      %dma_start3A_51 = arith.constant 0 : i32
      %dma_start3A_52 = arith.constant 0 : i32
      %dma_start3A_53 = tpu.memref_slice %arg10[%dma_start3A_50, %dma_start3A_51, %dma_start3A_52] : memref<2x128x128xf32, #tpu.memory_space<vmem>> -> memref<1x128x128xf32, #tpu.memory_space<vmem>>
      %dma_start3A_54 = tpu.memref_squeeze %dma_start3A_53 : memref<1x128x128xf32, #tpu.memory_space<vmem>> -> memref<128x128xf32, #tpu.memory_space<vmem>>
      %dma_start3A_55 = arith.constant 0 : i32
      %dma_start3A_56 = tpu.memref_slice %arg8[%dma_start3A_49, %dma_start3A_55] : memref<32x128xi32, #tpu.memory_space<vmem>> -> memref<1x128xi32, #tpu.memory_space<vmem>>
      %dma_start3A_57 = tpu.memref_squeeze %dma_start3A_56 : memref<1x128xi32, #tpu.memory_space<vmem>> -> memref<128xi32, #tpu.memory_space<vmem>>
      %dma_start3A_58 = arith.constant 0 : i32
      %dma_start3A_59 = arith.constant 0 : i32
      %dma_start3A_60 = tpu.memref_slice %arg2[%dma_start3A_58, %dma_start3A_59] : memref<10000x128xf32, #tpu.memory_space<hbm>> -> memref<10000x128xf32, #tpu.memory_space<hbm>>
      tpu.enqueue_indirect_dma source(%dma_start3A_60 : memref<10000x128xf32, #tpu.memory_space<hbm>>) target(%dma_start3A_54 : memref<128x128xf32, #tpu.memory_space<vmem>>) offsets(%dma_start3A_57 : memref<128xi32, #tpu.memory_space<vmem>>) semaphore(%arg13 : memref<!tpu.dma_semaphore, #tpu.memory_space<semaphore_mem>>)
      %scan3A = arith.constant 0 : i32
      %scan3A_61 = arith.constant 0 : i32
      %scan3A_62 = arith.constant 15 : i32
      %scan3A_63 = arith.addi %scan3A_61, %scan3A_62 : i32
      %scan3A_64 = arith.constant 1 : i32
      scf.for %scan3A_92 = %scan3A_61 to %scan3A_63 step %scan3A_64  : i32 {
        %mul3A_93 = arith.constant 2 : i32
        %mul3A_94 = arith.muli %scan3A_92, %mul3A_93 : i32
        %add3A_95 = arith.constant 0 : i32
        %add3A_96 = arith.addi %mul3A_94, %add3A_95 : i32
        %dma_wait3A_97 = arith.constant 0 : i32
        %dma_wait3A_98 = arith.constant 0 : i32
        %dma_wait3A_99 = arith.constant 0 : i32
        %dma_wait3A_100 = tpu.memref_slice %arg10[%dma_wait3A_97, %dma_wait3A_98, %dma_wait3A_99] : memref<2x128x128xf32, #tpu.memory_space<vmem>> -> memref<1x128x128xf32, #tpu.memory_space<vmem>>
        %dma_wait3A_101 = tpu.memref_squeeze %dma_wait3A_100 : memref<1x128x128xf32, #tpu.memory_space<vmem>> -> memref<128x128xf32, #tpu.memory_space<vmem>>
        %dma_wait3A_102 = arith.constant 0 : i32
        %dma_wait3A_103 = tpu.memref_slice %arg8[%add3A_96, %dma_wait3A_102] : memref<32x128xi32, #tpu.memory_space<vmem>> -> memref<1x128xi32, #tpu.memory_space<vmem>>
        %dma_wait3A_104 = tpu.memref_squeeze %dma_wait3A_103 : memref<1x128xi32, #tpu.memory_space<vmem>> -> memref<128xi32, #tpu.memory_space<vmem>>
        %dma_wait3A_105 = arith.constant 0 : i32
        %dma_wait3A_106 = arith.constant 0 : i32
        %dma_wait3A_107 = tpu.memref_slice %arg2[%dma_wait3A_105, %dma_wait3A_106] : memref<10000x128xf32, #tpu.memory_space<hbm>> -> memref<10000x128xf32, #tpu.memory_space<hbm>>
        tpu.wait_indirect_dma semaphore(%arg12 : memref<!tpu.dma_semaphore, #tpu.memory_space<semaphore_mem>>) src(%dma_wait3A_107 : memref<10000x128xf32, #tpu.memory_space<hbm>>) dst(%dma_wait3A_101 : memref<128x128xf32, #tpu.memory_space<vmem>>)
        %run_scoped3A_108 = arith.constant 0 : i32
        "tpu.region"() ({
          %run_scoped3A_151 = tpu.sem_alloc : memref<!tpu.dma_semaphore, #tpu.memory_space<semaphore_mem>>
          %dma_start3A_152 = arith.constant 0 : i32
          %dma_start3A_153 = arith.constant 0 : i32
          %dma_start3A_154 = tpu.memref_slice %arg10[%run_scoped3A_108, %dma_start3A_152, %dma_start3A_153] : memref<2x128x128xf32, #tpu.memory_space<vmem>> -> memref<1x128x128xf32, #tpu.memory_space<vmem>>
          %dma_start3A_155 = tpu.memref_squeeze %dma_start3A_154 : memref<1x128x128xf32, #tpu.memory_space<vmem>> -> memref<128x128xf32, #tpu.memory_space<vmem>>
          %dma_start3A_156 = arith.constant 0 : i32
          %dma_start3A_157 = tpu.memref_slice %arg9[%add3A_96, %dma_start3A_156] : memref<32x128xi32, #tpu.memory_space<vmem>> -> memref<1x128xi32, #tpu.memory_space<vmem>>
          %dma_start3A_158 = tpu.memref_squeeze %dma_start3A_157 : memref<1x128xi32, #tpu.memory_space<vmem>> -> memref<128xi32, #tpu.memory_space<vmem>>
          %dma_start3A_159 = arith.constant 0 : i32
          %dma_start3A_160 = arith.constant 0 : i32
          %dma_start3A_161 = tpu.memref_slice %arg11[%dma_start3A_159, %dma_start3A_160] : memref<10240x128xf32, #tpu.memory_space<vmem_shared>> -> memref<10240x128xf32, #tpu.memory_space<vmem_shared>>
          tpu.enqueue_indirect_dma source(%dma_start3A_155 : memref<128x128xf32, #tpu.memory_space<vmem>>) target(%dma_start3A_161 : memref<10240x128xf32, #tpu.memory_space<vmem_shared>>) offsets(%dma_start3A_158 : memref<128xi32, #tpu.memory_space<vmem>>) semaphore(%run_scoped3A_151 : memref<!tpu.dma_semaphore, #tpu.memory_space<semaphore_mem>>) {add = true}
          %dma_wait3A_162 = arith.constant 0 : i32
          %dma_wait3A_163 = arith.constant 0 : i32
          %dma_wait3A_164 = tpu.memref_slice %arg10[%run_scoped3A_108, %dma_wait3A_162, %dma_wait3A_163] : memref<2x128x128xf32, #tpu.memory_space<vmem>> -> memref<1x128x128xf32, #tpu.memory_space<vmem>>
          %dma_wait3A_165 = tpu.memref_squeeze %dma_wait3A_164 : memref<1x128x128xf32, #tpu.memory_space<vmem>> -> memref<128x128xf32, #tpu.memory_space<vmem>>
          %dma_wait3A_166 = arith.constant 0 : i32
          %dma_wait3A_167 = tpu.memref_slice %arg9[%add3A_96, %dma_wait3A_166] : memref<32x128xi32, #tpu.memory_space<vmem>> -> memref<1x128xi32, #tpu.memory_space<vmem>>
          %dma_wait3A_168 = tpu.memref_squeeze %dma_wait3A_167 : memref<1x128xi32, #tpu.memory_space<vmem>> -> memref<128xi32, #tpu.memory_space<vmem>>
          %dma_wait3A_169 = arith.constant 0 : i32
          %dma_wait3A_170 = arith.constant 0 : i32
          %dma_wait3A_171 = tpu.memref_slice %arg11[%dma_wait3A_169, %dma_wait3A_170] : memref<10240x128xf32, #tpu.memory_space<vmem_shared>> -> memref<10240x128xf32, #tpu.memory_space<vmem_shared>>
          tpu.wait_indirect_dma semaphore(%run_scoped3A_151 : memref<!tpu.dma_semaphore, #tpu.memory_space<semaphore_mem>>) src(%dma_wait3A_165 : memref<128x128xf32, #tpu.memory_space<vmem>>) dst(%dma_wait3A_171 : memref<10240x128xf32, #tpu.memory_space<vmem_shared>>)
          tpu.yield
        }) : () -> ()
        %add3A_109 = arith.constant 2 : i32
        %add3A_110 = arith.addi %add3A_96, %add3A_109 : i32
        %dma_start3A_111 = arith.constant 0 : i32
        %dma_start3A_112 = arith.constant 0 : i32
        %dma_start3A_113 = arith.constant 0 : i32
        %dma_start3A_114 = tpu.memref_slice %arg10[%dma_start3A_111, %dma_start3A_112, %dma_start3A_113] : memref<2x128x128xf32, #tpu.memory_space<vmem>> -> memref<1x128x128xf32, #tpu.memory_space<vmem>>
        %dma_start3A_115 = tpu.memref_squeeze %dma_start3A_114 : memref<1x128x128xf32, #tpu.memory_space<vmem>> -> memref<128x128xf32, #tpu.memory_space<vmem>>
        %dma_start3A_116 = arith.constant 0 : i32
        %dma_start3A_117 = tpu.memref_slice %arg8[%add3A_110, %dma_start3A_116] : memref<32x128xi32, #tpu.memory_space<vmem>> -> memref<1x128xi32, #tpu.memory_space<vmem>>
        %dma_start3A_118 = tpu.memref_squeeze %dma_start3A_117 : memref<1x128xi32, #tpu.memory_space<vmem>> -> memref<128xi32, #tpu.memory_space<vmem>>
        %dma_start3A_119 = arith.constant 0 : i32
        %dma_start3A_120 = arith.constant 0 : i32
        %dma_start3A_121 = tpu.memref_slice %arg2[%dma_start3A_119, %dma_start3A_120] : memref<10000x128xf32, #tpu.memory_space<hbm>> -> memref<10000x128xf32, #tpu.memory_space<hbm>>
        tpu.enqueue_indirect_dma source(%dma_start3A_121 : memref<10000x128xf32, #tpu.memory_space<hbm>>) target(%dma_start3A_115 : memref<128x128xf32, #tpu.memory_space<vmem>>) offsets(%dma_start3A_118 : memref<128xi32, #tpu.memory_space<vmem>>) semaphore(%arg12 : memref<!tpu.dma_semaphore, #tpu.memory_space<semaphore_mem>>)
        %mul3A_122 = arith.constant 2 : i32
        %mul3A_123 = arith.muli %scan3A_92, %mul3A_122 : i32
        %add3A_124 = arith.constant 1 : i32
        %add3A_125 = arith.addi %mul3A_123, %add3A_124 : i32
        %dma_wait3A_126 = arith.constant 1 : i32
        %dma_wait3A_127 = arith.constant 0 : i32
        %dma_wait3A_128 = arith.constant 0 : i32
        %dma_wait3A_129 = tpu.memref_slice %arg10[%dma_wait3A_126, %dma_wait3A_127, %dma_wait3A_128] : memref<2x128x128xf32, #tpu.memory_space<vmem>> -> memref<1x128x128xf32, #tpu.memory_space<vmem>>
        %dma_wait3A_130 = tpu.memref_squeeze %dma_wait3A_129 : memref<1x128x128xf32, #tpu.memory_space<vmem>> -> memref<128x128xf32, #tpu.memory_space<vmem>>
        %dma_wait3A_131 = arith.constant 0 : i32
        %dma_wait3A_132 = tpu.memref_slice %arg8[%add3A_125, %dma_wait3A_131] : memref<32x128xi32, #tpu.memory_space<vmem>> -> memref<1x128xi32, #tpu.memory_space<vmem>>
        %dma_wait3A_133 = tpu.memref_squeeze %dma_wait3A_132 : memref<1x128xi32, #tpu.memory_space<vmem>> -> memref<128xi32, #tpu.memory_space<vmem>>
        %dma_wait3A_134 = arith.constant 0 : i32
        %dma_wait3A_135 = arith.constant 0 : i32
        %dma_wait3A_136 = tpu.memref_slice %arg2[%dma_wait3A_134, %dma_wait3A_135] : memref<10000x128xf32, #tpu.memory_space<hbm>> -> memref<10000x128xf32, #tpu.memory_space<hbm>>
        tpu.wait_indirect_dma semaphore(%arg13 : memref<!tpu.dma_semaphore, #tpu.memory_space<semaphore_mem>>) src(%dma_wait3A_136 : memref<10000x128xf32, #tpu.memory_space<hbm>>) dst(%dma_wait3A_130 : memref<128x128xf32, #tpu.memory_space<vmem>>)
        %run_scoped3A_137 = arith.constant 1 : i32
        "tpu.region"() ({
          %run_scoped3A_151 = tpu.sem_alloc : memref<!tpu.dma_semaphore, #tpu.memory_space<semaphore_mem>>
          %dma_start3A_152 = arith.constant 0 : i32
          %dma_start3A_153 = arith.constant 0 : i32
          %dma_start3A_154 = tpu.memref_slice %arg10[%run_scoped3A_137, %dma_start3A_152, %dma_start3A_153] : memref<2x128x128xf32, #tpu.memory_space<vmem>> -> memref<1x128x128xf32, #tpu.memory_space<vmem>>
          %dma_start3A_155 = tpu.memref_squeeze %dma_start3A_154 : memref<1x128x128xf32, #tpu.memory_space<vmem>> -> memref<128x128xf32, #tpu.memory_space<vmem>>
          %dma_start3A_156 = arith.constant 0 : i32
          %dma_start3A_157 = tpu.memref_slice %arg9[%add3A_125, %dma_start3A_156] : memref<32x128xi32, #tpu.memory_space<vmem>> -> memref<1x128xi32, #tpu.memory_space<vmem>>
          %dma_start3A_158 = tpu.memref_squeeze %dma_start3A_157 : memref<1x128xi32, #tpu.memory_space<vmem>> -> memref<128xi32, #tpu.memory_space<vmem>>
          %dma_start3A_159 = arith.constant 0 : i32
          %dma_start3A_160 = arith.constant 0 : i32
          %dma_start3A_161 = tpu.memref_slice %arg11[%dma_start3A_159, %dma_start3A_160] : memref<10240x128xf32, #tpu.memory_space<vmem_shared>> -> memref<10240x128xf32, #tpu.memory_space<vmem_shared>>
          tpu.enqueue_indirect_dma source(%dma_start3A_155 : memref<128x128xf32, #tpu.memory_space<vmem>>) target(%dma_start3A_161 : memref<10240x128xf32, #tpu.memory_space<vmem_shared>>) offsets(%dma_start3A_158 : memref<128xi32, #tpu.memory_space<vmem>>) semaphore(%run_scoped3A_151 : memref<!tpu.dma_semaphore, #tpu.memory_space<semaphore_mem>>) {add = true}
          %dma_wait3A_162 = arith.constant 0 : i32
          %dma_wait3A_163 = arith.constant 0 : i32
          %dma_wait3A_164 = tpu.memref_slice %arg10[%run_scoped3A_137, %dma_wait3A_162, %dma_wait3A_163] : memref<2x128x128xf32, #tpu.memory_space<vmem>> -> memref<1x128x128xf32, #tpu.memory_space<vmem>>
          %dma_wait3A_165 = tpu.memref_squeeze %dma_wait3A_164 : memref<1x128x128xf32, #tpu.memory_space<vmem>> -> memref<128x128xf32, #tpu.memory_space<vmem>>
          %dma_wait3A_166 = arith.constant 0 : i32
          %dma_wait3A_167 = tpu.memref_slice %arg9[%add3A_125, %dma_wait3A_166] : memref<32x128xi32, #tpu.memory_space<vmem>> -> memref<1x128xi32, #tpu.memory_space<vmem>>
          %dma_wait3A_168 = tpu.memref_squeeze %dma_wait3A_167 : memref<1x128xi32, #tpu.memory_space<vmem>> -> memref<128xi32, #tpu.memory_space<vmem>>
          %dma_wait3A_169 = arith.constant 0 : i32
          %dma_wait3A_170 = arith.constant 0 : i32
          %dma_wait3A_171 = tpu.memref_slice %arg11[%dma_wait3A_169, %dma_wait3A_170] : memref<10240x128xf32, #tpu.memory_space<vmem_shared>> -> memref<10240x128xf32, #tpu.memory_space<vmem_shared>>
          tpu.wait_indirect_dma semaphore(%run_scoped3A_151 : memref<!tpu.dma_semaphore, #tpu.memory_space<semaphore_mem>>) src(%dma_wait3A_165 : memref<128x128xf32, #tpu.memory_space<vmem>>) dst(%dma_wait3A_171 : memref<10240x128xf32, #tpu.memory_space<vmem_shared>>)
          tpu.yield
        }) : () -> ()
        %add3A_138 = arith.constant 2 : i32
        %add3A_139 = arith.addi %add3A_125, %add3A_138 : i32
        %dma_start3A_140 = arith.constant 1 : i32
        %dma_start3A_141 = arith.constant 0 : i32
        %dma_start3A_142 = arith.constant 0 : i32
        %dma_start3A_143 = tpu.memref_slice %arg10[%dma_start3A_140, %dma_start3A_141, %dma_start3A_142] : memref<2x128x128xf32, #tpu.memory_space<vmem>> -> memref<1x128x128xf32, #tpu.memory_space<vmem>>
        %dma_start3A_144 = tpu.memref_squeeze %dma_start3A_143 : memref<1x128x128xf32, #tpu.memory_space<vmem>> -> memref<128x128xf32, #tpu.memory_space<vmem>>
        %dma_start3A_145 = arith.constant 0 : i32
        %dma_start3A_146 = tpu.memref_slice %arg8[%add3A_139, %dma_start3A_145] : memref<32x128xi32, #tpu.memory_space<vmem>> -> memref<1x128xi32, #tpu.memory_space<vmem>>
        %dma_start3A_147 = tpu.memref_squeeze %dma_start3A_146 : memref<1x128xi32, #tpu.memory_space<vmem>> -> memref<128xi32, #tpu.memory_space<vmem>>
        %dma_start3A_148 = arith.constant 0 : i32
        %dma_start3A_149 = arith.constant 0 : i32
        %dma_start3A_150 = tpu.memref_slice %arg2[%dma_start3A_148, %dma_start3A_149] : memref<10000x128xf32, #tpu.memory_space<hbm>> -> memref<10000x128xf32, #tpu.memory_space<hbm>>
        tpu.enqueue_indirect_dma source(%dma_start3A_150 : memref<10000x128xf32, #tpu.memory_space<hbm>>) target(%dma_start3A_144 : memref<128x128xf32, #tpu.memory_space<vmem>>) offsets(%dma_start3A_147 : memref<128xi32, #tpu.memory_space<vmem>>) semaphore(%arg13 : memref<!tpu.dma_semaphore, #tpu.memory_space<semaphore_mem>>)
      }
      %scan3A_65 = arith.constant 15 : i32
      %dma_wait3A = arith.constant 30 : i32
      %dma_wait3A_66 = arith.constant 0 : i32
      %dma_wait3A_67 = arith.constant 0 : i32
      %dma_wait3A_68 = arith.constant 0 : i32
      %dma_wait3A_69 = tpu.memref_slice %arg10[%dma_wait3A_66, %dma_wait3A_67, %dma_wait3A_68] : memref<2x128x128xf32, #tpu.memory_space<vmem>> -> memref<1x128x128xf32, #tpu.memory_space<vmem>>
      %dma_wait3A_70 = tpu.memref_squeeze %dma_wait3A_69 : memref<1x128x128xf32, #tpu.memory_space<vmem>> -> memref<128x128xf32, #tpu.memory_space<vmem>>
      %dma_wait3A_71 = arith.constant 0 : i32
      %dma_wait3A_72 = tpu.memref_slice %arg8[%dma_wait3A, %dma_wait3A_71] : memref<32x128xi32, #tpu.memory_space<vmem>> -> memref<1x128xi32, #tpu.memory_space<vmem>>
      %dma_wait3A_73 = tpu.memref_squeeze %dma_wait3A_72 : memref<1x128xi32, #tpu.memory_space<vmem>> -> memref<128xi32, #tpu.memory_space<vmem>>
      %dma_wait3A_74 = arith.constant 0 : i32
      %dma_wait3A_75 = arith.constant 0 : i32
      %dma_wait3A_76 = tpu.memref_slice %arg2[%dma_wait3A_74, %dma_wait3A_75] : memref<10000x128xf32, #tpu.memory_space<hbm>> -> memref<10000x128xf32, #tpu.memory_space<hbm>>
      tpu.wait_indirect_dma semaphore(%arg12 : memref<!tpu.dma_semaphore, #tpu.memory_space<semaphore_mem>>) src(%dma_wait3A_76 : memref<10000x128xf32, #tpu.memory_space<hbm>>) dst(%dma_wait3A_70 : memref<128x128xf32, #tpu.memory_space<vmem>>)
      %run_scoped3A = arith.constant 0 : i32
      %run_scoped3A_77 = arith.constant 30 : i32
      "tpu.region"() ({
        %run_scoped3A_92 = tpu.sem_alloc : memref<!tpu.dma_semaphore, #tpu.memory_space<semaphore_mem>>
        %dma_start3A_93 = arith.constant 0 : i32
        %dma_start3A_94 = arith.constant 0 : i32
        %dma_start3A_95 = tpu.memref_slice %arg10[%run_scoped3A, %dma_start3A_93, %dma_start3A_94] : memref<2x128x128xf32, #tpu.memory_space<vmem>> -> memref<1x128x128xf32, #tpu.memory_space<vmem>>
        %dma_start3A_96 = tpu.memref_squeeze %dma_start3A_95 : memref<1x128x128xf32, #tpu.memory_space<vmem>> -> memref<128x128xf32, #tpu.memory_space<vmem>>
        %dma_start3A_97 = arith.constant 0 : i32
        %dma_start3A_98 = tpu.memref_slice %arg9[%run_scoped3A_77, %dma_start3A_97] : memref<32x128xi32, #tpu.memory_space<vmem>> -> memref<1x128xi32, #tpu.memory_space<vmem>>
        %dma_start3A_99 = tpu.memref_squeeze %dma_start3A_98 : memref<1x128xi32, #tpu.memory_space<vmem>> -> memref<128xi32, #tpu.memory_space<vmem>>
        %dma_start3A_100 = arith.constant 0 : i32
        %dma_start3A_101 = arith.constant 0 : i32
        %dma_start3A_102 = tpu.memref_slice %arg11[%dma_start3A_100, %dma_start3A_101] : memref<10240x128xf32, #tpu.memory_space<vmem_shared>> -> memref<10240x128xf32, #tpu.memory_space<vmem_shared>>
        tpu.enqueue_indirect_dma source(%dma_start3A_96 : memref<128x128xf32, #tpu.memory_space<vmem>>) target(%dma_start3A_102 : memref<10240x128xf32, #tpu.memory_space<vmem_shared>>) offsets(%dma_start3A_99 : memref<128xi32, #tpu.memory_space<vmem>>) semaphore(%run_scoped3A_92 : memref<!tpu.dma_semaphore, #tpu.memory_space<semaphore_mem>>) {add = true}
        %dma_wait3A_103 = arith.constant 0 : i32
        %dma_wait3A_104 = arith.constant 0 : i32
        %dma_wait3A_105 = tpu.memref_slice %arg10[%run_scoped3A, %dma_wait3A_103, %dma_wait3A_104] : memref<2x128x128xf32, #tpu.memory_space<vmem>> -> memref<1x128x128xf32, #tpu.memory_space<vmem>>
        %dma_wait3A_106 = tpu.memref_squeeze %dma_wait3A_105 : memref<1x128x128xf32, #tpu.memory_space<vmem>> -> memref<128x128xf32, #tpu.memory_space<vmem>>
        %dma_wait3A_107 = arith.constant 0 : i32
        %dma_wait3A_108 = tpu.memref_slice %arg9[%run_scoped3A_77, %dma_wait3A_107] : memref<32x128xi32, #tpu.memory_space<vmem>> -> memref<1x128xi32, #tpu.memory_space<vmem>>
        %dma_wait3A_109 = tpu.memref_squeeze %dma_wait3A_108 : memref<1x128xi32, #tpu.memory_space<vmem>> -> memref<128xi32, #tpu.memory_space<vmem>>
        %dma_wait3A_110 = arith.constant 0 : i32
        %dma_wait3A_111 = arith.constant 0 : i32
        %dma_wait3A_112 = tpu.memref_slice %arg11[%dma_wait3A_110, %dma_wait3A_111] : memref<10240x128xf32, #tpu.memory_space<vmem_shared>> -> memref<10240x128xf32, #tpu.memory_space<vmem_shared>>
        tpu.wait_indirect_dma semaphore(%run_scoped3A_92 : memref<!tpu.dma_semaphore, #tpu.memory_space<semaphore_mem>>) src(%dma_wait3A_106 : memref<128x128xf32, #tpu.memory_space<vmem>>) dst(%dma_wait3A_112 : memref<10240x128xf32, #tpu.memory_space<vmem_shared>>)
        tpu.yield
      }) : () -> ()
      %dma_wait3A_78 = arith.constant 31 : i32
      %dma_wait3A_79 = arith.constant 1 : i32
      %dma_wait3A_80 = arith.constant 0 : i32
      %dma_wait3A_81 = arith.constant 0 : i32
      %dma_wait3A_82 = tpu.memref_slice %arg10[%dma_wait3A_79, %dma_wait3A_80, %dma_wait3A_81] : memref<2x128x128xf32, #tpu.memory_space<vmem>> -> memref<1x128x128xf32, #tpu.memory_space<vmem>>
      %dma_wait3A_83 = tpu.memref_squeeze %dma_wait3A_82 : memref<1x128x128xf32, #tpu.memory_space<vmem>> -> memref<128x128xf32, #tpu.memory_space<vmem>>
      %dma_wait3A_84 = arith.constant 0 : i32
      %dma_wait3A_85 = tpu.memref_slice %arg8[%dma_wait3A_78, %dma_wait3A_84] : memref<32x128xi32, #tpu.memory_space<vmem>> -> memref<1x128xi32, #tpu.memory_space<vmem>>
      %dma_wait3A_86 = tpu.memref_squeeze %dma_wait3A_85 : memref<1x128xi32, #tpu.memory_space<vmem>> -> memref<128xi32, #tpu.memory_space<vmem>>
      %dma_wait3A_87 = arith.constant 0 : i32
      %dma_wait3A_88 = arith.constant 0 : i32
      %dma_wait3A_89 = tpu.memref_slice %arg2[%dma_wait3A_87, %dma_wait3A_88] : memref<10000x128xf32, #tpu.memory_space<hbm>> -> memref<10000x128xf32, #tpu.memory_space<hbm>>
      tpu.wait_indirect_dma semaphore(%arg13 : memref<!tpu.dma_semaphore, #tpu.memory_space<semaphore_mem>>) src(%dma_wait3A_89 : memref<10000x128xf32, #tpu.memory_space<hbm>>) dst(%dma_wait3A_83 : memref<128x128xf32, #tpu.memory_space<vmem>>)
      %run_scoped3A_90 = arith.constant 1 : i32
      %run_scoped3A_91 = arith.constant 31 : i32
      "tpu.region"() ({
        %run_scoped3A_92 = tpu.sem_alloc : memref<!tpu.dma_semaphore, #tpu.memory_space<semaphore_mem>>
        %dma_start3A_93 = arith.constant 0 : i32
        %dma_start3A_94 = arith.constant 0 : i32
        %dma_start3A_95 = tpu.memref_slice %arg10[%run_scoped3A_90, %dma_start3A_93, %dma_start3A_94] : memref<2x128x128xf32, #tpu.memory_space<vmem>> -> memref<1x128x128xf32, #tpu.memory_space<vmem>>
        %dma_start3A_96 = tpu.memref_squeeze %dma_start3A_95 : memref<1x128x128xf32, #tpu.memory_space<vmem>> -> memref<128x128xf32, #tpu.memory_space<vmem>>
        %dma_start3A_97 = arith.constant 0 : i32
        %dma_start3A_98 = tpu.memref_slice %arg9[%run_scoped3A_91, %dma_start3A_97] : memref<32x128xi32, #tpu.memory_space<vmem>> -> memref<1x128xi32, #tpu.memory_space<vmem>>
        %dma_start3A_99 = tpu.memref_squeeze %dma_start3A_98 : memref<1x128xi32, #tpu.memory_space<vmem>> -> memref<128xi32, #tpu.memory_space<vmem>>
        %dma_start3A_100 = arith.constant 0 : i32
        %dma_start3A_101 = arith.constant 0 : i32
        %dma_start3A_102 = tpu.memref_slice %arg11[%dma_start3A_100, %dma_start3A_101] : memref<10240x128xf32, #tpu.memory_space<vmem_shared>> -> memref<10240x128xf32, #tpu.memory_space<vmem_shared>>
        tpu.enqueue_indirect_dma source(%dma_start3A_96 : memref<128x128xf32, #tpu.memory_space<vmem>>) target(%dma_start3A_102 : memref<10240x128xf32, #tpu.memory_space<vmem_shared>>) offsets(%dma_start3A_99 : memref<128xi32, #tpu.memory_space<vmem>>) semaphore(%run_scoped3A_92 : memref<!tpu.dma_semaphore, #tpu.memory_space<semaphore_mem>>) {add = true}
        %dma_wait3A_103 = arith.constant 0 : i32
        %dma_wait3A_104 = arith.constant 0 : i32
        %dma_wait3A_105 = tpu.memref_slice %arg10[%run_scoped3A_90, %dma_wait3A_103, %dma_wait3A_104] : memref<2x128x128xf32, #tpu.memory_space<vmem>> -> memref<1x128x128xf32, #tpu.memory_space<vmem>>
        %dma_wait3A_106 = tpu.memref_squeeze %dma_wait3A_105 : memref<1x128x128xf32, #tpu.memory_space<vmem>> -> memref<128x128xf32, #tpu.memory_space<vmem>>
        %dma_wait3A_107 = arith.constant 0 : i32
        %dma_wait3A_108 = tpu.memref_slice %arg9[%run_scoped3A_91, %dma_wait3A_107] : memref<32x128xi32, #tpu.memory_space<vmem>> -> memref<1x128xi32, #tpu.memory_space<vmem>>
        %dma_wait3A_109 = tpu.memref_squeeze %dma_wait3A_108 : memref<1x128xi32, #tpu.memory_space<vmem>> -> memref<128xi32, #tpu.memory_space<vmem>>
        %dma_wait3A_110 = arith.constant 0 : i32
        %dma_wait3A_111 = arith.constant 0 : i32
        %dma_wait3A_112 = tpu.memref_slice %arg11[%dma_wait3A_110, %dma_wait3A_111] : memref<10240x128xf32, #tpu.memory_space<vmem_shared>> -> memref<10240x128xf32, #tpu.memory_space<vmem_shared>>
        tpu.wait_indirect_dma semaphore(%run_scoped3A_92 : memref<!tpu.dma_semaphore, #tpu.memory_space<semaphore_mem>>) src(%dma_wait3A_106 : memref<128x128xf32, #tpu.memory_space<vmem>>) dst(%dma_wait3A_112 : memref<10240x128xf32, #tpu.memory_space<vmem_shared>>)
        tpu.yield
      }) : () -> ()
    }
    %while3A_31 = arith.constant 1 : i32
    scf.for %while3A_33 = %while3A_29 to %while3A_25 step %while3A_31  : i32 {
      %mul3A_34 = arith.constant 32 : i32
      %mul3A_35 = arith.muli %while3A_33, %mul3A_34 : i32
      "tpu.region"() ({
        %run_scoped3A_92 = tpu.sem_alloc : memref<!tpu.dma_semaphore, #tpu.memory_space<semaphore_mem>>
        %dma_start3A_93 = arith.constant 0 : i32
        %dma_start3A_94 = tpu.memref_slice %arg3[%add3A, %mul3A_35, %dma_start3A_93] : memref<32x128x128xi32, #tpu.memory_space<hbm>> -> memref<1x32x128xi32, #tpu.memory_space<hbm>>
        %dma_start3A_95 = tpu.memref_squeeze %dma_start3A_94 : memref<1x32x128xi32, #tpu.memory_space<hbm>> -> memref<32x128xi32, #tpu.memory_space<hbm>>
        %dma_start3A_96 = arith.constant 0 : i32
        %dma_start3A_97 = tpu.memref_slice %arg3[%add3A, %mul3A_35, %dma_start3A_96] : memref<32x128x128xi32, #tpu.memory_space<hbm>> -> memref<1x32x128xi32, #tpu.memory_space<hbm>>
        %dma_start3A_98 = tpu.memref_squeeze %dma_start3A_97 : memref<1x32x128xi32, #tpu.memory_space<hbm>> -> memref<32x128xi32, #tpu.memory_space<hbm>>
        tpu.enqueue_dma source(%dma_start3A_98 : memref<32x128xi32, #tpu.memory_space<hbm>>) target(%arg8 : memref<32x128xi32, #tpu.memory_space<vmem>>) target_semaphore(%run_scoped3A_92 : memref<!tpu.dma_semaphore, #tpu.memory_space<semaphore_mem>>)
        %dma_wait3A_99 = arith.constant 0 : i32
        %dma_wait3A_100 = tpu.memref_slice %arg3[%add3A, %mul3A_35, %dma_wait3A_99] : memref<32x128x128xi32, #tpu.memory_space<hbm>> -> memref<1x32x128xi32, #tpu.memory_space<hbm>>
        %dma_wait3A_101 = tpu.memref_squeeze %dma_wait3A_100 : memref<1x32x128xi32, #tpu.memory_space<hbm>> -> memref<32x128xi32, #tpu.memory_space<hbm>>
        %dma_wait3A_102 = arith.constant 0 : i32
        %dma_wait3A_103 = tpu.memref_slice %arg3[%add3A, %mul3A_35, %dma_wait3A_102] : memref<32x128x128xi32, #tpu.memory_space<hbm>> -> memref<1x32x128xi32, #tpu.memory_space<hbm>>
        %dma_wait3A_104 = tpu.memref_squeeze %dma_wait3A_103 : memref<1x32x128xi32, #tpu.memory_space<hbm>> -> memref<32x128xi32, #tpu.memory_space<hbm>>
        tpu.wait_dma2 semaphore(%run_scoped3A_92 : memref<!tpu.dma_semaphore, #tpu.memory_space<semaphore_mem>>) src(%dma_wait3A_104 : memref<32x128xi32, #tpu.memory_space<hbm>>) dst(%arg8 : memref<32x128xi32, #tpu.memory_space<vmem>>)
        tpu.yield
      }) : () -> ()
      %mul3A_36 = arith.constant 32 : i32
      %mul3A_37 = arith.muli %while3A_33, %mul3A_36 : i32
      "tpu.region"() ({
        %run_scoped3A_92 = tpu.sem_alloc : memref<!tpu.dma_semaphore, #tpu.memory_space<semaphore_mem>>
        %dma_start3A_93 = arith.constant 0 : i32
        %dma_start3A_94 = tpu.memref_slice %arg4[%add3A, %mul3A_37, %dma_start3A_93] : memref<32x128x128xi32, #tpu.memory_space<hbm>> -> memref<1x32x128xi32, #tpu.memory_space<hbm>>
        %dma_start3A_95 = tpu.memref_squeeze %dma_start3A_94 : memref<1x32x128xi32, #tpu.memory_space<hbm>> -> memref<32x128xi32, #tpu.memory_space<hbm>>
        %dma_start3A_96 = arith.constant 0 : i32
        %dma_start3A_97 = tpu.memref_slice %arg4[%add3A, %mul3A_37, %dma_start3A_96] : memref<32x128x128xi32, #tpu.memory_space<hbm>> -> memref<1x32x128xi32, #tpu.memory_space<hbm>>
        %dma_start3A_98 = tpu.memref_squeeze %dma_start3A_97 : memref<1x32x128xi32, #tpu.memory_space<hbm>> -> memref<32x128xi32, #tpu.memory_space<hbm>>
        tpu.enqueue_dma source(%dma_start3A_98 : memref<32x128xi32, #tpu.memory_space<hbm>>) target(%arg9 : memref<32x128xi32, #tpu.memory_space<vmem>>) target_semaphore(%run_scoped3A_92 : memref<!tpu.dma_semaphore, #tpu.memory_space<semaphore_mem>>)
        %dma_wait3A_99 = arith.constant 0 : i32
        %dma_wait3A_100 = tpu.memref_slice %arg4[%add3A, %mul3A_37, %dma_wait3A_99] : memref<32x128x128xi32, #tpu.memory_space<hbm>> -> memref<1x32x128xi32, #tpu.memory_space<hbm>>
        %dma_wait3A_101 = tpu.memref_squeeze %dma_wait3A_100 : memref<1x32x128xi32, #tpu.memory_space<hbm>> -> memref<32x128xi32, #tpu.memory_space<hbm>>
        %dma_wait3A_102 = arith.constant 0 : i32
        %dma_wait3A_103 = tpu.memref_slice %arg4[%add3A, %mul3A_37, %dma_wait3A_102] : memref<32x128x128xi32, #tpu.memory_space<hbm>> -> memref<1x32x128xi32, #tpu.memory_space<hbm>>
        %dma_wait3A_104 = tpu.memref_squeeze %dma_wait3A_103 : memref<1x32x128xi32, #tpu.memory_space<hbm>> -> memref<32x128xi32, #tpu.memory_space<hbm>>
        tpu.wait_dma2 semaphore(%run_scoped3A_92 : memref<!tpu.dma_semaphore, #tpu.memory_space<semaphore_mem>>) src(%dma_wait3A_104 : memref<32x128xi32, #tpu.memory_space<hbm>>) dst(%arg9 : memref<32x128xi32, #tpu.memory_space<vmem>>)
        tpu.yield
      }) : () -> ()
      %dma_start3A = arith.constant 0 : i32
      %dma_start3A_38 = arith.constant 0 : i32
      %dma_start3A_39 = arith.constant 0 : i32
      %dma_start3A_40 = arith.constant 0 : i32
      %dma_start3A_41 = tpu.memref_slice %arg10[%dma_start3A_38, %dma_start3A_39, %dma_start3A_40] : memref<2x128x128xf32, #tpu.memory_space<vmem>> -> memref<1x128x128xf32, #tpu.memory_space<vmem>>
      %dma_start3A_42 = tpu.memref_squeeze %dma_start3A_41 : memref<1x128x128xf32, #tpu.memory_space<vmem>> -> memref<128x128xf32, #tpu.memory_space<vmem>>
      %dma_start3A_43 = arith.constant 0 : i32
      %dma_start3A_44 = tpu.memref_slice %arg8[%dma_start3A, %dma_start3A_43] : memref<32x128xi32, #tpu.memory_space<vmem>> -> memref<1x128xi32, #tpu.memory_space<vmem>>
      %dma_start3A_45 = tpu.memref_squeeze %dma_start3A_44 : memref<1x128xi32, #tpu.memory_space<vmem>> -> memref<128xi32, #tpu.memory_space<vmem>>
      %dma_start3A_46 = arith.constant 0 : i32
      %dma_start3A_47 = arith.constant 0 : i32
      %dma_start3A_48 = tpu.memref_slice %arg2[%dma_start3A_46, %dma_start3A_47] : memref<10000x128xf32, #tpu.memory_space<hbm>> -> memref<10000x128xf32, #tpu.memory_space<hbm>>
      tpu.enqueue_indirect_dma source(%dma_start3A_48 : memref<10000x128xf32, #tpu.memory_space<hbm>>) target(%dma_start3A_42 : memref<128x128xf32, #tpu.memory_space<vmem>>) offsets(%dma_start3A_45 : memref<128xi32, #tpu.memory_space<vmem>>) semaphore(%arg12 : memref<!tpu.dma_semaphore, #tpu.memory_space<semaphore_mem>>)
      %dma_start3A_49 = arith.constant 1 : i32
      %dma_start3A_50 = arith.constant 1 : i32
      %dma_start3A_51 = arith.constant 0 : i32
      %dma_start3A_52 = arith.constant 0 : i32
      %dma_start3A_53 = tpu.memref_slice %arg10[%dma_start3A_50, %dma_start3A_51, %dma_start3A_52] : memref<2x128x128xf32, #tpu.memory_space<vmem>> -> memref<1x128x128xf32, #tpu.memory_space<vmem>>
      %dma_start3A_54 = tpu.memref_squeeze %dma_start3A_53 : memref<1x128x128xf32, #tpu.memory_space<vmem>> -> memref<128x128xf32, #tpu.memory_space<vmem>>
      %dma_start3A_55 = arith.constant 0 : i32
      %dma_start3A_56 = tpu.memref_slice %arg8[%dma_start3A_49, %dma_start3A_55] : memref<32x128xi32, #tpu.memory_space<vmem>> -> memref<1x128xi32, #tpu.memory_space<vmem>>
      %dma_start3A_57 = tpu.memref_squeeze %dma_start3A_56 : memref<1x128xi32, #tpu.memory_space<vmem>> -> memref<128xi32, #tpu.memory_space<vmem>>
      %dma_start3A_58 = arith.constant 0 : i32
      %dma_start3A_59 = arith.constant 0 : i32
      %dma_start3A_60 = tpu.memref_slice %arg2[%dma_start3A_58, %dma_start3A_59] : memref<10000x128xf32, #tpu.memory_space<hbm>> -> memref<10000x128xf32, #tpu.memory_space<hbm>>
      tpu.enqueue_indirect_dma source(%dma_start3A_60 : memref<10000x128xf32, #tpu.memory_space<hbm>>) target(%dma_start3A_54 : memref<128x128xf32, #tpu.memory_space<vmem>>) offsets(%dma_start3A_57 : memref<128xi32, #tpu.memory_space<vmem>>) semaphore(%arg13 : memref<!tpu.dma_semaphore, #tpu.memory_space<semaphore_mem>>)
      %scan3A = arith.constant 0 : i32
      %scan3A_61 = arith.constant 0 : i32
      %scan3A_62 = arith.constant 15 : i32
      %scan3A_63 = arith.addi %scan3A_61, %scan3A_62 : i32
      %scan3A_64 = arith.constant 1 : i32
      scf.for %scan3A_92 = %scan3A_61 to %scan3A_63 step %scan3A_64  : i32 {
        %mul3A_93 = arith.constant 2 : i32
        %mul3A_94 = arith.muli %scan3A_92, %mul3A_93 : i32
        %add3A_95 = arith.constant 0 : i32
        %add3A_96 = arith.addi %mul3A_94, %add3A_95 : i32
        %dma_wait3A_97 = arith.constant 0 : i32
        %dma_wait3A_98 = arith.constant 0 : i32
        %dma_wait3A_99 = arith.constant 0 : i32
        %dma_wait3A_100 = tpu.memref_slice %arg10[%dma_wait3A_97, %dma_wait3A_98, %dma_wait3A_99] : memref<2x128x128xf32, #tpu.memory_space<vmem>> -> memref<1x128x128xf32, #tpu.memory_space<vmem>>
        %dma_wait3A_101 = tpu.memref_squeeze %dma_wait3A_100 : memref<1x128x128xf32, #tpu.memory_space<vmem>> -> memref<128x128xf32, #tpu.memory_space<vmem>>
        %dma_wait3A_102 = arith.constant 0 : i32
        %dma_wait3A_103 = tpu.memref_slice %arg8[%add3A_96, %dma_wait3A_102] : memref<32x128xi32, #tpu.memory_space<vmem>> -> memref<1x128xi32, #tpu.memory_space<vmem>>
        %dma_wait3A_104 = tpu.memref_squeeze %dma_wait3A_103 : memref<1x128xi32, #tpu.memory_space<vmem>> -> memref<128xi32, #tpu.memory_space<vmem>>
        %dma_wait3A_105 = arith.constant 0 : i32
        %dma_wait3A_106 = arith.constant 0 : i32
        %dma_wait3A_107 = tpu.memref_slice %arg2[%dma_wait3A_105, %dma_wait3A_106] : memref<10000x128xf32, #tpu.memory_space<hbm>> -> memref<10000x128xf32, #tpu.memory_space<hbm>>
        tpu.wait_indirect_dma semaphore(%arg12 : memref<!tpu.dma_semaphore, #tpu.memory_space<semaphore_mem>>) src(%dma_wait3A_107 : memref<10000x128xf32, #tpu.memory_space<hbm>>) dst(%dma_wait3A_101 : memref<128x128xf32, #tpu.memory_space<vmem>>)
        %run_scoped3A_108 = arith.constant 0 : i32
        "tpu.region"() ({
          %run_scoped3A_151 = tpu.sem_alloc : memref<!tpu.dma_semaphore, #tpu.memory_space<semaphore_mem>>
          %dma_start3A_152 = arith.constant 0 : i32
          %dma_start3A_153 = arith.constant 0 : i32
          %dma_start3A_154 = tpu.memref_slice %arg10[%run_scoped3A_108, %dma_start3A_152, %dma_start3A_153] : memref<2x128x128xf32, #tpu.memory_space<vmem>> -> memref<1x128x128xf32, #tpu.memory_space<vmem>>
          %dma_start3A_155 = tpu.memref_squeeze %dma_start3A_154 : memref<1x128x128xf32, #tpu.memory_space<vmem>> -> memref<128x128xf32, #tpu.memory_space<vmem>>
          %dma_start3A_156 = arith.constant 0 : i32
          %dma_start3A_157 = tpu.memref_slice %arg9[%add3A_96, %dma_start3A_156] : memref<32x128xi32, #tpu.memory_space<vmem>> -> memref<1x128xi32, #tpu.memory_space<vmem>>
          %dma_start3A_158 = tpu.memref_squeeze %dma_start3A_157 : memref<1x128xi32, #tpu.memory_space<vmem>> -> memref<128xi32, #tpu.memory_space<vmem>>
          %dma_start3A_159 = arith.constant 0 : i32
          %dma_start3A_160 = arith.constant 0 : i32
          %dma_start3A_161 = tpu.memref_slice %arg11[%dma_start3A_159, %dma_start3A_160] : memref<10240x128xf32, #tpu.memory_space<vmem_shared>> -> memref<10240x128xf32, #tpu.memory_space<vmem_shared>>
          tpu.enqueue_indirect_dma source(%dma_start3A_155 : memref<128x128xf32, #tpu.memory_space<vmem>>) target(%dma_start3A_161 : memref<10240x128xf32, #tpu.memory_space<vmem_shared>>) offsets(%dma_start3A_158 : memref<128xi32, #tpu.memory_space<vmem>>) semaphore(%run_scoped3A_151 : memref<!tpu.dma_semaphore, #tpu.memory_space<semaphore_mem>>) {add = true}
          %dma_wait3A_162 = arith.constant 0 : i32
          %dma_wait3A_163 = arith.constant 0 : i32
          %dma_wait3A_164 = tpu.memref_slice %arg10[%run_scoped3A_108, %dma_wait3A_162, %dma_wait3A_163] : memref<2x128x128xf32, #tpu.memory_space<vmem>> -> memref<1x128x128xf32, #tpu.memory_space<vmem>>
          %dma_wait3A_165 = tpu.memref_squeeze %dma_wait3A_164 : memref<1x128x128xf32, #tpu.memory_space<vmem>> -> memref<128x128xf32, #tpu.memory_space<vmem>>
          %dma_wait3A_166 = arith.constant 0 : i32
          %dma_wait3A_167 = tpu.memref_slice %arg9[%add3A_96, %dma_wait3A_166] : memref<32x128xi32, #tpu.memory_space<vmem>> -> memref<1x128xi32, #tpu.memory_space<vmem>>
          %dma_wait3A_168 = tpu.memref_squeeze %dma_wait3A_167 : memref<1x128xi32, #tpu.memory_space<vmem>> -> memref<128xi32, #tpu.memory_space<vmem>>
          %dma_wait3A_169 = arith.constant 0 : i32
          %dma_wait3A_170 = arith.constant 0 : i32
          %dma_wait3A_171 = tpu.memref_slice %arg11[%dma_wait3A_169, %dma_wait3A_170] : memref<10240x128xf32, #tpu.memory_space<vmem_shared>> -> memref<10240x128xf32, #tpu.memory_space<vmem_shared>>
          tpu.wait_indirect_dma semaphore(%run_scoped3A_151 : memref<!tpu.dma_semaphore, #tpu.memory_space<semaphore_mem>>) src(%dma_wait3A_165 : memref<128x128xf32, #tpu.memory_space<vmem>>) dst(%dma_wait3A_171 : memref<10240x128xf32, #tpu.memory_space<vmem_shared>>)
          tpu.yield
        }) : () -> ()
        %add3A_109 = arith.constant 2 : i32
        %add3A_110 = arith.addi %add3A_96, %add3A_109 : i32
        %dma_start3A_111 = arith.constant 0 : i32
        %dma_start3A_112 = arith.constant 0 : i32
        %dma_start3A_113 = arith.constant 0 : i32
        %dma_start3A_114 = tpu.memref_slice %arg10[%dma_start3A_111, %dma_start3A_112, %dma_start3A_113] : memref<2x128x128xf32, #tpu.memory_space<vmem>> -> memref<1x128x128xf32, #tpu.memory_space<vmem>>
        %dma_start3A_115 = tpu.memref_squeeze %dma_start3A_114 : memref<1x128x128xf32, #tpu.memory_space<vmem>> -> memref<128x128xf32, #tpu.memory_space<vmem>>
        %dma_start3A_116 = arith.constant 0 : i32
        %dma_start3A_117 = tpu.memref_slice %arg8[%add3A_110, %dma_start3A_116] : memref<32x128xi32, #tpu.memory_space<vmem>> -> memref<1x128xi32, #tpu.memory_space<vmem>>
        %dma_start3A_118 = tpu.memref_squeeze %dma_start3A_117 : memref<1x128xi32, #tpu.memory_space<vmem>> -> memref<128xi32, #tpu.memory_space<vmem>>
        %dma_start3A_119 = arith.constant 0 : i32
        %dma_start3A_120 = arith.constant 0 : i32
        %dma_start3A_121 = tpu.memref_slice %arg2[%dma_start3A_119, %dma_start3A_120] : memref<10000x128xf32, #tpu.memory_space<hbm>> -> memref<10000x128xf32, #tpu.memory_space<hbm>>
        tpu.enqueue_indirect_dma source(%dma_start3A_121 : memref<10000x128xf32, #tpu.memory_space<hbm>>) target(%dma_start3A_115 : memref<128x128xf32, #tpu.memory_space<vmem>>) offsets(%dma_start3A_118 : memref<128xi32, #tpu.memory_space<vmem>>) semaphore(%arg12 : memref<!tpu.dma_semaphore, #tpu.memory_space<semaphore_mem>>)
        %mul3A_122 = arith.constant 2 : i32
        %mul3A_123 = arith.muli %scan3A_92, %mul3A_122 : i32
        %add3A_124 = arith.constant 1 : i32
        %add3A_125 = arith.addi %mul3A_123, %add3A_124 : i32
        %dma_wait3A_126 = arith.constant 1 : i32
        %dma_wait3A_127 = arith.constant 0 : i32
        %dma_wait3A_128 = arith.constant 0 : i32
        %dma_wait3A_129 = tpu.memref_slice %arg10[%dma_wait3A_126, %dma_wait3A_127, %dma_wait3A_128] : memref<2x128x128xf32, #tpu.memory_space<vmem>> -> memref<1x128x128xf32, #tpu.memory_space<vmem>>
        %dma_wait3A_130 = tpu.memref_squeeze %dma_wait3A_129 : memref<1x128x128xf32, #tpu.memory_space<vmem>> -> memref<128x128xf32, #tpu.memory_space<vmem>>
        %dma_wait3A_131 = arith.constant 0 : i32
        %dma_wait3A_132 = tpu.memref_slice %arg8[%add3A_125, %dma_wait3A_131] : memref<32x128xi32, #tpu.memory_space<vmem>> -> memref<1x128xi32, #tpu.memory_space<vmem>>
        %dma_wait3A_133 = tpu.memref_squeeze %dma_wait3A_132 : memref<1x128xi32, #tpu.memory_space<vmem>> -> memref<128xi32, #tpu.memory_space<vmem>>
        %dma_wait3A_134 = arith.constant 0 : i32
        %dma_wait3A_135 = arith.constant 0 : i32
        %dma_wait3A_136 = tpu.memref_slice %arg2[%dma_wait3A_134, %dma_wait3A_135] : memref<10000x128xf32, #tpu.memory_space<hbm>> -> memref<10000x128xf32, #tpu.memory_space<hbm>>
        tpu.wait_indirect_dma semaphore(%arg13 : memref<!tpu.dma_semaphore, #tpu.memory_space<semaphore_mem>>) src(%dma_wait3A_136 : memref<10000x128xf32, #tpu.memory_space<hbm>>) dst(%dma_wait3A_130 : memref<128x128xf32, #tpu.memory_space<vmem>>)
        %run_scoped3A_137 = arith.constant 1 : i32
        "tpu.region"() ({
          %run_scoped3A_151 = tpu.sem_alloc : memref<!tpu.dma_semaphore, #tpu.memory_space<semaphore_mem>>
          %dma_start3A_152 = arith.constant 0 : i32
          %dma_start3A_153 = arith.constant 0 : i32
          %dma_start3A_154 = tpu.memref_slice %arg10[%run_scoped3A_137, %dma_start3A_152, %dma_start3A_153] : memref<2x128x128xf32, #tpu.memory_space<vmem>> -> memref<1x128x128xf32, #tpu.memory_space<vmem>>
          %dma_start3A_155 = tpu.memref_squeeze %dma_start3A_154 : memref<1x128x128xf32, #tpu.memory_space<vmem>> -> memref<128x128xf32, #tpu.memory_space<vmem>>
          %dma_start3A_156 = arith.constant 0 : i32
          %dma_start3A_157 = tpu.memref_slice %arg9[%add3A_125, %dma_start3A_156] : memref<32x128xi32, #tpu.memory_space<vmem>> -> memref<1x128xi32, #tpu.memory_space<vmem>>
          %dma_start3A_158 = tpu.memref_squeeze %dma_start3A_157 : memref<1x128xi32, #tpu.memory_space<vmem>> -> memref<128xi32, #tpu.memory_space<vmem>>
          %dma_start3A_159 = arith.constant 0 : i32
          %dma_start3A_160 = arith.constant 0 : i32
          %dma_start3A_161 = tpu.memref_slice %arg11[%dma_start3A_159, %dma_start3A_160] : memref<10240x128xf32, #tpu.memory_space<vmem_shared>> -> memref<10240x128xf32, #tpu.memory_space<vmem_shared>>
          tpu.enqueue_indirect_dma source(%dma_start3A_155 : memref<128x128xf32, #tpu.memory_space<vmem>>) target(%dma_start3A_161 : memref<10240x128xf32, #tpu.memory_space<vmem_shared>>) offsets(%dma_start3A_158 : memref<128xi32, #tpu.memory_space<vmem>>) semaphore(%run_scoped3A_151 : memref<!tpu.dma_semaphore, #tpu.memory_space<semaphore_mem>>) {add = true}
          %dma_wait3A_162 = arith.constant 0 : i32
          %dma_wait3A_163 = arith.constant 0 : i32
          %dma_wait3A_164 = tpu.memref_slice %arg10[%run_scoped3A_137, %dma_wait3A_162, %dma_wait3A_163] : memref<2x128x128xf32, #tpu.memory_space<vmem>> -> memref<1x128x128xf32, #tpu.memory_space<vmem>>
          %dma_wait3A_165 = tpu.memref_squeeze %dma_wait3A_164 : memref<1x128x128xf32, #tpu.memory_space<vmem>> -> memref<128x128xf32, #tpu.memory_space<vmem>>
          %dma_wait3A_166 = arith.constant 0 : i32
          %dma_wait3A_167 = tpu.memref_slice %arg9[%add3A_125, %dma_wait3A_166] : memref<32x128xi32, #tpu.memory_space<vmem>> -> memref<1x128xi32, #tpu.memory_space<vmem>>
          %dma_wait3A_168 = tpu.memref_squeeze %dma_wait3A_167 : memref<1x128xi32, #tpu.memory_space<vmem>> -> memref<128xi32, #tpu.memory_space<vmem>>
          %dma_wait3A_169 = arith.constant 0 : i32
          %dma_wait3A_170 = arith.constant 0 : i32
          %dma_wait3A_171 = tpu.memref_slice %arg11[%dma_wait3A_169, %dma_wait3A_170] : memref<10240x128xf32, #tpu.memory_space<vmem_shared>> -> memref<10240x128xf32, #tpu.memory_space<vmem_shared>>
          tpu.wait_indirect_dma semaphore(%run_scoped3A_151 : memref<!tpu.dma_semaphore, #tpu.memory_space<semaphore_mem>>) src(%dma_wait3A_165 : memref<128x128xf32, #tpu.memory_space<vmem>>) dst(%dma_wait3A_171 : memref<10240x128xf32, #tpu.memory_space<vmem_shared>>)
          tpu.yield
        }) : () -> ()
        %add3A_138 = arith.constant 2 : i32
        %add3A_139 = arith.addi %add3A_125, %add3A_138 : i32
        %dma_start3A_140 = arith.constant 1 : i32
        %dma_start3A_141 = arith.constant 0 : i32
        %dma_start3A_142 = arith.constant 0 : i32
        %dma_start3A_143 = tpu.memref_slice %arg10[%dma_start3A_140, %dma_start3A_141, %dma_start3A_142] : memref<2x128x128xf32, #tpu.memory_space<vmem>> -> memref<1x128x128xf32, #tpu.memory_space<vmem>>
        %dma_start3A_144 = tpu.memref_squeeze %dma_start3A_143 : memref<1x128x128xf32, #tpu.memory_space<vmem>> -> memref<128x128xf32, #tpu.memory_space<vmem>>
        %dma_start3A_145 = arith.constant 0 : i32
        %dma_start3A_146 = tpu.memref_slice %arg8[%add3A_139, %dma_start3A_145] : memref<32x128xi32, #tpu.memory_space<vmem>> -> memref<1x128xi32, #tpu.memory_space<vmem>>
        %dma_start3A_147 = tpu.memref_squeeze %dma_start3A_146 : memref<1x128xi32, #tpu.memory_space<vmem>> -> memref<128xi32, #tpu.memory_space<vmem>>
        %dma_start3A_148 = arith.constant 0 : i32
        %dma_start3A_149 = arith.constant 0 : i32
        %dma_start3A_150 = tpu.memref_slice %arg2[%dma_start3A_148, %dma_start3A_149] : memref<10000x128xf32, #tpu.memory_space<hbm>> -> memref<10000x128xf32, #tpu.memory_space<hbm>>
        tpu.enqueue_indirect_dma source(%dma_start3A_150 : memref<10000x128xf32, #tpu.memory_space<hbm>>) target(%dma_start3A_144 : memref<128x128xf32, #tpu.memory_space<vmem>>) offsets(%dma_start3A_147 : memref<128xi32, #tpu.memory_space<vmem>>) semaphore(%arg13 : memref<!tpu.dma_semaphore, #tpu.memory_space<semaphore_mem>>)
      }
      %scan3A_65 = arith.constant 15 : i32
      %dma_wait3A = arith.constant 30 : i32
      %dma_wait3A_66 = arith.constant 0 : i32
      %dma_wait3A_67 = arith.constant 0 : i32
      %dma_wait3A_68 = arith.constant 0 : i32
      %dma_wait3A_69 = tpu.memref_slice %arg10[%dma_wait3A_66, %dma_wait3A_67, %dma_wait3A_68] : memref<2x128x128xf32, #tpu.memory_space<vmem>> -> memref<1x128x128xf32, #tpu.memory_space<vmem>>
      %dma_wait3A_70 = tpu.memref_squeeze %dma_wait3A_69 : memref<1x128x128xf32, #tpu.memory_space<vmem>> -> memref<128x128xf32, #tpu.memory_space<vmem>>
      %dma_wait3A_71 = arith.constant 0 : i32
      %dma_wait3A_72 = tpu.memref_slice %arg8[%dma_wait3A, %dma_wait3A_71] : memref<32x128xi32, #tpu.memory_space<vmem>> -> memref<1x128xi32, #tpu.memory_space<vmem>>
      %dma_wait3A_73 = tpu.memref_squeeze %dma_wait3A_72 : memref<1x128xi32, #tpu.memory_space<vmem>> -> memref<128xi32, #tpu.memory_space<vmem>>
      %dma_wait3A_74 = arith.constant 0 : i32
      %dma_wait3A_75 = arith.constant 0 : i32
      %dma_wait3A_76 = tpu.memref_slice %arg2[%dma_wait3A_74, %dma_wait3A_75] : memref<10000x128xf32, #tpu.memory_space<hbm>> -> memref<10000x128xf32, #tpu.memory_space<hbm>>
      tpu.wait_indirect_dma semaphore(%arg12 : memref<!tpu.dma_semaphore, #tpu.memory_space<semaphore_mem>>) src(%dma_wait3A_76 : memref<10000x128xf32, #tpu.memory_space<hbm>>) dst(%dma_wait3A_70 : memref<128x128xf32, #tpu.memory_space<vmem>>)
      %run_scoped3A = arith.constant 0 : i32
      %run_scoped3A_77 = arith.constant 30 : i32
      "tpu.region"() ({
        %run_scoped3A_92 = tpu.sem_alloc : memref<!tpu.dma_semaphore, #tpu.memory_space<semaphore_mem>>
        %dma_start3A_93 = arith.constant 0 : i32
        %dma_start3A_94 = arith.constant 0 : i32
        %dma_start3A_95 = tpu.memref_slice %arg10[%run_scoped3A, %dma_start3A_93, %dma_start3A_94] : memref<2x128x128xf32, #tpu.memory_space<vmem>> -> memref<1x128x128xf32, #tpu.memory_space<vmem>>
        %dma_start3A_96 = tpu.memref_squeeze %dma_start3A_95 : memref<1x128x128xf32, #tpu.memory_space<vmem>> -> memref<128x128xf32, #tpu.memory_space<vmem>>
        %dma_start3A_97 = arith.constant 0 : i32
        %dma_start3A_98 = tpu.memref_slice %arg9[%run_scoped3A_77, %dma_start3A_97] : memref<32x128xi32, #tpu.memory_space<vmem>> -> memref<1x128xi32, #tpu.memory_space<vmem>>
        %dma_start3A_99 = tpu.memref_squeeze %dma_start3A_98 : memref<1x128xi32, #tpu.memory_space<vmem>> -> memref<128xi32, #tpu.memory_space<vmem>>
        %dma_start3A_100 = arith.constant 0 : i32
        %dma_start3A_101 = arith.constant 0 : i32
        %dma_start3A_102 = tpu.memref_slice %arg11[%dma_start3A_100, %dma_start3A_101] : memref<10240x128xf32, #tpu.memory_space<vmem_shared>> -> memref<10240x128xf32, #tpu.memory_space<vmem_shared>>
        tpu.enqueue_indirect_dma source(%dma_start3A_96 : memref<128x128xf32, #tpu.memory_space<vmem>>) target(%dma_start3A_102 : memref<10240x128xf32, #tpu.memory_space<vmem_shared>>) offsets(%dma_start3A_99 : memref<128xi32, #tpu.memory_space<vmem>>) semaphore(%run_scoped3A_92 : memref<!tpu.dma_semaphore, #tpu.memory_space<semaphore_mem>>) {add = true}
        %dma_wait3A_103 = arith.constant 0 : i32
        %dma_wait3A_104 = arith.constant 0 : i32
        %dma_wait3A_105 = tpu.memref_slice %arg10[%run_scoped3A, %dma_wait3A_103, %dma_wait3A_104] : memref<2x128x128xf32, #tpu.memory_space<vmem>> -> memref<1x128x128xf32, #tpu.memory_space<vmem>>
        %dma_wait3A_106 = tpu.memref_squeeze %dma_wait3A_105 : memref<1x128x128xf32, #tpu.memory_space<vmem>> -> memref<128x128xf32, #tpu.memory_space<vmem>>
        %dma_wait3A_107 = arith.constant 0 : i32
        %dma_wait3A_108 = tpu.memref_slice %arg9[%run_scoped3A_77, %dma_wait3A_107] : memref<32x128xi32, #tpu.memory_space<vmem>> -> memref<1x128xi32, #tpu.memory_space<vmem>>
        %dma_wait3A_109 = tpu.memref_squeeze %dma_wait3A_108 : memref<1x128xi32, #tpu.memory_space<vmem>> -> memref<128xi32, #tpu.memory_space<vmem>>
        %dma_wait3A_110 = arith.constant 0 : i32
        %dma_wait3A_111 = arith.constant 0 : i32
        %dma_wait3A_112 = tpu.memref_slice %arg11[%dma_wait3A_110, %dma_wait3A_111] : memref<10240x128xf32, #tpu.memory_space<vmem_shared>> -> memref<10240x128xf32, #tpu.memory_space<vmem_shared>>
        tpu.wait_indirect_dma semaphore(%run_scoped3A_92 : memref<!tpu.dma_semaphore, #tpu.memory_space<semaphore_mem>>) src(%dma_wait3A_106 : memref<128x128xf32, #tpu.memory_space<vmem>>) dst(%dma_wait3A_112 : memref<10240x128xf32, #tpu.memory_space<vmem_shared>>)
        tpu.yield
      }) : () -> ()
      %dma_wait3A_78 = arith.constant 31 : i32
      %dma_wait3A_79 = arith.constant 1 : i32
      %dma_wait3A_80 = arith.constant 0 : i32
      %dma_wait3A_81 = arith.constant 0 : i32
      %dma_wait3A_82 = tpu.memref_slice %arg10[%dma_wait3A_79, %dma_wait3A_80, %dma_wait3A_81] : memref<2x128x128xf32, #tpu.memory_space<vmem>> -> memref<1x128x128xf32, #tpu.memory_space<vmem>>
      %dma_wait3A_83 = tpu.memref_squeeze %dma_wait3A_82 : memref<1x128x128xf32, #tpu.memory_space<vmem>> -> memref<128x128xf32, #tpu.memory_space<vmem>>
      %dma_wait3A_84 = arith.constant 0 : i32
      %dma_wait3A_85 = tpu.memref_slice %arg8[%dma_wait3A_78, %dma_wait3A_84] : memref<32x128xi32, #tpu.memory_space<vmem>> -> memref<1x128xi32, #tpu.memory_space<vmem>>
      %dma_wait3A_86 = tpu.memref_squeeze %dma_wait3A_85 : memref<1x128xi32, #tpu.memory_space<vmem>> -> memref<128xi32, #tpu.memory_space<vmem>>
      %dma_wait3A_87 = arith.constant 0 : i32
      %dma_wait3A_88 = arith.constant 0 : i32
      %dma_wait3A_89 = tpu.memref_slice %arg2[%dma_wait3A_87, %dma_wait3A_88] : memref<10000x128xf32, #tpu.memory_space<hbm>> -> memref<10000x128xf32, #tpu.memory_space<hbm>>
      tpu.wait_indirect_dma semaphore(%arg13 : memref<!tpu.dma_semaphore, #tpu.memory_space<semaphore_mem>>) src(%dma_wait3A_89 : memref<10000x128xf32, #tpu.memory_space<hbm>>) dst(%dma_wait3A_83 : memref<128x128xf32, #tpu.memory_space<vmem>>)
      %run_scoped3A_90 = arith.constant 1 : i32
      %run_scoped3A_91 = arith.constant 31 : i32
      "tpu.region"() ({
        %run_scoped3A_92 = tpu.sem_alloc : memref<!tpu.dma_semaphore, #tpu.memory_space<semaphore_mem>>
        %dma_start3A_93 = arith.constant 0 : i32
        %dma_start3A_94 = arith.constant 0 : i32
        %dma_start3A_95 = tpu.memref_slice %arg10[%run_scoped3A_90, %dma_start3A_93, %dma_start3A_94] : memref<2x128x128xf32, #tpu.memory_space<vmem>> -> memref<1x128x128xf32, #tpu.memory_space<vmem>>
        %dma_start3A_96 = tpu.memref_squeeze %dma_start3A_95 : memref<1x128x128xf32, #tpu.memory_space<vmem>> -> memref<128x128xf32, #tpu.memory_space<vmem>>
        %dma_start3A_97 = arith.constant 0 : i32
        %dma_start3A_98 = tpu.memref_slice %arg9[%run_scoped3A_91, %dma_start3A_97] : memref<32x128xi32, #tpu.memory_space<vmem>> -> memref<1x128xi32, #tpu.memory_space<vmem>>
        %dma_start3A_99 = tpu.memref_squeeze %dma_start3A_98 : memref<1x128xi32, #tpu.memory_space<vmem>> -> memref<128xi32, #tpu.memory_space<vmem>>
        %dma_start3A_100 = arith.constant 0 : i32
        %dma_start3A_101 = arith.constant 0 : i32
        %dma_start3A_102 = tpu.memref_slice %arg11[%dma_start3A_100, %dma_start3A_101] : memref<10240x128xf32, #tpu.memory_space<vmem_shared>> -> memref<10240x128xf32, #tpu.memory_space<vmem_shared>>
        tpu.enqueue_indirect_dma source(%dma_start3A_96 : memref<128x128xf32, #tpu.memory_space<vmem>>) target(%dma_start3A_102 : memref<10240x128xf32, #tpu.memory_space<vmem_shared>>) offsets(%dma_start3A_99 : memref<128xi32, #tpu.memory_space<vmem>>) semaphore(%run_scoped3A_92 : memref<!tpu.dma_semaphore, #tpu.memory_space<semaphore_mem>>) {add = true}
        %dma_wait3A_103 = arith.constant 0 : i32
        %dma_wait3A_104 = arith.constant 0 : i32
        %dma_wait3A_105 = tpu.memref_slice %arg10[%run_scoped3A_90, %dma_wait3A_103, %dma_wait3A_104] : memref<2x128x128xf32, #tpu.memory_space<vmem>> -> memref<1x128x128xf32, #tpu.memory_space<vmem>>
        %dma_wait3A_106 = tpu.memref_squeeze %dma_wait3A_105 : memref<1x128x128xf32, #tpu.memory_space<vmem>> -> memref<128x128xf32, #tpu.memory_space<vmem>>
        %dma_wait3A_107 = arith.constant 0 : i32
        %dma_wait3A_108 = tpu.memref_slice %arg9[%run_scoped3A_91, %dma_wait3A_107] : memref<32x128xi32, #tpu.memory_space<vmem>> -> memref<1x128xi32, #tpu.memory_space<vmem>>
        %dma_wait3A_109 = tpu.memref_squeeze %dma_wait3A_108 : memref<1x128xi32, #tpu.memory_space<vmem>> -> memref<128xi32, #tpu.memory_space<vmem>>
        %dma_wait3A_110 = arith.constant 0 : i32
        %dma_wait3A_111 = arith.constant 0 : i32
        %dma_wait3A_112 = tpu.memref_slice %arg11[%dma_wait3A_110, %dma_wait3A_111] : memref<10240x128xf32, #tpu.memory_space<vmem_shared>> -> memref<10240x128xf32, #tpu.memory_space<vmem_shared>>
        tpu.wait_indirect_dma semaphore(%run_scoped3A_92 : memref<!tpu.dma_semaphore, #tpu.memory_space<semaphore_mem>>) src(%dma_wait3A_106 : memref<128x128xf32, #tpu.memory_space<vmem>>) dst(%dma_wait3A_112 : memref<10240x128xf32, #tpu.memory_space<vmem_shared>>)
        tpu.yield
      }) : () -> ()
    }
    %barrier3A_32 = arith.constant 0 : index
    tpu.barrier barrier_id(%barrier3A_32)
    "tpu.region"() ({
      %run_scoped3A = tpu.sem_alloc : memref<!tpu.dma_semaphore, #tpu.memory_space<semaphore_mem>>
      %dma_start3A = arith.constant 0 : i32
      %dma_start3A_33 = tpu.memref_slice %arg7[%arg0, %mul3A_2, %dma_start3A] : memref<2x10240x128xf32, #tpu.memory_space<hbm>> -> memref<1x640x128xf32, #tpu.memory_space<hbm>>
      %dma_start3A_34 = tpu.memref_squeeze %dma_start3A_33 : memref<1x640x128xf32, #tpu.memory_space<hbm>> -> memref<640x128xf32, #tpu.memory_space<hbm>>
      %dma_start3A_35 = arith.constant 0 : i32
      %dma_start3A_36 = tpu.memref_slice %arg11[%mul3A_2, %dma_start3A_35] : memref<10240x128xf32, #tpu.memory_space<vmem_shared>> -> memref<640x128xf32, #tpu.memory_space<vmem_shared>>
      tpu.enqueue_dma source(%dma_start3A_36 : memref<640x128xf32, #tpu.memory_space<vmem_shared>>) target(%dma_start3A_34 : memref<640x128xf32, #tpu.memory_space<hbm>>) target_semaphore(%run_scoped3A : memref<!tpu.dma_semaphore, #tpu.memory_space<semaphore_mem>>)
      %dma_wait3A = arith.constant 0 : i32
      %dma_wait3A_37 = tpu.memref_slice %arg7[%arg0, %mul3A_2, %dma_wait3A] : memref<2x10240x128xf32, #tpu.memory_space<hbm>> -> memref<1x640x128xf32, #tpu.memory_space<hbm>>
      %dma_wait3A_38 = tpu.memref_squeeze %dma_wait3A_37 : memref<1x640x128xf32, #tpu.memory_space<hbm>> -> memref<640x128xf32, #tpu.memory_space<hbm>>
      %dma_wait3A_39 = arith.constant 0 : i32
      %dma_wait3A_40 = tpu.memref_slice %arg11[%mul3A_2, %dma_wait3A_39] : memref<10240x128xf32, #tpu.memory_space<vmem_shared>> -> memref<640x128xf32, #tpu.memory_space<vmem_shared>>
      tpu.wait_dma2 semaphore(%run_scoped3A : memref<!tpu.dma_semaphore, #tpu.memory_space<semaphore_mem>>) src(%dma_wait3A_40 : memref<640x128xf32, #tpu.memory_space<vmem_shared>>) dst(%dma_wait3A_38 : memref<640x128xf32, #tpu.memory_space<hbm>>)
      tpu.yield
    }) : () -> ()
    return
  }
}

module attributes {stable_mosaic.version = 14 : i64} {
  func.func @body(%arg0: i32, %arg1: memref<2x1000x128xf32, #tpu.memory_space<vmem>>, %arg2: memref<2x1000x1xf32, #tpu.memory_space<vmem>>, %arg3: memref<1000x128xf32, #tpu.memory_space<vmem>>, %arg4: memref<128x128xf32, #tpu.memory_space<vmem>>, %arg5: memref<1x128xf32, #tpu.memory_space<vmem>>, %arg6: memref<128x128xf32, #tpu.memory_space<vmem>>, %arg7: memref<1x128xf32, #tpu.memory_space<vmem>>, %arg8: memref<1x128xf32, #tpu.memory_space<vmem>>, %arg9: memref<1x128xf32, #tpu.memory_space<vmem>>, %arg10: memref<1x128xf32, #tpu.memory_space<vmem>>, %arg11: memref<1000x128xf32, #tpu.memory_space<vmem>>) attributes {dimension_semantics = [#tpu.dimension_semantics<arbitrary>], iteration_bounds = array<i64: 10>, scalar_prefetch = 0 : i64, scratch_operands = 0 : i64, tpu.core_type = #tpu.core_type<tc>, window_params = [{transform_indices = @transform_0, window_bounds = array<i64: 2, 1000, 128>}, {transform_indices = @transform_1, window_bounds = array<i64: 2, 1000, 1>}, {transform_indices = @transform_2, window_bounds = array<i64: 1000, 128>}, {pipeline_mode = #tpu.pipeline_mode<synchronous>, transform_indices = @transform_3, window_bounds = array<i64: 128, 128>}, {pipeline_mode = #tpu.pipeline_mode<synchronous>, transform_indices = @transform_4, window_bounds = array<i64: 1, 128>}, {pipeline_mode = #tpu.pipeline_mode<synchronous>, transform_indices = @transform_5, window_bounds = array<i64: 128, 128>}, {pipeline_mode = #tpu.pipeline_mode<synchronous>, transform_indices = @transform_6, window_bounds = array<i64: 1, 128>}, {pipeline_mode = #tpu.pipeline_mode<synchronous>, transform_indices = @transform_7, window_bounds = array<i64: 1, 128>}, {pipeline_mode = #tpu.pipeline_mode<synchronous>, transform_indices = @transform_8, window_bounds = array<i64: 1, 128>}, {pipeline_mode = #tpu.pipeline_mode<synchronous>, transform_indices = @transform_9, window_bounds = array<i64: 1, 128>}, {transform_indices = @transform_10, window_bounds = array<i64: 1000, 128>}]} {
    %get3A = arith.constant 0 : index
    %get3A_0 = arith.constant 0 : index
    %get3A_1 = arith.constant 0 : index
    %get3A_2 = vector.load %arg1[%get3A, %get3A_0, %get3A_1] : memref<2x1000x128xf32, #tpu.memory_space<vmem>>, vector<1x1000x128xf32>
    %get3A_3 = vector.shape_cast %get3A_2 : vector<1x1000x128xf32> to vector<1000x128xf32>
    %get3A_4 = arith.constant 1 : index
    %get3A_5 = arith.constant 0 : index
    %get3A_6 = arith.constant 0 : index
    %get3A_7 = vector.load %arg1[%get3A_4, %get3A_5, %get3A_6] : memref<2x1000x128xf32, #tpu.memory_space<vmem>>, vector<1x1000x128xf32>
    %get3A_8 = vector.shape_cast %get3A_7 : vector<1x1000x128xf32> to vector<1000x128xf32>
    %add3A = arith.addf %get3A_3, %get3A_8 : vector<1000x128xf32>
    %get3A_9 = arith.constant 0 : index
    %get3A_10 = arith.constant 0 : index
    %get3A_11 = arith.constant 0 : index
    %get3A_12 = vector.load %arg2[%get3A_9, %get3A_10, %get3A_11] : memref<2x1000x1xf32, #tpu.memory_space<vmem>>, vector<1x1000x1xf32>
    %get3A_13 = vector.shape_cast %get3A_12 : vector<1x1000x1xf32> to vector<1000x1xf32>
    %get3A_14 = arith.constant 1 : index
    %get3A_15 = arith.constant 0 : index
    %get3A_16 = arith.constant 0 : index
    %get3A_17 = vector.load %arg2[%get3A_14, %get3A_15, %get3A_16] : memref<2x1000x1xf32, #tpu.memory_space<vmem>>, vector<1x1000x1xf32>
    %get3A_18 = vector.shape_cast %get3A_17 : vector<1x1000x1xf32> to vector<1000x1xf32>
    %add3A_19 = arith.addf %get3A_13, %get3A_18 : vector<1000x1xf32>
    %max3A = arith.constant 1.000000e+00 : f32
    %max3A_20 = vector.broadcast %max3A : f32 to vector<1000x1xf32>
    %max3A_21 = arith.maximumf %add3A_19, %max3A_20 : vector<1000x1xf32>
    %div3A = vector.broadcast %max3A_21 : vector<1000x1xf32> to vector<1000x128xf32>
    %div3A_22 = arith.divf %add3A, %div3A : vector<1000x128xf32>
    %get3A_23 = arith.constant 0 : index
    %get3A_24 = arith.constant 0 : index
    %get3A_25 = vector.load %arg4[%get3A_23, %get3A_24] : memref<128x128xf32, #tpu.memory_space<vmem>>, vector<128x128xf32>
    %dot_general3A = arith.constant dense<0.000000e+00> : vector<1000x128xf32>
    %dot_general3A_26 = tpu.matmul %div3A_22, %get3A_25, %dot_general3A {dimension_numbers = #tpu.dot_dimension_numbers<[1], [0], [0], [1], [0, 0, 1, 1], [], []>, transpose_lhs_hint = false} : vector<1000x128xf32>, vector<128x128xf32>, vector<1000x128xf32> -> vector<1000x128xf32>
    %get3A_27 = arith.constant 0 : index
    %get3A_28 = arith.constant 0 : index
    %get3A_29 = vector.load %arg5[%get3A_27, %get3A_28] : memref<1x128xf32, #tpu.memory_space<vmem>>, vector<1x128xf32>
    %get3A_30 = vector.shape_cast %get3A_29 : vector<1x128xf32> to vector<128xf32>
    %broadcast_in_dim3A = vector.shape_cast %get3A_30 : vector<128xf32> to vector<1x128xf32>
    %add3A_31 = vector.broadcast %broadcast_in_dim3A : vector<1x128xf32> to vector<1000x128xf32>
    %add3A_32 = arith.addf %dot_general3A_26, %add3A_31 : vector<1000x128xf32>
    %get3A_33 = arith.constant 0 : index
    %get3A_34 = arith.constant 0 : index
    %get3A_35 = vector.load %arg3[%get3A_33, %get3A_34] : memref<1000x128xf32, #tpu.memory_space<vmem>>, vector<1000x128xf32>
    %get3A_36 = arith.constant 0 : index
    %get3A_37 = arith.constant 0 : index
    %get3A_38 = vector.load %arg6[%get3A_36, %get3A_37] : memref<128x128xf32, #tpu.memory_space<vmem>>, vector<128x128xf32>
    %dot_general3A_39 = arith.constant dense<0.000000e+00> : vector<1000x128xf32>
    %dot_general3A_40 = tpu.matmul %get3A_35, %get3A_38, %dot_general3A_39 {dimension_numbers = #tpu.dot_dimension_numbers<[1], [0], [0], [1], [0, 0, 1, 1], [], []>, transpose_lhs_hint = false} : vector<1000x128xf32>, vector<128x128xf32>, vector<1000x128xf32> -> vector<1000x128xf32>
    %add3A_41 = arith.addf %add3A_32, %dot_general3A_40 : vector<1000x128xf32>
    %mul3A = arith.mulf %add3A_41, %add3A_41 : vector<1000x128xf32>
    %reduce_sum3A = arith.constant dense<0.000000e+00> : vector<1000xf32>
    %reduce_sum3A_42 = vector.multi_reduction <add>, %mul3A, %reduce_sum3A [1] : vector<1000x128xf32> to vector<1000xf32>
    %broadcast_in_dim3A_43 = vector.shape_cast %reduce_sum3A_42 : vector<1000xf32> to vector<1000x1xf32>
    %sqrt3A = math.sqrt %broadcast_in_dim3A_43 : vector<1000x1xf32>
    %max3A_44 = arith.constant 9.99999996E-13 : f32
    %max3A_45 = vector.broadcast %max3A_44 : f32 to vector<1000x1xf32>
    %max3A_46 = arith.maximumf %sqrt3A, %max3A_45 : vector<1000x1xf32>
    %div3A_47 = vector.broadcast %max3A_46 : vector<1000x1xf32> to vector<1000x128xf32>
    %div3A_48 = arith.divf %add3A_41, %div3A_47 : vector<1000x128xf32>
    %swap3A = arith.constant 0 : index
    %swap3A_49 = arith.constant 0 : index
    %swap3A_50 = vector.load %arg11[%swap3A, %swap3A_49] : memref<1000x128xf32, #tpu.memory_space<vmem>>, vector<1000x128xf32>
    tpu.vector_store %arg11[%swap3A, %swap3A_49], %div3A_48 {strides = array<i32>} : memref<1000x128xf32, #tpu.memory_space<vmem>>, vector<1000x128xf32>,
    return
  }
  func.func @transform_0(%arg0: i32) -> (i32, i32, i32) {
    %c0_i32 = arith.constant 0 : i32
    %c0_i32_0 = arith.constant 0 : i32
    %c0_i32_1 = arith.constant 0 : i32
    return %c0_i32, %arg0, %c0_i32_0 : i32, i32, i32
  }
  func.func @transform_1(%arg0: i32) -> (i32, i32, i32) {
    %c0_i32 = arith.constant 0 : i32
    %c0_i32_0 = arith.constant 0 : i32
    %c0_i32_1 = arith.constant 0 : i32
    return %c0_i32, %arg0, %c0_i32_0 : i32, i32, i32
  }
  func.func @transform_2(%arg0: i32) -> (i32, i32) {
    %c0_i32 = arith.constant 0 : i32
    %c0_i32_0 = arith.constant 0 : i32
    return %arg0, %c0_i32 : i32, i32
  }
  func.func @transform_3(%arg0: i32) -> (i32, i32) {
    %c0_i32 = arith.constant 0 : i32
    %c0_i32_0 = arith.constant 0 : i32
    %c0_i32_1 = arith.constant 0 : i32
    return %c0_i32, %c0_i32_0 : i32, i32
  }
  func.func @transform_4(%arg0: i32) -> (i32, i32) {
    %c0_i32 = arith.constant 0 : i32
    %c0_i32_0 = arith.constant 0 : i32
    %c0_i32_1 = arith.constant 0 : i32
    return %c0_i32, %c0_i32_0 : i32, i32
  }
  func.func @transform_5(%arg0: i32) -> (i32, i32) {
    %c0_i32 = arith.constant 0 : i32
    %c0_i32_0 = arith.constant 0 : i32
    %c0_i32_1 = arith.constant 0 : i32
    return %c0_i32, %c0_i32_0 : i32, i32
  }
  func.func @transform_6(%arg0: i32) -> (i32, i32) {
    %c0_i32 = arith.constant 0 : i32
    %c0_i32_0 = arith.constant 0 : i32
    %c0_i32_1 = arith.constant 0 : i32
    return %c0_i32, %c0_i32_0 : i32, i32
  }
  func.func @transform_7(%arg0: i32) -> (i32, i32) {
    %c0_i32 = arith.constant 0 : i32
    %c0_i32_0 = arith.constant 0 : i32
    %c0_i32_1 = arith.constant 0 : i32
    return %c0_i32, %c0_i32_0 : i32, i32
  }
  func.func @transform_8(%arg0: i32) -> (i32, i32) {
    %c0_i32 = arith.constant 0 : i32
    %c0_i32_0 = arith.constant 0 : i32
    %c0_i32_1 = arith.constant 0 : i32
    return %c0_i32, %c0_i32_0 : i32, i32
  }
  func.func @transform_9(%arg0: i32) -> (i32, i32) {
    %c0_i32 = arith.constant 0 : i32
    %c0_i32_0 = arith.constant 0 : i32
    %c0_i32_1 = arith.constant 0 : i32
    return %c0_i32, %c0_i32_0 : i32, i32
  }
  func.func @transform_10(%arg0: i32) -> (i32, i32) {
    %c0_i32 = arith.constant 0 : i32
    %c0_i32_0 = arith.constant 0 : i32
    return %arg0, %c0_i32 : i32, i32
  }
}

module attributes {stable_mosaic.version = 14 : i64} {
  func.func @body(%arg0: i32, %arg1: memref<2x1000x128xf32, #tpu.memory_space<vmem>>, %arg2: memref<2x1000x1xf32, #tpu.memory_space<vmem>>, %arg3: memref<1000x128xf32, #tpu.memory_space<vmem>>, %arg4: memref<128x128xf32, #tpu.memory_space<vmem>>, %arg5: memref<1x128xf32, #tpu.memory_space<vmem>>, %arg6: memref<128x128xf32, #tpu.memory_space<vmem>>, %arg7: memref<1x128xf32, #tpu.memory_space<vmem>>, %arg8: memref<1x128xf32, #tpu.memory_space<vmem>>, %arg9: memref<1x128xf32, #tpu.memory_space<vmem>>, %arg10: memref<1x128xf32, #tpu.memory_space<vmem>>, %arg11: memref<1000x128xf32, #tpu.memory_space<vmem>>) attributes {dimension_semantics = [#tpu.dimension_semantics<arbitrary>], iteration_bounds = array<i64: 10>, scalar_prefetch = 0 : i64, scratch_operands = 0 : i64, tpu.core_type = #tpu.core_type<tc>, window_params = [{transform_indices = @transform_0, window_bounds = array<i64: 2, 1000, 128>}, {transform_indices = @transform_1, window_bounds = array<i64: 2, 1000, 1>}, {transform_indices = @transform_2, window_bounds = array<i64: 1000, 128>}, {pipeline_mode = #tpu.pipeline_mode<synchronous>, transform_indices = @transform_3, window_bounds = array<i64: 128, 128>}, {pipeline_mode = #tpu.pipeline_mode<synchronous>, transform_indices = @transform_4, window_bounds = array<i64: 1, 128>}, {pipeline_mode = #tpu.pipeline_mode<synchronous>, transform_indices = @transform_5, window_bounds = array<i64: 128, 128>}, {pipeline_mode = #tpu.pipeline_mode<synchronous>, transform_indices = @transform_6, window_bounds = array<i64: 1, 128>}, {pipeline_mode = #tpu.pipeline_mode<synchronous>, transform_indices = @transform_7, window_bounds = array<i64: 1, 128>}, {pipeline_mode = #tpu.pipeline_mode<synchronous>, transform_indices = @transform_8, window_bounds = array<i64: 1, 128>}, {pipeline_mode = #tpu.pipeline_mode<synchronous>, transform_indices = @transform_9, window_bounds = array<i64: 1, 128>}, {transform_indices = @transform_10, window_bounds = array<i64: 1000, 128>}]} {
    %get3A = arith.constant 0 : index
    %get3A_0 = arith.constant 0 : index
    %get3A_1 = arith.constant 0 : index
    %get3A_2 = vector.load %arg1[%get3A, %get3A_0, %get3A_1] : memref<2x1000x128xf32, #tpu.memory_space<vmem>>, vector<1x1000x128xf32>
    %get3A_3 = vector.shape_cast %get3A_2 : vector<1x1000x128xf32> to vector<1000x128xf32>
    %get3A_4 = arith.constant 1 : index
    %get3A_5 = arith.constant 0 : index
    %get3A_6 = arith.constant 0 : index
    %get3A_7 = vector.load %arg1[%get3A_4, %get3A_5, %get3A_6] : memref<2x1000x128xf32, #tpu.memory_space<vmem>>, vector<1x1000x128xf32>
    %get3A_8 = vector.shape_cast %get3A_7 : vector<1x1000x128xf32> to vector<1000x128xf32>
    %add3A = arith.addf %get3A_3, %get3A_8 : vector<1000x128xf32>
    %get3A_9 = arith.constant 0 : index
    %get3A_10 = arith.constant 0 : index
    %get3A_11 = arith.constant 0 : index
    %get3A_12 = vector.load %arg2[%get3A_9, %get3A_10, %get3A_11] : memref<2x1000x1xf32, #tpu.memory_space<vmem>>, vector<1x1000x1xf32>
    %get3A_13 = vector.shape_cast %get3A_12 : vector<1x1000x1xf32> to vector<1000x1xf32>
    %get3A_14 = arith.constant 1 : index
    %get3A_15 = arith.constant 0 : index
    %get3A_16 = arith.constant 0 : index
    %get3A_17 = vector.load %arg2[%get3A_14, %get3A_15, %get3A_16] : memref<2x1000x1xf32, #tpu.memory_space<vmem>>, vector<1x1000x1xf32>
    %get3A_18 = vector.shape_cast %get3A_17 : vector<1x1000x1xf32> to vector<1000x1xf32>
    %add3A_19 = arith.addf %get3A_13, %get3A_18 : vector<1000x1xf32>
    %max3A = arith.constant 1.000000e+00 : f32
    %max3A_20 = vector.broadcast %max3A : f32 to vector<1000x1xf32>
    %max3A_21 = arith.maximumf %add3A_19, %max3A_20 : vector<1000x1xf32>
    %div3A = vector.broadcast %max3A_21 : vector<1000x1xf32> to vector<1000x128xf32>
    %div3A_22 = arith.divf %add3A, %div3A : vector<1000x128xf32>
    %get3A_23 = arith.constant 0 : index
    %get3A_24 = arith.constant 0 : index
    %get3A_25 = vector.load %arg4[%get3A_23, %get3A_24] : memref<128x128xf32, #tpu.memory_space<vmem>>, vector<128x128xf32>
    %dot_general3A = arith.constant dense<0.000000e+00> : vector<1000x128xf32>
    %dot_general3A_26 = tpu.matmul %div3A_22, %get3A_25, %dot_general3A {dimension_numbers = #tpu.dot_dimension_numbers<[1], [0], [0], [1], [0, 0, 1, 1], [], []>, transpose_lhs_hint = false} : vector<1000x128xf32>, vector<128x128xf32>, vector<1000x128xf32> -> vector<1000x128xf32>
    %get3A_27 = arith.constant 0 : index
    %get3A_28 = arith.constant 0 : index
    %get3A_29 = vector.load %arg5[%get3A_27, %get3A_28] : memref<1x128xf32, #tpu.memory_space<vmem>>, vector<1x128xf32>
    %get3A_30 = vector.shape_cast %get3A_29 : vector<1x128xf32> to vector<128xf32>
    %broadcast_in_dim3A = vector.shape_cast %get3A_30 : vector<128xf32> to vector<1x128xf32>
    %add3A_31 = vector.broadcast %broadcast_in_dim3A : vector<1x128xf32> to vector<1000x128xf32>
    %add3A_32 = arith.addf %dot_general3A_26, %add3A_31 : vector<1000x128xf32>
    %get3A_33 = arith.constant 0 : index
    %get3A_34 = arith.constant 0 : index
    %get3A_35 = vector.load %arg3[%get3A_33, %get3A_34] : memref<1000x128xf32, #tpu.memory_space<vmem>>, vector<1000x128xf32>
    %get3A_36 = arith.constant 0 : index
    %get3A_37 = arith.constant 0 : index
    %get3A_38 = vector.load %arg6[%get3A_36, %get3A_37] : memref<128x128xf32, #tpu.memory_space<vmem>>, vector<128x128xf32>
    %dot_general3A_39 = arith.constant dense<0.000000e+00> : vector<1000x128xf32>
    %dot_general3A_40 = tpu.matmul %get3A_35, %get3A_38, %dot_general3A_39 {dimension_numbers = #tpu.dot_dimension_numbers<[1], [0], [0], [1], [0, 0, 1, 1], [], []>, transpose_lhs_hint = false} : vector<1000x128xf32>, vector<128x128xf32>, vector<1000x128xf32> -> vector<1000x128xf32>
    %add3A_41 = arith.addf %add3A_32, %dot_general3A_40 : vector<1000x128xf32>
    %mul3A = arith.mulf %add3A_41, %add3A_41 : vector<1000x128xf32>
    %reduce_sum3A = arith.constant dense<0.000000e+00> : vector<1000xf32>
    %reduce_sum3A_42 = vector.multi_reduction <add>, %mul3A, %reduce_sum3A [1] : vector<1000x128xf32> to vector<1000xf32>
    %broadcast_in_dim3A_43 = vector.shape_cast %reduce_sum3A_42 : vector<1000xf32> to vector<1000x1xf32>
    %sqrt3A = math.sqrt %broadcast_in_dim3A_43 : vector<1000x1xf32>
    %max3A_44 = arith.constant 9.99999996E-13 : f32
    %max3A_45 = vector.broadcast %max3A_44 : f32 to vector<1000x1xf32>
    %max3A_46 = arith.maximumf %sqrt3A, %max3A_45 : vector<1000x1xf32>
    %div3A_47 = vector.broadcast %max3A_46 : vector<1000x1xf32> to vector<1000x128xf32>
    %div3A_48 = arith.divf %add3A_41, %div3A_47 : vector<1000x128xf32>
    %max3A_49 = arith.constant 0.000000e+00 : f32
    %max3A_50 = vector.broadcast %max3A_49 : f32 to vector<1000x128xf32>
    %max3A_51 = arith.maximumf %div3A_48, %max3A_50 : vector<1000x128xf32>
    %get3A_52 = arith.constant 0 : index
    %get3A_53 = arith.constant 0 : index
    %get3A_54 = vector.load %arg7[%get3A_52, %get3A_53] : memref<1x128xf32, #tpu.memory_space<vmem>>, vector<1x128xf32>
    %get3A_55 = vector.shape_cast %get3A_54 : vector<1x128xf32> to vector<128xf32>
    %broadcast_in_dim3A_56 = vector.shape_cast %get3A_55 : vector<128xf32> to vector<1x128xf32>
    %get3A_57 = arith.constant 0 : index
    %get3A_58 = arith.constant 0 : index
    %get3A_59 = vector.load %arg10[%get3A_57, %get3A_58] : memref<1x128xf32, #tpu.memory_space<vmem>>, vector<1x128xf32>
    %get3A_60 = vector.shape_cast %get3A_59 : vector<1x128xf32> to vector<128xf32>
    %broadcast_in_dim3A_61 = vector.shape_cast %get3A_60 : vector<128xf32> to vector<1x128xf32>
    %add3A_62 = arith.constant 9.99999974E-6 : f32
    %add3A_63 = vector.broadcast %add3A_62 : f32 to vector<1x128xf32>
    %add3A_64 = arith.addf %broadcast_in_dim3A_61, %add3A_63 : vector<1x128xf32>
    %sqrt3A_65 = math.sqrt %add3A_64 : vector<1x128xf32>
    %div3A_66 = arith.divf %broadcast_in_dim3A_56, %sqrt3A_65 : vector<1x128xf32>
    %get3A_67 = arith.constant 0 : index
    %get3A_68 = arith.constant 0 : index
    %get3A_69 = vector.load %arg9[%get3A_67, %get3A_68] : memref<1x128xf32, #tpu.memory_space<vmem>>, vector<1x128xf32>
    %get3A_70 = vector.shape_cast %get3A_69 : vector<1x128xf32> to vector<128xf32>
    %broadcast_in_dim3A_71 = vector.shape_cast %get3A_70 : vector<128xf32> to vector<1x128xf32>
    %sub3A = vector.broadcast %broadcast_in_dim3A_71 : vector<1x128xf32> to vector<1000x128xf32>
    %sub3A_72 = arith.subf %max3A_51, %sub3A : vector<1000x128xf32>
    %mul3A_73 = vector.broadcast %div3A_66 : vector<1x128xf32> to vector<1000x128xf32>
    %mul3A_74 = arith.mulf %sub3A_72, %mul3A_73 : vector<1000x128xf32>
    %get3A_75 = arith.constant 0 : index
    %get3A_76 = arith.constant 0 : index
    %get3A_77 = vector.load %arg8[%get3A_75, %get3A_76] : memref<1x128xf32, #tpu.memory_space<vmem>>, vector<1x128xf32>
    %get3A_78 = vector.shape_cast %get3A_77 : vector<1x128xf32> to vector<128xf32>
    %broadcast_in_dim3A_79 = vector.shape_cast %get3A_78 : vector<128xf32> to vector<1x128xf32>
    %add3A_80 = vector.broadcast %broadcast_in_dim3A_79 : vector<1x128xf32> to vector<1000x128xf32>
    %add3A_81 = arith.addf %mul3A_74, %add3A_80 : vector<1000x128xf32>
    %swap3A = arith.constant 0 : index
    %swap3A_82 = arith.constant 0 : index
    %swap3A_83 = vector.load %arg11[%swap3A, %swap3A_82] : memref<1000x128xf32, #tpu.memory_space<vmem>>, vector<1000x128xf32>
    tpu.vector_store %arg11[%swap3A, %swap3A_82], %add3A_81 {strides = array<i32>} : memref<1000x128xf32, #tpu.memory_space<vmem>>, vector<1000x128xf32>,
    return
  }
  func.func @transform_0(%arg0: i32) -> (i32, i32, i32) {
    %c0_i32 = arith.constant 0 : i32
    %c0_i32_0 = arith.constant 0 : i32
    %c0_i32_1 = arith.constant 0 : i32
    return %c0_i32, %arg0, %c0_i32_0 : i32, i32, i32
  }
  func.func @transform_1(%arg0: i32) -> (i32, i32, i32) {
    %c0_i32 = arith.constant 0 : i32
    %c0_i32_0 = arith.constant 0 : i32
    %c0_i32_1 = arith.constant 0 : i32
    return %c0_i32, %arg0, %c0_i32_0 : i32, i32, i32
  }
  func.func @transform_2(%arg0: i32) -> (i32, i32) {
    %c0_i32 = arith.constant 0 : i32
    %c0_i32_0 = arith.constant 0 : i32
    return %arg0, %c0_i32 : i32, i32
  }
  func.func @transform_3(%arg0: i32) -> (i32, i32) {
    %c0_i32 = arith.constant 0 : i32
    %c0_i32_0 = arith.constant 0 : i32
    %c0_i32_1 = arith.constant 0 : i32
    return %c0_i32, %c0_i32_0 : i32, i32
  }
  func.func @transform_4(%arg0: i32) -> (i32, i32) {
    %c0_i32 = arith.constant 0 : i32
    %c0_i32_0 = arith.constant 0 : i32
    %c0_i32_1 = arith.constant 0 : i32
    return %c0_i32, %c0_i32_0 : i32, i32
  }
  func.func @transform_5(%arg0: i32) -> (i32, i32) {
    %c0_i32 = arith.constant 0 : i32
    %c0_i32_0 = arith.constant 0 : i32
    %c0_i32_1 = arith.constant 0 : i32
    return %c0_i32, %c0_i32_0 : i32, i32
  }
  func.func @transform_6(%arg0: i32) -> (i32, i32) {
    %c0_i32 = arith.constant 0 : i32
    %c0_i32_0 = arith.constant 0 : i32
    %c0_i32_1 = arith.constant 0 : i32
    return %c0_i32, %c0_i32_0 : i32, i32
  }
  func.func @transform_7(%arg0: i32) -> (i32, i32) {
    %c0_i32 = arith.constant 0 : i32
    %c0_i32_0 = arith.constant 0 : i32
    %c0_i32_1 = arith.constant 0 : i32
    return %c0_i32, %c0_i32_0 : i32, i32
  }
  func.func @transform_8(%arg0: i32) -> (i32, i32) {
    %c0_i32 = arith.constant 0 : i32
    %c0_i32_0 = arith.constant 0 : i32
    %c0_i32_1 = arith.constant 0 : i32
    return %c0_i32, %c0_i32_0 : i32, i32
  }
  func.func @transform_9(%arg0: i32) -> (i32, i32) {
    %c0_i32 = arith.constant 0 : i32
    %c0_i32_0 = arith.constant 0 : i32
    %c0_i32_1 = arith.constant 0 : i32
    return %c0_i32, %c0_i32_0 : i32, i32
  }
  func.func @transform_10(%arg0: i32) -> (i32, i32) {
    %c0_i32 = arith.constant 0 : i32
    %c0_i32_0 = arith.constant 0 : i32
    return %arg0, %c0_i32 : i32, i32
  }
}

</mosaic_0001>

<sc_bundles>
// kernel: kernel.6.cloned.1.call-start
scs
__scs_entry_jumppad:
0x0: {  	(pc) =	sbr.rel $0x88, $3  }
0x1: {  	(tag) =	ssettag $0x0;
	lr =	simm.s32 $0x1  }
0x2: {  	[smem:$0x3F95] =	sst lr;
	_ =	strace $0xD0000000  }
0x3: {  	_ = 	snop  }
0x4: {  	_ = 	snop  }
0x5: {  	_ = 	snop  }
0x6: {  	_ = 	snop  }
0x7: {  	_ = 	snop  }
__scs_overlays_trampoline_lowered:
0x8: {  	[smem:$0x3FA4] =	sst s0  }
0x9: {  	[smem:$0x3FA5] =	sst s1  }
0xa: {  	[smem:$0x3FA6] =	sst s2  }
0xb: {  	[smem:$0x3FA7] =	sst s3  }
0xc: {  	[smem:$0x3FA8] =	sst s4  }
0xd: {  	[smem:$0x3FA9] =	sst s5  }
0xe: {  	[smem:$0x3FAA] =	sst s6  }
0xf: {  	[smem:$0x3FAB] =	sst s7  }
0x10: {  	[smem:$0x3FAC] =	sst s8  }
0x11: {  	[smem:$0x3FAD] =	sst s9;
	s0 =	simm.s32 @!p0 $0x0  }
0x12: {  	s1 =	sld [smem:$0x3F93];
	s0 =	simm.s32 @p0 $0x1  }
0x13: {  	[smem:$0x3FAE] =	sst s0;
	s0 =	simm.s32 @!p1 $0x0  }
0x14: {  	s2 =	sld [smem:$0x3F92];
	s0 =	simm.s32 @p1 $0x1  }
0x15: {  	[smem:$0x3FAF] =	sst s0;
	s0 =	simm.s32 @!p2 $0x0  }
0x16: {  	s3 =	sld [smem:$0x3FDB];
	s0 =	simm.s32 @p2 $0x1  }
0x17: {  	s4 =	simm.s32 $0x1BF5;
	[smem:$0x3FB1] =	sst s0  }
0x18: {  	s0 =	sld [smem:$0x3F94];
	_ =	swait.ge [sflag:s4], $0x0  }
0x19: {  	s7 =	sld [smem:$0x3F95]  }
0x1a: {  	s8 =	sadd.s32 $0xFFFFE003, lr  }
0x1b: {  	s9 =	sadd.s32 $0xFFFFFEF7, lr;
	s5 =	simm.s32 $0xFFFFFFFF;
	p2 =	slt.u32 s8, $0xFFFFF086  }
0x1c: {  	p1 =	slt.u32 s9, $0xF7A;
	s5 =	simm.s32 @!p2 $0x0  }
0x1d: {  	s5 =	simm.s32 @p1 $0x1;
	p0 =	seq.s32 s7, s2  }
0x1e: {  	s7 =	smul.u32 @!p0 $0xF7A, s2;
	p2 =	seq.s32 @!p0 s5, $0x0  }
0x1f: {  	s9 =	smul.u32 $0xF7A, s1;
	s8 =	simm.s32 @!p0 $0x1BF5;
	p2 =	por !p2, p0  }
0x20: {  	[sflag:s8] =	ssyncset.s32 @!p0 $0xFFFFF086;
	s6 =	sadd.s32 @!p0 s3, s7;
	s7 =	simm.s32 @!p0 $0x108  }
0x21: {  	s3 =	sadd.s32 s3, s9;
	s6 =	sadd.s32 @!p0 $0x88, s6;
	s7 =	simm.s32 @p2 $0x1082  }
0x22: {  	[simem:s7], [sflag:s8] =	dma.local @!p0 [hbm:s6], $0xF7A  }
0x23: {  	s9 =	sor.u32 $0xD0000000, s2;
	s6 =	simm.s32 $0x108;
	_ =	swait.ge @!p0 [sflag:s8], $0x0  }
0x24: {  	s3 =	sadd.s32 $0x88, s3;
	s6 =	simm.s32 @!p1 $0x1082;
	[sflag:s4] =	ssyncset.s32 $0xFFFFF086  }
0x25: {  	[simem:s6], [sflag:s4] =	dma.local [hbm:s3], $0xF7A  }
0x26: {  	[smem:$0x3F95] =	sst s1;
	(tag) =	ssettag s2;
	_ =	strace s9  }
0x27: {  	s1 =	sld [smem:$0x3FA5]  }
0x28: {  	s2 =	sld [smem:$0x3FA6]  }
0x29: {  	s4 =	sld [smem:$0x3FA8]  }
0x2a: {  	p0 =	seq.s32 s5, $0x0;
	s5 =	sld [smem:$0x3FA9]  }
0x2b: {  	s6 =	sld [smem:$0x3FAA]  }
0x2c: {  	s7 =	sld [smem:$0x3FAB]  }
0x2d: {  	s3 =	simm.s32 $0x108;
	s8 =	sld [smem:$0x3FAC]  }
0x2e: {  	s3 =	simm.s32 @!p0 $0x1082;
	s9 =	sld [smem:$0x3FAD]  }
0x2f: {  	lr =	sadd.s32 s0, s3;
	s0 =	sld [smem:$0x3FA4]  }
0x30: {  	s3 =	sld [smem:$0x3FA7]  }
0x31: {  	[smem:$0x3FB0] =	sst s10  }
0x32: {  	s10 =	sld [smem:$0x3FAE];
	_ =	sdelay $0x3  }
0x33: {  	p0 =	seq.s32 s10, $0x1;
	s10 =	sld [smem:$0x3FB0];
	_ =	sdelay $0x3  }
0x34: {  	[smem:$0x3FB0] =	sst s10  }
0x35: {  	s10 =	sld [smem:$0x3FAF];
	_ =	sdelay $0x3  }
0x36: {  	p1 =	seq.s32 s10, $0x1;
	s10 =	sld [smem:$0x3FB0];
	_ =	sdelay $0x3  }
0x37: {  	[smem:$0x3FB0] =	sst s10  }
0x38: {  	s10 =	sld [smem:$0x3FB1]  }
0x39: {  	_ = 	snop;
	(pc) =	sbr.ind lr, $3  }
0x3a: {  	_ = 	snop  }
0x3b: {  	_ = 	snop  }
0x3c: {  	p2 =	seq.s32 s10, $0x1;
	s10 =	sld [smem:$0x3FB0]  }
0x3d: {  	_ =	shalt  }
0x3e: {  	_ =	shalt  }
0x3f: {  	_ =	shalt  }
0x40: {  	_ =	shalt  }
0x41: {  	_ =	shalt  }
0x42: {  	_ =	shalt  }
0x43: {  	_ =	shalt  }
0x44: {  	_ =	shalt  }
0x45: {  	_ =	shalt  }
0x46: {  	_ =	shalt  }
0x47: {  	_ =	shalt  }
0x48: {  	_ =	shalt  }
0x49: {  	_ =	shalt  }
0x4a: {  	_ =	shalt  }
0x4b: {  	_ =	shalt  }
0x4c: {  	_ =	shalt  }
0x4d: {  	_ =	shalt  }
0x4e: {  	_ =	shalt  }
0x4f: {  	_ =	shalt  }
0x50: {  	_ =	shalt  }
0x51: {  	_ =	shalt  }
0x52: {  	_ =	shalt  }
0x53: {  	_ =	shalt  }
0x54: {  	_ =	shalt  }
0x55: {  	_ =	shalt  }
0x56: {  	_ =	shalt  }
0x57: {  	_ =	shalt  }
0x58: {  	_ =	shalt  }
0x59: {  	_ =	shalt  }
0x5a: {  	_ =	shalt  }
0x5b: {  	_ =	shalt  }
0x5c: {  	_ =	shalt  }
0x5d: {  	_ =	shalt  }
0x5e: {  	_ =	shalt  }
0x5f: {  	_ =	shalt  }
0x60: {  	_ =	shalt  }
0x61: {  	_ =	shalt  }
0x62: {  	_ =	shalt  }
0x63: {  	_ =	shalt  }
0x64: {  	_ =	shalt  }
0x65: {  	_ =	shalt  }
0x66: {  	_ =	shalt  }
0x67: {  	_ =	shalt  }
0x68: {  	_ =	shalt  }
0x69: {  	_ =	shalt  }
0x6a: {  	_ =	shalt  }
0x6b: {  	_ =	shalt  }
0x6c: {  	_ =	shalt  }
0x6d: {  	_ =	shalt  }
0x6e: {  	_ =	shalt  }
0x6f: {  	_ =	shalt  }
0x70: {  	_ =	shalt  }
0x71: {  	_ =	shalt  }
0x72: {  	_ =	shalt  }
0x73: {  	_ =	shalt  }
0x74: {  	_ =	shalt  }
0x75: {  	_ =	shalt  }
0x76: {  	_ =	shalt  }
0x77: {  	_ =	shalt  }
0x78: {  	_ =	shalt  }
0x79: {  	_ =	shalt  }
0x7a: {  	_ =	shalt  }
0x7b: {  	_ =	shalt  }
0x7c: {  	_ =	shalt  }
0x7d: {  	_ =	shalt  }
0x7e: {  	_ =	shalt  }
0x7f: {  	_ =	shalt  }
0x80: {  	_ =	shalt  }
0x81: {  	_ =	shalt  }
0x82: {  	_ =	shalt  }
0x83: {  	_ =	shalt  }
0x84: {  	_ =	shalt  }
0x85: {  	_ =	shalt  }
0x86: {  	_ =	shalt  }
0x87: {  	_ =	shalt  }
.Lfunc_end0:
.L_simem_size_0:
called_computation_lowered:
.L_overlay_start_0:
0x88: {  	s2 =	sld [smem:$0x3FD9]  }
0x89: {  	s3 =	sld [smem:$0x3FFE];
	_ =	sdelay $0x1  }
0x8a: {  	s1 =	srdreg.scid  }
0x8b: {  	s0 =	sand.u32 $0x1, s1  }
0x8c: {  	s17 =	sshll.u32 s0, $0xA;
	s2 =	sadd.s32 s3, s2  }
0x8d: {  	s2 =	sadd.s32 s2, s17  }
0x8e: {  	[smem:$0x3FBC] =	sst s2  }
0x8f: {  	_ = 	snop  }
0x90: {  	s2 =	sld [smem:$0x3FC9]  }
0x91: {  	s18 =	sld [smem:$0x3FD0];
	(tm) =	ssettm $0x1  }
0x92: {  	s4 =	sld [smem:$0x3FFB];
	_ =	sdelay $0x3  }
0x93: {  	_ =	strace s4  }
0x94: {  	s4 =	sld [smem:$0x3FFC];
	_ =	sdelay $0x3  }
0x95: {  	_ =	strace s4  }
0x96: {  	s4 =	sld [smem:$0x3FFD];
	_ =	sdelay $0x3  }
0x97: {  	_ =	strace s4  }
0x98: {  	_ =	strace $0x8FFFFFFF  }
0x99: {  	s19 =	sld [smem:$0x3FDB];
	_ =	sdelay $0x1  }
0x9a: {  	s5 =	simm.s32 $_scs_section_size  }
0x9b: {  	s6 =	simm.s32 $_size__tile_overlayer_lowered;
	s7 =	simm.s32 $_tile_overlayer_lowered  }
0x9c: {  	s22 =	simm.s32 $0x1BFF;
	s21 =	sshll.u32 s7, $0x1;
	s4 =	sadd.s32 s5, s19  }
0x9d: {  	s8 =	simm.s32 $0x0;
	s20 =	sshll.u32 s6, $0x1;
	s6 =	sadd.s32 s21, s4  }
0x9e: {  	[timem:s8], [sflag:s22] =	dma.local [hbm:s6], s20  }
0x9f: {  	_ =	swait.ge [sflag:s22], s20  }
0xa0: {  	s5 =	ssub.s32 $0x0, s20;
	[sflag:s22] =	ssyncset.done $0x0  }
0xa1: {  	[sflag:s22] =	ssyncadd.s32 s5;
	_ =	sdelay $0x1  }
0xa2: {  	s23 =	simm.s32 $0x1B8B  }
0xa3: {  	_ =	swait.ge [sflag:s23], $0x1  }
0xa4: {  	[sflag:s23] =	ssyncset.done $0x0  }
0xa5: {  	s25 =	simm.s32 $0x1B8E;
	s24 =	sld [smem:$0x3FFE];
	[sflag:s23] =	ssyncadd.s32 $0xFFFFFFFF  }
0xa6: {  	s26 =	simm.s32 $execute0_lowered;
	[smem:$0x3FD2] =	sst s25  }
0xa7: {  	s6 =	sshll.u32 s26, $0x1;
	_ =	strace $0x80000046;
	[dreg:$0x1] =	wrdreg $0xFFFFFFFF  }
0xa8: {  	s28 =	simm.s32 $_size_execute0_lowered;
	s4 =	sadd.s32 s4, s6;
	[dreg:$0x0] =	wrdreg $0x0  }
0xa9: {  	s6 =	sshll.u32 s28, $0x1;
	[dreg:$0x2] =	wrdreg s4  }
0xaa: {  	[dreg:$0x3] =	wrdreg s6  }
0xab: {  	[dreg:$0x4] =	wrdreg $0xC0  }
0xac: {  	_ =	task [dreg:s8], $0x5FFFF  }
0xad: {  	[dreg:$0x1] =	wrdreg $0xFFFFFFFF  }
0xae: {  	[dreg:$0x0] =	wrdreg $0x60  }
0xaf: {  	[dreg:$0x2] =	wrdreg s2  }
0xb0: {  	[dreg:$0x3] =	wrdreg s24  }
0xb1: {  	[dreg:$0x4] =	wrdreg s18  }
0xb2: {  	[dreg:$0x5] =	wrdreg $0xA0000  }
0xb3: {  	[dreg:$0x6] =	wrdreg $0x1E0800  }
0xb4: {  	[dreg:$0x7] =	wrdreg $0x9  }
0xb5: {  	_ =	task.clear_ibuf [dreg:s8], $0x8FFFF;
	_ =	strace $0x90000046  }
0xb6: {  	s29 =	simm.s32 $0x9;
	_ =	strace $0x80000048  }
0xb7: {  	_ =	swait.ge [sflag:s29], $0x1  }
0xb8: {  	[sflag:s29] =	ssyncadd.s32 $0xFFFFFFFF  }
0xb9: {  	_ =	strace $0x90000048  }
0xba: {  	_ =	sfence  }
0xbb: {  	s30 =	sld [smem:$0x0];
	_ =	sdelay $0x2  }
0xbc: {  	s31 =	sshll.u32 s1, $0xD;
	s1 =	sshrl.u32 s1, $0x2  }
0xbd: {  	s3 =	sand.u32 $0x4000, s31;
	s1 =	sadd.s32 s1, s30  }
0xbe: {  	s0 =	sor.u32 s3, s0;
	s1 =	sshll.u32 s1, $0x11  }
0xbf: {  	s0 =	sor.u32 s1, s0  }
0xc0: {  	s0 =	sadd.s32 $0x8F2B, s0  }
0xc1: {  	[sflag:s0] =	ssyncadd.remote.s32 $0x1  }
0xc2: {  	_ =	sfence.sel $0xFFFF  }
0xc3: {  	[dreg:$0x0] =	wrdreg $0xFFFFFFFF;
	(pc) =	sbr.abs _section_cstart, $3  }
0xc4: {  	[dreg:$0x1] =	wrdreg $0xFFFFFFFF  }
0xc5: {  	_ =	task.clear_ibuf [dreg:s8], $0x2FFFF;
	_ =	strace $0x9FFFFFFF  }
0xc6: {  	(tm) =	ssettm $0x7FFFFFFF  }
0xc7: {  	_ =	shalt  }
tec
execute0_lowered:
.L_overlay_start_1:
0x0: {  	(tag) =	ssettag $0x1  }
0x1: {  	s1 =	rddreg [dreg:$0x0]  }
0x2: {  	s0 =	rddreg [dreg:$0x1]  }
0x3: {  	s13 =	rddreg [dreg:$0x2]  }
0x4: {  	s2 =	rddreg [dreg:$0x3]  }
0x5: {  	s4 =	rddreg [dreg:$0x4]  }
0x6: {  	s5 =	simm.s32 $0x0;
	s3 =	stileid.u32;
	s7 =	srdreg.scid  }
0x7: {  	s20 =	simm.s32 $0x2000;
	s21 =	simm.s32 $0x6000;
	s28 =	simm.s32 $0x20  }
0x8: {  	s29 =	simm.s32 $0x10;
	[smem:$0x7FF] =	sst s5;
	s8 =	smul.u32 $0x14000, s3  }
0x9: {  	s6 =	sadd.s32 $0x12E00, s0;
	s10 =	smul.u32 $0x280, s3;
	s25 =	sand.u32 $0x1, s7  }
0xa: {  	s7 =	sadd.s32 $0x2E00, s0;
	s14 =	smul.u32 $0x50000, s3;
	s23 =	sshll.u32 s3, $0x6  }
0xb: {  	s24 =	smul.u32 $0x500, s3;
	s18 =	sshll.u32 s3, $0xE;
	_ =	strace $0x80000047  }
0xc: {  	s11 =	smul.u32 $0x140000, s25;
	s22 =	ssub.s32 $0x2, s25;
	s26 =	sshll.u32 s25, $0x7  }
0xd: {  	s30 =	sshll.u32 s25, $0x12;
	p0 =	sne.s32 s25, $0x0;
	s25 =	simm.s32 $0x1F00  }
0xe: {  	s9 =	sshrl.u32 s8, $0x3;
	s12 =	sshrl.u32 s10, $0x3;
	s15 =	sshrl.u32 s22, $0x1  }
0xf: {  	s14 =	sshrl.u32 s14, $0x2;
	s17 =	sadd.s32 s10, s4;
	s19 =	sor.u32 s26, s24  }
0x10: {  	s24 =	simm.s32 $0x2;
	s26 =	simm.s32 $0x1F80;
	s9 =	sadd.s32 s9, s0  }
0x11: {  	s12 =	sadd.s32 s12, s0;
	s8 =	sadd.s32 s8, s11;
	s15 =	ssub.s32 s22, s15  }
0x12: {  	s16 =	sadd.s32 s14, s2;
	s11 =	sor.u32 s18, s30;
	s31 =	sshrl.u32 s19, $0x3  }
0x13: {  	s17 =	sshrl.u32 s17, $0x3;
	s18 =	simm.s32 $0x1000;
	s19 =	simm.s32 $0x80  }
0x14: {  	s22 =	simm.s32 $0x1;
	s8 =	sshrl.u32 s8, $0x3;
	s10 =	sadd.s32 $0x22E00, s12  }
0x15: {  	s13 =	sadd.s32 s13, s31;
	s14 =	smax.u32 s15, $0x1;
	s15 =	sshrl.u32 s16, $0x3  }
0x16: {  	s16 =	simm.s32 $0x3;
	s0 =	sadd.s32 s8, s0;
	s8 =	sadd.s32 $0x23400, s9  }
0x17: {  	v0 =	vimm.f32 $1.000000000e+00;
	s9 =	sor.u32 $0x1C03, s23;
	s23 =	simm.s32 $0x1E000;
	s12 =	sadd.s32 $0x4B400, s0  }
.LBB2_1:
0x18: {  	[spmem:s15], [sflag:s9] =	dma.local [hbm:s8], $0x2800  }
0x19: {  	_ =	swait.ge [sflag:s16], $0x2800  }
0x1a: {  	[sflag:s16] =	ssyncset.done $0x0  }
0x1b: {  	[sflag:s16] =	ssyncadd.s32 $0xFFFFD800  }
0x1c: {  	[spmem:s17], [sflag:s9] =	dma.local [hbm:s10], $0x50  }
0x1d: {  	_ =	swait.ge [sflag:s16], $0x50  }
0x1e: {  	[sflag:s16] =	ssyncset.done $0x0  }
0x1f: {  	[sflag:s16] =	ssyncadd.s32 $0xFFFFFFB0  }
0x20: {  	[tilespmem:$0x1E000] =	vst v0  }
0x21: {  	[tilespmem:$0x1E010] =	vst v0  }
0x22: {  	[tilespmem:$0x1E020] =	vst v0  }
0x23: {  	[tilespmem:$0x1E030] =	vst v0  }
0x24: {  	[tilespmem:$0x1E040] =	vst v0  }
0x25: {  	[tilespmem:$0x1E050] =	vst v0  }
0x26: {  	[tilespmem:$0x1E060] =	vst v0  }
0x27: {  	[tilespmem:$0x1E070] =	vst v0  }
0x28: {  	s30 =	simm.s32 $0x0;
	[bflag:$0x0] =	sbarrier.arrive $0xFFFF  }
.LBB2_2:
0x29: {  	s0 =	sshll.u32 s30, $0xC  }
0x2a: {  	s0 =	sadd.s32 s0, s11  }
0x2b: {  	s0 =	sshrl.u32 s0, $0x3  }
0x2c: {  	s3 =	simm.s32 $0x0;
	s31 =	sadd.s32 s6, s0  }
0x2d: {  	[tilespmem:s3], [sflag:$0x3] =	stream.linear.gather [hbm4b:s31+s3], $0x1000, $0x38;
	[tilespmem:$0x1E300] =	vst v63  }
0x2e: {  	_ =	swait.ge [sflag:s16], $0x1000  }
0x2f: {  	[sflag:s16] =	ssyncset.done $0x0  }
0x30: {  	s0 =	sadd.s32 s7, s0;
	[sflag:s16] =	ssyncadd.s32 $0xFFFFF000  }
0x31: {  	[tilespmem:s18], [sflag:$0x3] =	stream.linear.gather [hbm4b:s0+s3], $0x1000, $0x38;
	[tilespmem:$0x1E300] =	vst v63  }
0x32: {  	_ =	swait.ge [sflag:s16], $0x1000  }
0x33: {  	[sflag:s16] =	ssyncset.done $0x0  }
0x34: {  	[sflag:s16] =	ssyncadd.s32 $0xFFFFF000  }
0x35: {  	[tilespmem:s20], [sflag:$0x1] =	stream.indirect.gather [hbm4b:s1+s19], $0x80, s3, s19, $0xb8;
	[tilespmem:$0x1E300] =	vst v63  }
0x36: {  	_ = 	snop  }
0x37: {  	[tilespmem:s21], [sflag:$0x2] =	stream.indirect.gather [hbm4b:s1+s19], $0x80, s19, s19, $0xb8;
	[tilespmem:$0x1E300] =	vst v63  }
0x38: {  	_ =	swait.ge [sflag:s22], $0x4000  }
0x39: {  	[sflag:s22] =	ssyncset.done $0x0  }
0x3a: {  	s3 =	simm.s32 $0x1000;
	[sflag:s22] =	ssyncadd.s32 $0xFFFFC000  }
0x3b: {  	[spmem:s2] =	stream.indirect.scatter.add.f32 [tilespmem:s20], [sflag:$0x3], $0x80, s3, s19, $0xb8;
	[tilespmem:$0x1E300] =	vst v63  }
0x3c: {  	_ =	swait.ge [sflag:s16], $0x4000  }
0x3d: {  	[sflag:s16] =	ssyncset.done $0x0  }
0x3e: {  	[sflag:s16] =	ssyncadd.s32 $0xFFFFC000  }
0x3f: {  	[spmem:s4] =	stream.indirect.scatter.add.f32 [tilespmem:s23], [sflag:$0x3], $0x1, s3, s19, $0xb8;
	[tilespmem:$0x1E300] =	vst v63  }
0x40: {  	_ =	swait.ge [sflag:s16], $0x80  }
0x41: {  	[sflag:s16] =	ssyncset.done $0x0  }
0x42: {  	s3 =	simm.s32 $0x100;
	[sflag:s16] =	ssyncadd.s32 $0xFFFFFF80  }
0x43: {  	[tilespmem:s20], [sflag:$0x1] =	stream.indirect.gather [hbm4b:s1+s19], $0x80, s3, s19, $0xb8;
	[tilespmem:$0x1E300] =	vst v63  }
0x44: {  	_ =	swait.ge [sflag:s24], $0x4000  }
0x45: {  	[sflag:s24] =	ssyncset.done $0x0  }
0x46: {  	s3 =	simm.s32 $0x1080;
	[sflag:s24] =	ssyncadd.s32 $0xFFFFC000  }
0x47: {  	[spmem:s2] =	stream.indirect.scatter.add.f32 [tilespmem:s21], [sflag:$0x3], $0x80, s3, s19, $0xb8;
	[tilespmem:$0x1E300] =	vst v63  }
0x48: {  	_ =	swait.ge [sflag:s16], $0x4000  }
0x49: {  	[sflag:s16] =	ssyncset.done $0x0  }
0x4a: {  	[sflag:s16] =	ssyncadd.s32 $0xFFFFC000  }
0x4b: {  	[spmem:s4] =	stream.indirect.scatter.add.f32 [tilespmem:s23], [sflag:$0x3], $0x1, s3, s19, $0xb8;
	[tilespmem:$0x1E300] =	vst v63  }
0x4c: {  	_ =	swait.ge [sflag:s16], $0x80  }
0x4d: {  	[sflag:s16] =	ssyncset.done $0x0  }
0x4e: {  	s31 =	simm.s32 $0x400;
	s0 =	simm.s32 $0x180;
	[sflag:s16] =	ssyncadd.s32 $0xFFFFFF80  }
.LBB2_3:
0x4f: {  	[tilespmem:s21], [sflag:$0x2] =	stream.indirect.gather [hbm4b:s1+s19], $0x80, s0, s19, $0xb8;
	[tilespmem:$0x1E300] =	vst v63  }
0x50: {  	s0 =	smov.u32 s31  }
0x51: {  	p1 =	sne.s32 s31, $0x3800;
	s31 =	sadd.s32 $0x400, s31;
	_ =	swait.ge [sflag:s22], $0x4000  }
0x52: {  	s0 =	sshra.s32 s0, $0x2;
	[sflag:s22] =	ssyncset.done $0x0  }
0x53: {  	s3 =	sadd.s32 $0x1000, s0;
	[sflag:s22] =	ssyncadd.s32 $0xFFFFC000  }
0x54: {  	[spmem:s2] =	stream.indirect.scatter.add.f32 [tilespmem:s20], [sflag:$0x3], $0x80, s3, s19, $0xb8;
	[tilespmem:$0x1E300] =	vst v63  }
0x55: {  	_ =	swait.ge [sflag:s16], $0x4000  }
0x56: {  	[sflag:s16] =	ssyncset.done $0x0  }
0x57: {  	[sflag:s16] =	ssyncadd.s32 $0xFFFFC000  }
0x58: {  	[spmem:s4] =	stream.indirect.scatter.add.f32 [tilespmem:s23], [sflag:$0x3], $0x1, s3, s19, $0xb8;
	[tilespmem:$0x1E300] =	vst v63  }
0x59: {  	_ =	swait.ge [sflag:s16], $0x80  }
0x5a: {  	[sflag:s16] =	ssyncset.done $0x0  }
0x5b: {  	s3 =	sadd.s32 $0x100, s0;
	[sflag:s16] =	ssyncadd.s32 $0xFFFFFF80  }
0x5c: {  	[tilespmem:s20], [sflag:$0x1] =	stream.indirect.gather [hbm4b:s1+s19], $0x80, s3, s19, $0xb8;
	[tilespmem:$0x1E300] =	vst v63  }
0x5d: {  	_ =	swait.ge [sflag:s24], $0x4000  }
0x5e: {  	[sflag:s24] =	ssyncset.done $0x0  }
0x5f: {  	s3 =	sadd.s32 $0x1080, s0;
	[sflag:s24] =	ssyncadd.s32 $0xFFFFC000  }
0x60: {  	[spmem:s2] =	stream.indirect.scatter.add.f32 [tilespmem:s21], [sflag:$0x3], $0x80, s3, s19, $0xb8;
	[tilespmem:$0x1E300] =	vst v63  }
0x61: {  	_ =	swait.ge [sflag:s16], $0x4000  }
0x62: {  	[sflag:s16] =	ssyncset.done $0x0  }
.Ltmp0:
0x63: {  	[sflag:s16] =	ssyncadd.s32 $0xFFFFC000;
	(pc) =	sbr.rel @p1 .LBB2_3-.Ltmp0, $4  }
0x64: {  	[spmem:s4] =	stream.indirect.scatter.add.f32 [tilespmem:s23], [sflag:$0x3], $0x1, s3, s19, $0xb8;
	[tilespmem:$0x1E300] =	vst v63  }
0x65: {  	_ =	swait.ge [sflag:s16], $0x80  }
0x66: {  	[sflag:s16] =	ssyncset.done $0x0  }
0x67: {  	s0 =	sadd.s32 $0x180, s0;
	[sflag:s16] =	ssyncadd.s32 $0xFFFFFF80  }
0x68: {  	[tilespmem:s21], [sflag:$0x2] =	stream.indirect.gather [hbm4b:s1+s19], $0x80, s0, s19, $0xb8;
	[tilespmem:$0x1E300] =	vst v63  }
0x69: {  	_ =	swait.ge [sflag:s22], $0x4000  }
0x6a: {  	[sflag:s22] =	ssyncset.done $0x0  }
0x6b: {  	[sflag:s22] =	ssyncadd.s32 $0xFFFFC000  }
0x6c: {  	[spmem:s2] =	stream.indirect.scatter.add.f32 [tilespmem:s20], [sflag:$0x3], $0x80, s25, s19, $0xb8;
	[tilespmem:$0x1E300] =	vst v63  }
0x6d: {  	_ =	swait.ge [sflag:s16], $0x4000  }
0x6e: {  	[sflag:s16] =	ssyncset.done $0x0  }
0x6f: {  	[sflag:s16] =	ssyncadd.s32 $0xFFFFC000  }
0x70: {  	[spmem:s4] =	stream.indirect.scatter.add.f32 [tilespmem:s23], [sflag:$0x3], $0x1, s25, s19, $0xb8;
	[tilespmem:$0x1E300] =	vst v63  }
0x71: {  	_ =	swait.ge [sflag:s16], $0x80  }
0x72: {  	[sflag:s16] =	ssyncset.done $0x0  }
0x73: {  	[sflag:s16] =	ssyncadd.s32 $0xFFFFFF80  }
0x74: {  	_ =	swait.ge [sflag:s24], $0x4000  }
0x75: {  	[sflag:s24] =	ssyncset.done $0x0  }
0x76: {  	[sflag:s24] =	ssyncadd.s32 $0xFFFFC000  }
0x77: {  	[spmem:s2] =	stream.indirect.scatter.add.f32 [tilespmem:s21], [sflag:$0x3], $0x80, s26, s19, $0xb8;
	[tilespmem:$0x1E300] =	vst v63  }
0x78: {  	p1 =	slt.u32 @!p0 s30, $0x3;
	_ =	swait.ge [sflag:s16], $0x4000  }
0x79: {  	p1 =	por p0, !p1;
	[sflag:s16] =	ssyncset.done $0x0  }
.Ltmp1:
0x7a: {  	[sflag:s16] =	ssyncadd.s32 $0xFFFFC000;
	(pc) =	sbr.rel @!p1 .LBB2_2-.Ltmp1, $4  }
0x7b: {  	[spmem:s4] =	stream.indirect.scatter.add.f32 [tilespmem:s23], [sflag:$0x3], $0x1, s26, s19, $0xb8;
	[tilespmem:$0x1E300] =	vst v63  }
0x7c: {  	_ =	swait.ge [sflag:s16], $0x80  }
0x7d: {  	[sflag:s16] =	ssyncset.done $0x0  }
0x7e: {  	s30 =	sadd.s32 $0x1, s30;
	[sflag:s16] =	ssyncadd.s32 $0xFFFFFF80  }
0x7f: {  	[bflag:$0x0] =	sbarrier.arrive $0xFFFF  }
0x80: {  	[hbm:s12], [sflag:s9] =	dma.local [spmem:s15], $0x2800  }
0x81: {  	s5 =	sadd.s32 $0x1, s5;
	_ =	swait.ge [sflag:s16], $0x2800  }
0x82: {  	p1 =	sne.s32 s5, s14;
	[sflag:s16] =	ssyncset.done $0x0  }
.Ltmp2:
0x83: {  	[sflag:s16] =	ssyncadd.s32 $0xFFFFD800;
	(pc) =	sbr.rel @p1 .LBB2_1-.Ltmp2, $4  }
0x84: {  	[hbm:s13@s28], [sflag:s9] =	dma.strided [spmem:s17@s29], $0x50, s22, $0x10   }
0x85: {  	_ =	swait.ge [sflag:s16], $0x50  }
0x86: {  	[sflag:s16] =	ssyncset.done $0x0  }
0x87: {  	[sflag:s16] =	ssyncadd.s32 $0xFFFFFFB0  }
0x88: {  	_ =	sfence.sel $0x180000  }
0x89: {  	[bflag:$0x0] =	sbarrier.arrive $0xFFFF  }
0x8a: {  	_ =	strace $0x90000047  }
0x8b: {  	s0 =	stileid.u32;
	[bflag:$0x2] =	sbarrier.arrive $0xFFFF  }
0x8c: {  	p0 =	sne.s32 s0, $0x0;
	s0 =	rddreg [dreg:$0x5]  }
0x8d: {  	s0 =	sadd.s32 @!p0 $0x100000, s0  }
0x8e: {  	[sflag:s0] =	ssyncadd.tile.s32 @!p0 $0x1;
	_ =	shalt  }
.Lfunc_end2:
_tile_overlayer_lowered:
.L_overlay_start_2:
0x8f: {  	(tag) =	ssettag $0x2  }
0x90: {  	s0 =	rddreg [dreg:$0x0];
	s2 =	stileid.u32  }
0x91: {  	s1 =	rddreg [dreg:$0x1];
	p0 =	sne.s32 s2, $0x0  }
0x92: {  	s3 =	rddreg [dreg:$0x2];
	[bflag:$0x3] =	sbarrier.arrive $0xFFFF;
	s2 =	simm.s32 @!p0 $0x1C03  }
0x93: {  	[timem:s3], [sflag:s2] =	dma.local @!p0 [hbm:s0], s1  }
0x94: {  	s0 =	simm.s32 @!p0 $0x3  }
0x95: {  	_ =	swait.ge @!p0 [sflag:s0], s1  }
0x96: {  	s1 =	ssub.s32 @!p0 $0x0, s1;
	[sflag:s0] =	ssyncset.done @!p0 $0x0  }
0x97: {  	[sflag:s0] =	ssyncadd.s32 @!p0 s1  }
0x98: {  	[bflag:$0x3] =	sbarrier.arrive $0xFFFF  }
0x99: {  	_ =	shalt  }

// kernel: kernel.9.cloned.1.call-start
scs
__scs_entry_jumppad:
0x0: {  	(pc) =	sbr.rel $0x88, $3  }
0x1: {  	(tag) =	ssettag $0x0;
	lr =	simm.s32 $0x1  }
0x2: {  	[smem:$0x3F95] =	sst lr;
	_ =	strace $0xD0000000  }
0x3: {  	_ = 	snop  }
0x4: {  	_ = 	snop  }
0x5: {  	_ = 	snop  }
0x6: {  	_ = 	snop  }
0x7: {  	_ = 	snop  }
__scs_overlays_trampoline_lowered:
0x8: {  	[smem:$0x3FA4] =	sst s0  }
0x9: {  	[smem:$0x3FA5] =	sst s1  }
0xa: {  	[smem:$0x3FA6] =	sst s2  }
0xb: {  	[smem:$0x3FA7] =	sst s3  }
0xc: {  	[smem:$0x3FA8] =	sst s4  }
0xd: {  	[smem:$0x3FA9] =	sst s5  }
0xe: {  	[smem:$0x3FAA] =	sst s6  }
0xf: {  	[smem:$0x3FAB] =	sst s7  }
0x10: {  	[smem:$0x3FAC] =	sst s8  }
0x11: {  	[smem:$0x3FAD] =	sst s9;
	s0 =	simm.s32 @!p0 $0x0  }
0x12: {  	s1 =	sld [smem:$0x3F93];
	s0 =	simm.s32 @p0 $0x1  }
0x13: {  	[smem:$0x3FAE] =	sst s0;
	s0 =	simm.s32 @!p1 $0x0  }
0x14: {  	s2 =	sld [smem:$0x3F92];
	s0 =	simm.s32 @p1 $0x1  }
0x15: {  	[smem:$0x3FAF] =	sst s0;
	s0 =	simm.s32 @!p2 $0x0  }
0x16: {  	s3 =	sld [smem:$0x3FDB];
	s0 =	simm.s32 @p2 $0x1  }
0x17: {  	s4 =	simm.s32 $0x1BF5;
	[smem:$0x3FB1] =	sst s0  }
0x18: {  	s0 =	sld [smem:$0x3F94];
	_ =	swait.ge [sflag:s4], $0x0  }
0x19: {  	s7 =	sld [smem:$0x3F95]  }
0x1a: {  	s8 =	sadd.s32 $0xFFFFE003, lr  }
0x1b: {  	s9 =	sadd.s32 $0xFFFFFEF7, lr;
	s5 =	simm.s32 $0xFFFFFFFF;
	p2 =	slt.u32 s8, $0xFFFFF086  }
0x1c: {  	p1 =	slt.u32 s9, $0xF7A;
	s5 =	simm.s32 @!p2 $0x0  }
0x1d: {  	s5 =	simm.s32 @p1 $0x1;
	p0 =	seq.s32 s7, s2  }
0x1e: {  	s7 =	smul.u32 @!p0 $0xF7A, s2;
	p2 =	seq.s32 @!p0 s5, $0x0  }
0x1f: {  	s9 =	smul.u32 $0xF7A, s1;
	s8 =	simm.s32 @!p0 $0x1BF5;
	p2 =	por !p2, p0  }
0x20: {  	[sflag:s8] =	ssyncset.s32 @!p0 $0xFFFFF086;
	s6 =	sadd.s32 @!p0 s3, s7;
	s7 =	simm.s32 @!p0 $0x108  }
0x21: {  	s3 =	sadd.s32 s3, s9;
	s6 =	sadd.s32 @!p0 $0x88, s6;
	s7 =	simm.s32 @p2 $0x1082  }
0x22: {  	[simem:s7], [sflag:s8] =	dma.local @!p0 [hbm:s6], $0xF7A  }
0x23: {  	s9 =	sor.u32 $0xD0000000, s2;
	s6 =	simm.s32 $0x108;
	_ =	swait.ge @!p0 [sflag:s8], $0x0  }
0x24: {  	s3 =	sadd.s32 $0x88, s3;
	s6 =	simm.s32 @!p1 $0x1082;
	[sflag:s4] =	ssyncset.s32 $0xFFFFF086  }
0x25: {  	[simem:s6], [sflag:s4] =	dma.local [hbm:s3], $0xF7A  }
0x26: {  	[smem:$0x3F95] =	sst s1;
	(tag) =	ssettag s2;
	_ =	strace s9  }
0x27: {  	s1 =	sld [smem:$0x3FA5]  }
0x28: {  	s2 =	sld [smem:$0x3FA6]  }
0x29: {  	s4 =	sld [smem:$0x3FA8]  }
0x2a: {  	p0 =	seq.s32 s5, $0x0;
	s5 =	sld [smem:$0x3FA9]  }
0x2b: {  	s6 =	sld [smem:$0x3FAA]  }
0x2c: {  	s7 =	sld [smem:$0x3FAB]  }
0x2d: {  	s3 =	simm.s32 $0x108;
	s8 =	sld [smem:$0x3FAC]  }
0x2e: {  	s3 =	simm.s32 @!p0 $0x1082;
	s9 =	sld [smem:$0x3FAD]  }
0x2f: {  	lr =	sadd.s32 s0, s3;
	s0 =	sld [smem:$0x3FA4]  }
0x30: {  	s3 =	sld [smem:$0x3FA7]  }
0x31: {  	[smem:$0x3FB0] =	sst s10  }
0x32: {  	s10 =	sld [smem:$0x3FAE];
	_ =	sdelay $0x3  }
0x33: {  	p0 =	seq.s32 s10, $0x1;
	s10 =	sld [smem:$0x3FB0];
	_ =	sdelay $0x3  }
0x34: {  	[smem:$0x3FB0] =	sst s10  }
0x35: {  	s10 =	sld [smem:$0x3FAF];
	_ =	sdelay $0x3  }
0x36: {  	p1 =	seq.s32 s10, $0x1;
	s10 =	sld [smem:$0x3FB0];
	_ =	sdelay $0x3  }
0x37: {  	[smem:$0x3FB0] =	sst s10  }
0x38: {  	s10 =	sld [smem:$0x3FB1]  }
0x39: {  	_ = 	snop;
	(pc) =	sbr.ind lr, $3  }
0x3a: {  	_ = 	snop  }
0x3b: {  	_ = 	snop  }
0x3c: {  	p2 =	seq.s32 s10, $0x1;
	s10 =	sld [smem:$0x3FB0]  }
0x3d: {  	_ =	shalt  }
0x3e: {  	_ =	shalt  }
0x3f: {  	_ =	shalt  }
0x40: {  	_ =	shalt  }
0x41: {  	_ =	shalt  }
0x42: {  	_ =	shalt  }
0x43: {  	_ =	shalt  }
0x44: {  	_ =	shalt  }
0x45: {  	_ =	shalt  }
0x46: {  	_ =	shalt  }
0x47: {  	_ =	shalt  }
0x48: {  	_ =	shalt  }
0x49: {  	_ =	shalt  }
0x4a: {  	_ =	shalt  }
0x4b: {  	_ =	shalt  }
0x4c: {  	_ =	shalt  }
0x4d: {  	_ =	shalt  }
0x4e: {  	_ =	shalt  }
0x4f: {  	_ =	shalt  }
0x50: {  	_ =	shalt  }
0x51: {  	_ =	shalt  }
0x52: {  	_ =	shalt  }
0x53: {  	_ =	shalt  }
0x54: {  	_ =	shalt  }
0x55: {  	_ =	shalt  }
0x56: {  	_ =	shalt  }
0x57: {  	_ =	shalt  }
0x58: {  	_ =	shalt  }
0x59: {  	_ =	shalt  }
0x5a: {  	_ =	shalt  }
0x5b: {  	_ =	shalt  }
0x5c: {  	_ =	shalt  }
0x5d: {  	_ =	shalt  }
0x5e: {  	_ =	shalt  }
0x5f: {  	_ =	shalt  }
0x60: {  	_ =	shalt  }
0x61: {  	_ =	shalt  }
0x62: {  	_ =	shalt  }
0x63: {  	_ =	shalt  }
0x64: {  	_ =	shalt  }
0x65: {  	_ =	shalt  }
0x66: {  	_ =	shalt  }
0x67: {  	_ =	shalt  }
0x68: {  	_ =	shalt  }
0x69: {  	_ =	shalt  }
0x6a: {  	_ =	shalt  }
0x6b: {  	_ =	shalt  }
0x6c: {  	_ =	shalt  }
0x6d: {  	_ =	shalt  }
0x6e: {  	_ =	shalt  }
0x6f: {  	_ =	shalt  }
0x70: {  	_ =	shalt  }
0x71: {  	_ =	shalt  }
0x72: {  	_ =	shalt  }
0x73: {  	_ =	shalt  }
0x74: {  	_ =	shalt  }
0x75: {  	_ =	shalt  }
0x76: {  	_ =	shalt  }
0x77: {  	_ =	shalt  }
0x78: {  	_ =	shalt  }
0x79: {  	_ =	shalt  }
0x7a: {  	_ =	shalt  }
0x7b: {  	_ =	shalt  }
0x7c: {  	_ =	shalt  }
0x7d: {  	_ =	shalt  }
0x7e: {  	_ =	shalt  }
0x7f: {  	_ =	shalt  }
0x80: {  	_ =	shalt  }
0x81: {  	_ =	shalt  }
0x82: {  	_ =	shalt  }
0x83: {  	_ =	shalt  }
0x84: {  	_ =	shalt  }
0x85: {  	_ =	shalt  }
0x86: {  	_ =	shalt  }
0x87: {  	_ =	shalt  }
.Lfunc_end0:
.L_simem_size_0:
called_computation.1_lowered:
.L_overlay_start_0:
0x88: {  	s2 =	sld [smem:$0x3FD9]  }
0x89: {  	s3 =	sld [smem:$0x3FFE];
	_ =	sdelay $0x1  }
0x8a: {  	s1 =	srdreg.scid  }
0x8b: {  	s0 =	sand.u32 $0x1, s1  }
0x8c: {  	s17 =	sshll.u32 s0, $0xA;
	s2 =	sadd.s32 s3, s2  }
0x8d: {  	s2 =	sadd.s32 s2, s17  }
0x8e: {  	[smem:$0x3FBC] =	sst s2  }
0x8f: {  	_ = 	snop  }
0x90: {  	s2 =	sld [smem:$0x3FD0];
	(tm) =	ssettm $0x1  }
0x91: {  	s18 =	sld [smem:$0x3FFB];
	_ =	sdelay $0x3  }
0x92: {  	_ =	strace s18  }
0x93: {  	s3 =	sld [smem:$0x3FFC];
	_ =	sdelay $0x3  }
0x94: {  	_ =	strace s3  }
0x95: {  	s3 =	sld [smem:$0x3FFD];
	_ =	sdelay $0x3  }
0x96: {  	_ =	strace s3  }
0x97: {  	_ =	strace $0x8FFFFFFF  }
0x98: {  	s19 =	sld [smem:$0x3FDB];
	_ =	sdelay $0x1  }
0x99: {  	s4 =	simm.s32 $_scs_section_size  }
0x9a: {  	s5 =	simm.s32 $_size__tile_overlayer_lowered;
	s6 =	simm.s32 $_tile_overlayer_lowered  }
0x9b: {  	s22 =	simm.s32 $0x1BFF;
	s21 =	sshll.u32 s6, $0x1;
	s3 =	sadd.s32 s4, s19  }
0x9c: {  	s7 =	simm.s32 $0x0;
	s20 =	sshll.u32 s5, $0x1;
	s5 =	sadd.s32 s21, s3  }
0x9d: {  	[timem:s7], [sflag:s22] =	dma.local [hbm:s5], s20  }
0x9e: {  	_ =	swait.ge [sflag:s22], s20  }
0x9f: {  	s4 =	ssub.s32 $0x0, s20;
	[sflag:s22] =	ssyncset.done $0x0  }
0xa0: {  	[sflag:s22] =	ssyncadd.s32 s4;
	_ =	sdelay $0x1  }
0xa1: {  	s23 =	simm.s32 $0x1B8B  }
0xa2: {  	_ =	swait.ge [sflag:s23], $0x1  }
0xa3: {  	[sflag:s23] =	ssyncset.done $0x0  }
0xa4: {  	s25 =	simm.s32 $0x1B8E;
	s24 =	sld [smem:$0x3FFE];
	[sflag:s23] =	ssyncadd.s32 $0xFFFFFFFF  }
0xa5: {  	s26 =	simm.s32 $execute0_lowered;
	[smem:$0x3FD2] =	sst s25  }
0xa6: {  	s5 =	sshll.u32 s26, $0x1;
	_ =	strace $0x80000049;
	[dreg:$0x1] =	wrdreg $0xFFFFFFFF  }
0xa7: {  	s28 =	simm.s32 $_size_execute0_lowered;
	s3 =	sadd.s32 s3, s5;
	[dreg:$0x0] =	wrdreg $0x0  }
0xa8: {  	s5 =	sshll.u32 s28, $0x1;
	[dreg:$0x2] =	wrdreg s3  }
0xa9: {  	[dreg:$0x3] =	wrdreg s5  }
0xaa: {  	[dreg:$0x4] =	wrdreg $0xC0  }
0xab: {  	_ =	task [dreg:s7], $0x5FFFF  }
0xac: {  	[dreg:$0x1] =	wrdreg $0xFFFFFFFF  }
0xad: {  	[dreg:$0x0] =	wrdreg $0x60  }
0xae: {  	[dreg:$0x2] =	wrdreg s2  }
0xaf: {  	[dreg:$0x3] =	wrdreg s24  }
0xb0: {  	[dreg:$0x4] =	wrdreg $0xA0000  }
0xb1: {  	[dreg:$0x5] =	wrdreg $0x9  }
0xb2: {  	_ =	task.clear_ibuf [dreg:s7], $0x6FFFF;
	_ =	strace $0x90000049  }
0xb3: {  	s29 =	simm.s32 $0x9;
	_ =	strace $0x8000004B  }
0xb4: {  	_ =	swait.ge [sflag:s29], $0x1  }
0xb5: {  	[sflag:s29] =	ssyncadd.s32 $0xFFFFFFFF  }
0xb6: {  	_ =	strace $0x9000004B  }
0xb7: {  	_ =	sfence  }
0xb8: {  	s30 =	sld [smem:$0x0];
	_ =	sdelay $0x2  }
0xb9: {  	s31 =	sshll.u32 s1, $0xD;
	s1 =	sshrl.u32 s1, $0x2  }
0xba: {  	s3 =	sand.u32 $0x4000, s31;
	s1 =	sadd.s32 s1, s30  }
0xbb: {  	s0 =	sor.u32 s3, s0;
	s1 =	sshll.u32 s1, $0x11  }
0xbc: {  	s0 =	sor.u32 s1, s0  }
0xbd: {  	s0 =	sadd.s32 $0x8F2B, s0  }
0xbe: {  	[sflag:s0] =	ssyncadd.remote.s32 $0x1  }
0xbf: {  	_ =	sfence.sel $0xFFFF  }
0xc0: {  	[dreg:$0x0] =	wrdreg $0xFFFFFFFF;
	(pc) =	sbr.abs _section_cstart, $3  }
0xc1: {  	[dreg:$0x1] =	wrdreg $0xFFFFFFFF  }
0xc2: {  	_ =	task.clear_ibuf [dreg:s7], $0x2FFFF;
	_ =	strace $0x9FFFFFFF  }
0xc3: {  	(tm) =	ssettm $0x7FFFFFFF  }
tec
execute0_lowered:
.L_overlay_start_1:
0x0: {  	(tag) =	ssettag $0x1  }
0x1: {  	s2 =	rddreg [dreg:$0x0]  }
0x2: {  	s7 =	rddreg [dreg:$0x1]  }
0x3: {  	s3 =	rddreg [dreg:$0x2]  }
0x4: {  	s0 =	rddreg [dreg:$0x3];
	s1 =	stileid.u32  }
0x5: {  	s5 =	srdreg.scid;
	s4 =	simm.s32 $0x0;
	s14 =	simm.s32 $0x1000  }
0x6: {  	s15 =	simm.s32 $0x80;
	s16 =	simm.s32 $0x2000;
	s17 =	simm.s32 $0x6000  }
0x7: {  	s18 =	simm.s32 $0x1;
	s19 =	simm.s32 $0x2;
	s21 =	simm.s32 $0x1F80  }
0x8: {  	s8 =	smul.u32 $0x14000, s1;
	s20 =	sand.u32 $0x1, s5;
	[smem:$0x7FF] =	sst s4  }
0x9: {  	s5 =	sadd.s32 $0x12E00, s7;
	s6 =	sadd.s32 $0x2E00, s7;
	s25 =	smul.u32 $0x50000, s1  }
0xa: {  	s29 =	sshll.u32 s1, $0x6;
	s31 =	sshll.u32 s1, $0xE;
	s9 =	smul.u32 $0x140000, s20  }
0xb: {  	_ =	strace $0x8000004A;
	s11 =	ssub.s32 $0x2, s20;
	s30 =	sshll.u32 s20, $0x12  }
0xc: {  	p0 =	sne.s32 s20, $0x0;
	s20 =	simm.s32 $0x1F00;
	s10 =	sshrl.u32 s8, $0x3  }
0xd: {  	s26 =	sshrl.u32 s11, $0x1;
	s28 =	sshrl.u32 s25, $0x2;
	s8 =	sadd.s32 s8, s9  }
0xe: {  	s10 =	sadd.s32 s10, s7;
	s11 =	ssub.s32 s11, s26;
	s13 =	sadd.s32 s28, s3  }
0xf: {  	s9 =	sor.u32 s31, s30;
	s8 =	sshrl.u32 s8, $0x3;
	s11 =	smax.u32 s11, $0x1  }
0x10: {  	s12 =	sadd.s32 s8, s7;
	s7 =	sadd.s32 $0x23400, s10;
	s8 =	sor.u32 $0x1C03, s29  }
0x11: {  	s10 =	sadd.s32 $0x4B400, s12;
	s12 =	sshrl.u32 s13, $0x3;
	s13 =	simm.s32 $0x3  }
.LBB2_1:
0x12: {  	[spmem:s12], [sflag:s8] =	dma.local [hbm:s7], $0x2800  }
0x13: {  	_ =	swait.ge [sflag:s13], $0x2800  }
0x14: {  	[sflag:s13] =	ssyncset.done $0x0  }
0x15: {  	[sflag:s13] =	ssyncadd.s32 $0xFFFFD800  }
0x16: {  	s22 =	simm.s32 $0x0;
	[bflag:$0x0] =	sbarrier.arrive $0xFFFF  }
.LBB2_2:
0x17: {  	s23 =	sshll.u32 s22, $0xC  }
0x18: {  	s23 =	sadd.s32 s23, s9  }
0x19: {  	s23 =	sshrl.u32 s23, $0x3  }
0x1a: {  	s25 =	simm.s32 $0x0;
	s24 =	sadd.s32 s5, s23  }
0x1b: {  	[tilespmem:s25], [sflag:$0x3] =	stream.linear.gather [hbm4b:s24+s25], $0x1000, $0x38;
	[tilespmem:$0x1E000] =	vst v63  }
0x1c: {  	_ =	swait.ge [sflag:s13], $0x1000  }
0x1d: {  	[sflag:s13] =	ssyncset.done $0x0  }
0x1e: {  	s23 =	sadd.s32 s6, s23;
	[sflag:s13] =	ssyncadd.s32 $0xFFFFF000  }
0x1f: {  	[tilespmem:s14], [sflag:$0x3] =	stream.linear.gather [hbm4b:s23+s25], $0x1000, $0x38;
	[tilespmem:$0x1E000] =	vst v63  }
0x20: {  	_ =	swait.ge [sflag:s13], $0x1000  }
0x21: {  	[sflag:s13] =	ssyncset.done $0x0  }
0x22: {  	[sflag:s13] =	ssyncadd.s32 $0xFFFFF000  }
0x23: {  	[tilespmem:s16], [sflag:$0x1] =	stream.indirect.gather [hbm4b:s2+s15], $0x80, s25, s15, $0xb8;
	[tilespmem:$0x1E000] =	vst v63  }
0x24: {  	_ = 	snop  }
0x25: {  	[tilespmem:s17], [sflag:$0x2] =	stream.indirect.gather [hbm4b:s2+s15], $0x80, s15, s15, $0xb8;
	[tilespmem:$0x1E000] =	vst v63  }
0x26: {  	_ =	swait.ge [sflag:s18], $0x4000  }
0x27: {  	[sflag:s18] =	ssyncset.done $0x0  }
0x28: {  	s29 =	simm.s32 $0x1000;
	[sflag:s18] =	ssyncadd.s32 $0xFFFFC000  }
0x29: {  	[spmem:s3] =	stream.indirect.scatter.add.f32 [tilespmem:s16], [sflag:$0x3], $0x80, s29, s15, $0xb8;
	[tilespmem:$0x1E000] =	vst v63  }
0x2a: {  	_ =	swait.ge [sflag:s13], $0x4000  }
0x2b: {  	[sflag:s13] =	ssyncset.done $0x0  }
0x2c: {  	s30 =	simm.s32 $0x100;
	[sflag:s13] =	ssyncadd.s32 $0xFFFFC000  }
0x2d: {  	[tilespmem:s16], [sflag:$0x1] =	stream.indirect.gather [hbm4b:s2+s15], $0x80, s30, s15, $0xb8;
	[tilespmem:$0x1E000] =	vst v63  }
0x2e: {  	_ =	swait.ge [sflag:s19], $0x4000  }
0x2f: {  	[sflag:s19] =	ssyncset.done $0x0  }
0x30: {  	s31 =	simm.s32 $0x1080;
	[sflag:s19] =	ssyncadd.s32 $0xFFFFC000  }
0x31: {  	[spmem:s3] =	stream.indirect.scatter.add.f32 [tilespmem:s17], [sflag:$0x3], $0x80, s31, s15, $0xb8;
	[tilespmem:$0x1E000] =	vst v63  }
0x32: {  	_ =	swait.ge [sflag:s13], $0x4000  }
0x33: {  	[sflag:s13] =	ssyncset.done $0x0  }
0x34: {  	s24 =	simm.s32 $0x180;
	s23 =	simm.s32 $0x400;
	[sflag:s13] =	ssyncadd.s32 $0xFFFFC000  }
.LBB2_3:
0x35: {  	[tilespmem:s17], [sflag:$0x2] =	stream.indirect.gather [hbm4b:s2+s15], $0x80, s24, s15, $0xb8;
	[tilespmem:$0x1E000] =	vst v63  }
0x36: {  	s24 =	smov.u32 s23  }
0x37: {  	p1 =	sne.s32 s23, $0x3800;
	s23 =	sadd.s32 $0x400, s23;
	_ =	swait.ge [sflag:s18], $0x4000  }
0x38: {  	s24 =	sshra.s32 s24, $0x2;
	[sflag:s18] =	ssyncset.done $0x0  }
0x39: {  	s25 =	sadd.s32 $0x1000, s24;
	[sflag:s18] =	ssyncadd.s32 $0xFFFFC000  }
0x3a: {  	[spmem:s3] =	stream.indirect.scatter.add.f32 [tilespmem:s16], [sflag:$0x3], $0x80, s25, s15, $0xb8;
	[tilespmem:$0x1E000] =	vst v63  }
0x3b: {  	_ =	swait.ge [sflag:s13], $0x4000  }
0x3c: {  	[sflag:s13] =	ssyncset.done $0x0  }
0x3d: {  	s25 =	sadd.s32 $0x100, s24;
	[sflag:s13] =	ssyncadd.s32 $0xFFFFC000  }
0x3e: {  	[tilespmem:s16], [sflag:$0x1] =	stream.indirect.gather [hbm4b:s2+s15], $0x80, s25, s15, $0xb8;
	[tilespmem:$0x1E000] =	vst v63  }
0x3f: {  	_ =	swait.ge [sflag:s19], $0x4000  }
0x40: {  	[sflag:s19] =	ssyncset.done $0x0  }
.Ltmp0:
0x41: {  	s25 =	sadd.s32 $0x1080, s24;
	[sflag:s19] =	ssyncadd.s32 $0xFFFFC000;
	(pc) =	sbr.rel @p1 .LBB2_3-.Ltmp0, $4  }
0x42: {  	[spmem:s3] =	stream.indirect.scatter.add.f32 [tilespmem:s17], [sflag:$0x3], $0x80, s25, s15, $0xb8;
	[tilespmem:$0x1E000] =	vst v63  }
0x43: {  	_ =	swait.ge [sflag:s13], $0x4000  }
0x44: {  	[sflag:s13] =	ssyncset.done $0x0  }
0x45: {  	s24 =	sadd.s32 $0x180, s24;
	[sflag:s13] =	ssyncadd.s32 $0xFFFFC000  }
0x46: {  	[tilespmem:s17], [sflag:$0x2] =	stream.indirect.gather [hbm4b:s2+s15], $0x80, s24, s15, $0xb8;
	[tilespmem:$0x1E000] =	vst v63  }
0x47: {  	_ =	swait.ge [sflag:s18], $0x4000  }
0x48: {  	[sflag:s18] =	ssyncset.done $0x0  }
0x49: {  	[sflag:s18] =	ssyncadd.s32 $0xFFFFC000  }
0x4a: {  	[spmem:s3] =	stream.indirect.scatter.add.f32 [tilespmem:s16], [sflag:$0x3], $0x80, s20, s15, $0xb8;
	[tilespmem:$0x1E000] =	vst v63  }
0x4b: {  	_ =	swait.ge [sflag:s13], $0x4000  }
0x4c: {  	[sflag:s13] =	ssyncset.done $0x0  }
0x4d: {  	[sflag:s13] =	ssyncadd.s32 $0xFFFFC000  }
0x4e: {  	p1 =	slt.u32 @!p0 s22, $0x3;
	_ =	swait.ge [sflag:s19], $0x4000  }
0x4f: {  	p1 =	por p0, !p1;
	[sflag:s19] =	ssyncset.done $0x0  }
.Ltmp1:
0x50: {  	[sflag:s19] =	ssyncadd.s32 $0xFFFFC000;
	(pc) =	sbr.rel @!p1 .LBB2_2-.Ltmp1, $4  }
0x51: {  	[spmem:s3] =	stream.indirect.scatter.add.f32 [tilespmem:s17], [sflag:$0x3], $0x80, s21, s15, $0xb8;
	[tilespmem:$0x1E000] =	vst v63  }
0x52: {  	_ =	swait.ge [sflag:s13], $0x4000  }
0x53: {  	[sflag:s13] =	ssyncset.done $0x0  }
0x54: {  	s22 =	sadd.s32 $0x1, s22;
	[sflag:s13] =	ssyncadd.s32 $0xFFFFC000  }
0x55: {  	s4 =	sadd.s32 $0x1, s4  }
0x56: {  	p1 =	sne.s32 s4, s11  }
.Ltmp2:
0x57: {  	[bflag:$0x0] =	sbarrier.arrive $0xFFFF;
	(pc) =	sbr.rel @p1 .LBB2_1-.Ltmp2, $4  }
0x58: {  	[hbm:s10], [sflag:s8] =	dma.local [spmem:s12], $0x2800  }
0x59: {  	_ =	swait.ge [sflag:s13], $0x2800  }
0x5a: {  	[sflag:s13] =	ssyncset.done $0x0  }
0x5b: {  	[sflag:s13] =	ssyncadd.s32 $0xFFFFD800  }
0x5c: {  	_ =	sfence.sel $0x180000  }
0x5d: {  	[bflag:$0x0] =	sbarrier.arrive $0xFFFF  }
0x5e: {  	p0 =	sne.s32 s1, $0x0;
	_ =	strace $0x9000004A  }
0x5f: {  	s0 =	sadd.s32 @!p0 $0x100000, s0;
	[bflag:$0x2] =	sbarrier.arrive $0xFFFF  }
0x60: {  	[sflag:s0] =	ssyncadd.tile.s32 @!p0 $0x1;
	_ =	shalt  }
.Lfunc_end2:
_tile_overlayer_lowered:
.L_overlay_start_2:
0x61: {  	(tag) =	ssettag $0x2  }
0x62: {  	s0 =	rddreg [dreg:$0x0];
	s2 =	stileid.u32  }
0x63: {  	s1 =	rddreg [dreg:$0x1];
	p0 =	sne.s32 s2, $0x0  }
0x64: {  	s3 =	rddreg [dreg:$0x2];
	[bflag:$0x3] =	sbarrier.arrive $0xFFFF;
	s2 =	simm.s32 @!p0 $0x1C03  }
0x65: {  	[timem:s3], [sflag:s2] =	dma.local @!p0 [hbm:s0], s1  }
0x66: {  	s0 =	simm.s32 @!p0 $0x3  }
0x67: {  	_ =	swait.ge @!p0 [sflag:s0], s1  }
0x68: {  	s1 =	ssub.s32 @!p0 $0x0, s1;
	[sflag:s0] =	ssyncset.done @!p0 $0x0  }
0x69: {  	[sflag:s0] =	ssyncadd.s32 @!p0 s1  }
0x6a: {  	[bflag:$0x3] =	sbarrier.arrive $0xFFFF  }
0x6b: {  	_ =	shalt  }

</sc_bundles>
